<compile_context>
chip_gen: v7x
topology: tpu7x:2x2x1
jax: 0.10.2.dev20260603
libtpu: 0.0.44.dev20260713+nightly
codegen_flags: <defaults>
</compile_context>

<pallas_src>
import functools

import jax
import jax.numpy as jnp
from jax.experimental import pallas as pl
from jax.experimental.pallas import tpu as pltpu
from jax.experimental.pallas import tpu_sc as plsc

_N_CENTER = 512
_N_NEAR = 32
_B = 8
_N = 2048
_SBLK = 16
_NSB = _N_CENTER // _SBLK
_BR = 4096
_ROWS = _B * _N_CENTER * _N_NEAR
_CROWS = _B * _N_CENTER
_F_CH = 76
_IN_CH = 82
_EPS = 1e-5


def _dot(a, b):
    return jax.lax.dot_general(a, b, (((1,), (0,)), ((), ())),
                               preferred_element_type=jnp.float32)


def _dotb(a, b):
    return jax.lax.dot_general(a.astype(jnp.bfloat16), b.astype(jnp.bfloat16),
                               (((1,), (0,)), ((), ())),
                               preferred_element_type=jnp.float32)


def _dot_t(a, b):
    return jax.lax.dot_general(a, b, (((1,), (1,)), ((), ())),
                               preferred_element_type=jnp.float32)


def _fps_body(xs_ref, ys_ref, zs_ref, f0_ref, out_ref):
    xs = xs_ref[...]
    ys = ys_ref[...]
    zs = zs_ref[...]
    col = jax.lax.broadcasted_iota(jnp.int32, (_B, _N), 1)
    lane_c = jax.lax.broadcasted_iota(jnp.int32, (_B, _N_CENTER), 1)

    def step(t, carry):
        dist, far, cents = carry
        cents = jnp.where(lane_c == t, far, cents)
        sel = col == far
        cx = jnp.sum(jnp.where(sel, xs, 0.0), axis=1, keepdims=True)
        cy = jnp.sum(jnp.where(sel, ys, 0.0), axis=1, keepdims=True)
        cz = jnp.sum(jnp.where(sel, zs, 0.0), axis=1, keepdims=True)
        dx = xs - cx
        dy = ys - cy
        dz = zs - cz
        d = (dx * dx + dy * dy) + dz * dz
        dist = jnp.minimum(dist, d)
        m = jnp.max(dist, axis=1, keepdims=True)
        far = jnp.min(jnp.where(dist == m, col, _N), axis=1, keepdims=True)
        return dist, far, cents

    dist0 = jnp.full((_B, _N), 1e10, jnp.float32)
    far0 = f0_ref[...]
    cents0 = jnp.zeros((_B, _N_CENTER), jnp.int32)

    def step4(q, carry):
        t0 = q * 4
        for u in range(4):
            carry = step(t0 + u, carry)
        return carry

    _, _, cents = jax.lax.fori_loop(0, _N_CENTER // 4, step4,
                                    (dist0, far0, cents0))
    out_ref[...] = cents


def _run_fps(xs, ys, zs, f0):
    return pl.pallas_call(
        _fps_body,
        out_shape=jax.ShapeDtypeStruct((_B, _N_CENTER), jnp.int32),
    )(xs, ys, zs, f0)


def _knn_body(p_ref, xs_ref, ys_ref, zs_ref, fps_ref, out_ref):
    p = p_ref[0]
    xs = xs_ref[0]
    ys = ys_ref[0]
    zs = zs_ref[0]
    fpsc = fps_ref[0]

    colc = jax.lax.broadcasted_iota(jnp.int32, (_N_CENTER, _N), 1)
    oh = (colc == fpsc).astype(jnp.float32)
    px = p[:, 0:1]
    py = p[:, 1:2]
    pz = p[:, 2:3]
    sqf = (px * px + py * py) + pz * pz
    aug = jnp.concatenate([p, sqf], axis=1)
    cg = _dot(oh, aug)
    c = cg[:, 0:3]
    sqc = cg[:, 3:4]
    sq_row = (xs * xs + ys * ys) + zs * zs
    dots = _dot_t(c, p)
    d = (sqc + sq_row) - 2.0 * dots

    lane_k = jax.lax.broadcasted_iota(jnp.int32, (_N_CENTER, _N_NEAR), 1)

    def step(k, carry):
        d_cur, acc = carry
        m = jnp.min(d_cur, axis=1, keepdims=True)
        j = jnp.min(jnp.where(d_cur == m, colc, _N), axis=1, keepdims=True)
        acc = jnp.where(lane_k == k, j, acc)
        d_cur = jnp.where(colc == j, jnp.inf, d_cur)
        return d_cur, acc

    acc0 = jnp.zeros((_N_CENTER, _N_NEAR), jnp.int32)
    carry = (d, acc0)
    for k in range(_N_NEAR):
        carry = step(k, carry)
    out_ref[0] = carry[1]


def _run_knn(xyz, xs, ys, zs, fps3):
    return pl.pallas_call(
        _knn_body,
        grid=(_B,),
        in_specs=[
            pl.BlockSpec((1, _N, 3), lambda b: (b, 0, 0)),
            pl.BlockSpec((1, 1, _N), lambda b: (b, 0, 0)),
            pl.BlockSpec((1, 1, _N), lambda b: (b, 0, 0)),
            pl.BlockSpec((1, 1, _N), lambda b: (b, 0, 0)),
            pl.BlockSpec((1, _N_CENTER, 1), lambda b: (b, 0, 0)),
        ],
        out_specs=pl.BlockSpec((1, _N_CENTER, _N_NEAR), lambda b: (b, 0, 0)),
        out_shape=jax.ShapeDtypeStruct((_B, _N_CENTER, _N_NEAR), jnp.int32),
    )(xyz, xs, ys, zs, fps3)


_GROWS = _ROWS + _CROWS
_NW = 32
_RPW = _GROWS // _NW
_GCH = 12
_CHUNK = _RPW // _GCH
_PCH = 128


def _run_sc_gather(table, gidx):
    mesh = plsc.VectorSubcoreMesh(core_axis_name="c", subcore_axis_name="s")

    @functools.partial(
        pl.kernel, mesh=mesh,
        out_type=jax.ShapeDtypeStruct((_GROWS, _PCH), jnp.float32),
        scratch_types=[
            pltpu.VMEM((_RPW,), jnp.int32),
            pltpu.VMEM((_CHUNK, _PCH), jnp.float32),
            pltpu.VMEM((_CHUNK, _PCH), jnp.float32),
            pltpu.SemaphoreType.DMA,
            pltpu.SemaphoreType.DMA,
        ],
    )
    def k(table_hbm, idx_hbm, out_hbm, idx_v, buf0, buf1, sem0, sem1):
        wid = jax.lax.axis_index("s") * 2 + jax.lax.axis_index("c")
        base = wid * _RPW
        pltpu.sync_copy(idx_hbm.at[pl.ds(base, _RPW)], idx_v)
        bufs = (buf0, buf1)
        sems = (sem0, sem1)
        cps = [None, None]
        cps[0] = pltpu.async_copy(
            table_hbm.at[idx_v.at[pl.ds(0, _CHUNK)]], bufs[0], sems[0])
        for i in range(_GCH):
            cps[i % 2].wait()
            if i + 1 < _GCH:
                cps[(i + 1) % 2] = pltpu.async_copy(
                    table_hbm.at[idx_v.at[pl.ds((i + 1) * _CHUNK, _CHUNK)]],
                    bufs[(i + 1) % 2], sems[(i + 1) % 2])
            pltpu.sync_copy(bufs[i % 2],
                            out_hbm.at[pl.ds(base + i * _CHUNK, _CHUNK)])

    return k(table, gidx)


def _l1_body(xg_ref, cg_ref, w_ref, b_ref, o_ref, s1_ref, s2_ref):
    xg = xg_ref[0, 0]
    cg = cg_ref[0, 0]

    cb = jnp.broadcast_to(cg.reshape(_SBLK, 1, _PCH),
                          (_SBLK, _N_NEAR, _PCH)).reshape(
                              _SBLK * _N_NEAR, _PCH)
    x0 = jnp.concatenate([
        xg[:, 0:3] - cb[:, 0:3],
        xg[:, 3:6] - cb[:, 3:6],
        xg[:, 6:8], cb[:, 6:8],
        xg[:, 8:12], cb[:, 8:12],
        xg[:, 12:76],
    ], axis=1)
    p = _dotb(x0, w_ref[...]) + b_ref[...]
    o_ref[0, 0] = p.astype(jnp.bfloat16)
    s1_ref[0, 0] = jnp.sum(p, axis=0, keepdims=True)
    s2_ref[0, 0] = jnp.sum(p * p, axis=0, keepdims=True)


def _run_l1(xg4, cg4, w, b2):
    cout = w.shape[1]
    outs = pl.pallas_call(
        _l1_body,
        grid=(_B, _NSB),
        in_specs=[
            pl.BlockSpec((1, 1, _SBLK * _N_NEAR, _PCH),
                         lambda b, s: (b, s, 0, 0)),
            pl.BlockSpec((1, 1, _SBLK, _PCH), lambda b, s: (b, s, 0, 0)),
            pl.BlockSpec((_IN_CH, cout), lambda b, s: (0, 0)),
            pl.BlockSpec((1, cout), lambda b, s: (0, 0)),
        ],
        out_specs=[
            pl.BlockSpec((1, 1, _SBLK * _N_NEAR, cout),
                         lambda b, s: (b, s, 0, 0)),
            pl.BlockSpec((1, 1, 1, cout), lambda b, s: (b, s, 0, 0)),
            pl.BlockSpec((1, 1, 1, cout), lambda b, s: (b, s, 0, 0)),
        ],
        out_shape=[
            jax.ShapeDtypeStruct((_B, _NSB, _SBLK * _N_NEAR, cout),
                                 jnp.bfloat16),
            jax.ShapeDtypeStruct((_B, _NSB, 1, cout), jnp.float32),
            jax.ShapeDtypeStruct((_B, _NSB, 1, cout), jnp.float32),
        ],
    )(xg4, cg4, w, b2)
    p, s1, s2 = outs
    p = p.reshape(_ROWS, cout)
    mean = jnp.sum(s1, axis=(0, 1, 2)) / _ROWS
    var = jnp.sum(s2, axis=(0, 1, 2)) / _ROWS - mean * mean
    return p, mean, var


def _mm_body(aff, relu, stats, x_ref, a_ref, c_ref, w_ref, b_ref,
             o_ref, s1_ref, s2_ref):
    h = x_ref[...].astype(jnp.float32)
    if aff:
        h = h * a_ref[...] + c_ref[...]
    if relu:
        h = jnp.maximum(h, 0.0)
    p = _dotb(h, w_ref[...]) + b_ref[...]
    o_ref[...] = p.astype(jnp.bfloat16)
    if stats:
        s1_ref[0] = jnp.sum(p, axis=0, keepdims=True)
        s2_ref[0] = jnp.sum(p * p, axis=0, keepdims=True)


def _run_mm(x, w, b2, a2=None, c2=None, relu=False, stats=True):
    rows, cin = x.shape
    cout = w.shape[1]
    g = rows // _BR
    aff = a2 is not None
    if not aff:
        a2 = jnp.zeros((1, cin), jnp.float32)
        c2 = jnp.zeros((1, cin), jnp.float32)
    body = functools.partial(_mm_body, aff, relu, stats)
    outs = pl.pallas_call(
        body,
        grid=(g,),
        in_specs=[
            pl.BlockSpec((_BR, cin), lambda i: (i, 0)),
            pl.BlockSpec((1, cin), lambda i: (0, 0)),
            pl.BlockSpec((1, cin), lambda i: (0, 0)),
            pl.BlockSpec((cin, cout), lambda i: (0, 0)),
            pl.BlockSpec((1, cout), lambda i: (0, 0)),
        ],
        out_specs=[
            pl.BlockSpec((_BR, cout), lambda i: (i, 0)),
            pl.BlockSpec((1, 1, cout), lambda i: (i, 0, 0)),
            pl.BlockSpec((1, 1, cout), lambda i: (i, 0, 0)),
        ],
        out_shape=[
            jax.ShapeDtypeStruct((rows, cout), jnp.bfloat16),
            jax.ShapeDtypeStruct((g, 1, cout), jnp.float32),
            jax.ShapeDtypeStruct((g, 1, cout), jnp.float32),
        ],
    )(x, a2, c2, w, b2)
    p, s1, s2 = outs
    if not stats:
        return p, None, None
    mean = jnp.sum(s1, axis=(0, 1)) / rows
    var = jnp.sum(s2, axis=(0, 1)) / rows - mean * mean
    return p, mean, var


def _mm2_body(x_ref, a_ref, c_ref, w1_ref, b1_ref, w2_ref, b2_ref,
              o1_ref, o2_ref, s11_ref, s12_ref, s21_ref, s22_ref):
    h = jnp.maximum(x_ref[...].astype(jnp.float32) * a_ref[...] +
                    c_ref[...], 0.0)
    p1 = _dotb(h, w1_ref[...]) + b1_ref[...]
    p2 = _dotb(h, w2_ref[...]) + b2_ref[...]
    o1_ref[...] = p1.astype(jnp.bfloat16)
    o2_ref[...] = p2.astype(jnp.bfloat16)
    s11_ref[0] = jnp.sum(p1, axis=0, keepdims=True)
    s12_ref[0] = jnp.sum(p1 * p1, axis=0, keepdims=True)
    s21_ref[0] = jnp.sum(p2, axis=0, keepdims=True)
    s22_ref[0] = jnp.sum(p2 * p2, axis=0, keepdims=True)


def _run_mm2(x, a2, c2, w1, b1, w2, b2):
    rows, cin = x.shape
    cout = w1.shape[1]
    g = rows // _BR
    bcast = lambda i: (0, 0)
    outs = pl.pallas_call(
        _mm2_body,
        grid=(g,),
        in_specs=[
            pl.BlockSpec((_BR, cin), lambda i: (i, 0)),
            pl.BlockSpec((1, cin), bcast),
            pl.BlockSpec((1, cin), bcast),
            pl.BlockSpec((cin, cout), bcast),
            pl.BlockSpec((1, cout), bcast),
            pl.BlockSpec((cin, cout), bcast),
            pl.BlockSpec((1, cout), bcast),
        ],
        out_specs=[
            pl.BlockSpec((_BR, cout), lambda i: (i, 0)),
            pl.BlockSpec((_BR, cout), lambda i: (i, 0)),
            pl.BlockSpec((1, 1, cout), lambda i: (i, 0, 0)),
            pl.BlockSpec((1, 1, cout), lambda i: (i, 0, 0)),
            pl.BlockSpec((1, 1, cout), lambda i: (i, 0, 0)),
            pl.BlockSpec((1, 1, cout), lambda i: (i, 0, 0)),
        ],
        out_shape=[
            jax.ShapeDtypeStruct((rows, cout), jnp.bfloat16),
            jax.ShapeDtypeStruct((rows, cout), jnp.bfloat16),
            jax.ShapeDtypeStruct((g, 1, cout), jnp.float32),
            jax.ShapeDtypeStruct((g, 1, cout), jnp.float32),
            jax.ShapeDtypeStruct((g, 1, cout), jnp.float32),
            jax.ShapeDtypeStruct((g, 1, cout), jnp.float32),
        ],
    )(x, a2, c2, w1, b1, w2, b2)
    p1, p2, s11, s12, s21, s22 = outs
    m1 = jnp.sum(s11, axis=(0, 1)) / rows
    v1 = jnp.sum(s12, axis=(0, 1)) / rows - m1 * m1
    m2 = jnp.sum(s21, axis=(0, 1)) / rows
    v2 = jnp.sum(s22, axis=(0, 1)) / rows - m2 * m2
    return p1, m1, v1, p2, m2, v2


def _pag_body(pp_ref, ap_ref, cp_ref, wp2_ref, bp2_ref,
              pa_ref, aa_ref, ca_ref, wa2_ref, ba2_ref,
              fai_ref, wg1_ref, bg1_ref,
              al_ref, pg_ref, s1_ref, s2_ref):
    hp = jnp.maximum(pp_ref[...].astype(jnp.float32) * ap_ref[...] +
                     cp_ref[...], 0.0)
    psi2 = _dotb(hp, wp2_ref[...]) + bp2_ref[...]
    ha = jnp.maximum(pa_ref[...].astype(jnp.float32) * aa_ref[...] +
                     ca_ref[...], 0.0)
    al_ref[...] = (_dotb(ha, wa2_ref[...]) + ba2_ref[...]).astype(jnp.bfloat16)
    gc = _BR // _N_NEAR
    gin = (fai_ref[...].reshape(gc, 1, 256) -
           psi2.reshape(gc, _N_NEAR, 256)).reshape(_BR, 256)
    pg = _dotb(gin, wg1_ref[...]) + bg1_ref[...]
    pg_ref[...] = pg.astype(jnp.bfloat16)
    s1_ref[0] = jnp.sum(pg, axis=0, keepdims=True)
    s2_ref[0] = jnp.sum(pg * pg, axis=0, keepdims=True)


def _run_pag(pp1, ap, cp, wp2, bp2, pa1, aa, ca, wa2, ba2, fai2, wg1, bg1):
    g = _ROWS // _BR
    gc = _BR // _N_NEAR
    bcast2 = lambda i: (0, 0)
    outs = pl.pallas_call(
        _pag_body,
        grid=(g,),
        in_specs=[
            pl.BlockSpec((_BR, 264), lambda i: (i, 0)),
            pl.BlockSpec((1, 264), bcast2),
            pl.BlockSpec((1, 264), bcast2),
            pl.BlockSpec((264, 256), bcast2),
            pl.BlockSpec((1, 256), bcast2),
            pl.BlockSpec((_BR, 264), lambda i: (i, 0)),
            pl.BlockSpec((1, 264), bcast2),
            pl.BlockSpec((1, 264), bcast2),
            pl.BlockSpec((264, 256), bcast2),
            pl.BlockSpec((1, 256), bcast2),
            pl.BlockSpec((gc, 256), lambda i: (i, 0)),
            pl.BlockSpec((256, 264), bcast2),
            pl.BlockSpec((1, 264), bcast2),
        ],
        out_specs=[
            pl.BlockSpec((_BR, 256), lambda i: (i, 0)),
            pl.BlockSpec((_BR, 264), lambda i: (i, 0)),
            pl.BlockSpec((1, 1, 264), lambda i: (i, 0, 0)),
            pl.BlockSpec((1, 1, 264), lambda i: (i, 0, 0)),
        ],
        out_shape=[
            jax.ShapeDtypeStruct((_ROWS, 256), jnp.bfloat16),
            jax.ShapeDtypeStruct((_ROWS, 264), jnp.bfloat16),
            jax.ShapeDtypeStruct((g, 1, 264), jnp.float32),
            jax.ShapeDtypeStruct((g, 1, 264), jnp.float32),
        ],
    )(pp1, ap, cp, wp2, bp2, pa1, aa, ca, wa2, ba2, fai2, wg1, bg1)
    alpha2, pg1, s1, s2 = outs
    mean = jnp.sum(s1, axis=(0, 1)) / _ROWS
    var = jnp.sum(s2, axis=(0, 1)) / _ROWS - mean * mean
    return alpha2, pg1, mean, var


def _bn_affine(mean, var, g, be):
    a = g / jnp.sqrt(var + _EPS)
    c = be - mean * a
    return a.reshape(1, -1), c.reshape(1, -1)


def _cfa_body(cg_ref, w1_ref, b1_ref, g1_ref, e1_ref, w2_ref, b2_ref,
              g2_ref, e2_ref, w3_ref, b3_ref, g3_ref, e3_ref,
              wf1_ref, bf1_ref, gf1_ref, ef1_ref, wf2_ref, bf2_ref,
              out_ref):
    cg = cg_ref[...]
    x = jnp.concatenate([
        jnp.zeros((_CROWS, 6), jnp.float32),
        cg[:, 6:8], cg[:, 6:8],
        cg[:, 8:12], cg[:, 8:12],
        cg[:, 12:76],
    ], axis=1)

    def bnrelu(p, g, e):
        m = jnp.mean(p, axis=0, keepdims=True)
        v = jnp.mean((p - m) * (p - m), axis=0, keepdims=True)
        return jnp.maximum(g * (p - m) / jnp.sqrt(v + _EPS) + e, 0.0)

    x = bnrelu(_dotb(x, w1_ref[...]) + b1_ref[...], g1_ref[...], e1_ref[...])
    x = bnrelu(_dotb(x, w2_ref[...]) + b2_ref[...], g2_ref[...], e2_ref[...])
    x = bnrelu(_dotb(x, w3_ref[...]) + b3_ref[...], g3_ref[...], e3_ref[...])
    x = bnrelu(_dotb(x, wf1_ref[...]) + bf1_ref[...], gf1_ref[...],
               ef1_ref[...])
    out_ref[...] = _dotb(x, wf2_ref[...]) + bf2_ref[...]


def _run_cfa(cg_all, args):
    return pl.pallas_call(
        _cfa_body,
        out_shape=jax.ShapeDtypeStruct((_CROWS, 256), jnp.float32),
    )(cg_all, *args)


def _final_body(pg_ref, a_ref, c_ref, w_ref, b_ref, al_ref, y_ref):
    h = jnp.maximum(pg_ref[...].astype(jnp.float32) * a_ref[...] +
                    c_ref[...], 0.0)
    gam = _dotb(h, w_ref[...]) + b_ref[...]
    m = jnp.max(gam, axis=1, keepdims=True)
    e = jnp.exp(gam - m)
    s = jnp.sum(e, axis=1, keepdims=True)
    contrib = (e / s) * al_ref[...].astype(jnp.float32) * (256.0 / _N_NEAR)
    gc = _BR // _N_NEAR
    y_ref[...] = jnp.sum(contrib.reshape(gc, _N_NEAR, 256), axis=1)


def _run_final(pg1, ag, cg, w, b2, alpha2):
    g = _ROWS // _BR
    gc = _BR // _N_NEAR
    return pl.pallas_call(
        _final_body,
        grid=(g,),
        in_specs=[
            pl.BlockSpec((_BR, 264), lambda i: (i, 0)),
            pl.BlockSpec((1, 264), lambda i: (0, 0)),
            pl.BlockSpec((1, 264), lambda i: (0, 0)),
            pl.BlockSpec((264, 256), lambda i: (0, 0)),
            pl.BlockSpec((1, 256), lambda i: (0, 0)),
            pl.BlockSpec((_BR, 256), lambda i: (i, 0)),
        ],
        out_specs=pl.BlockSpec((gc, 256), lambda i: (i, 0)),
        out_shape=jax.ShapeDtypeStruct((_CROWS, 256), jnp.float32),
    )(pg1, ag, cg, w, b2, alpha2)


@jax.jit
def kernel(xyz, eula_angle, edge_nearby, meta_type, fea, params):
    xs = xyz[:, :, 0]
    ys = xyz[:, :, 1]
    zs = xyz[:, :, 2]
    f0 = jax.random.randint(jax.random.key(42), (_B,), 0, _N,
                            dtype=jnp.int32).reshape(_B, 1)

    fps_idx = _run_fps(xs, ys, zs, f0)
    fps3 = fps_idx.reshape(_B, _N_CENTER, 1)
    xs3 = xs.reshape(_B, 1, _N)
    ys3 = ys.reshape(_B, 1, _N)
    zs3 = zs.reshape(_B, 1, _N)
    idx = _run_knn(xyz, xs3, ys3, zs3, fps3)

    feat = jnp.concatenate([xyz, eula_angle, edge_nearby, meta_type, fea,
                            jnp.zeros((_B, _N, _PCH - _F_CH), jnp.float32)],
                           axis=2)
    boff = (jnp.arange(_B, dtype=jnp.int32) * _N).reshape(_B, 1, 1)
    gidx = jnp.concatenate([
        (idx + boff).reshape(-1),
        (fps_idx + boff[:, :, 0]).reshape(-1),
    ])
    gath = _run_sc_gather(feat.reshape(_B * _N, _PCH), gidx)
    xg4 = gath[:_ROWS].reshape(_B, _NSB, _SBLK * _N_NEAR, _PCH)
    cg_all = gath[_ROWS:]
    cg4 = cg_all.reshape(_B, _NSB, _SBLK, _PCH)
    cc = cg_all.reshape(_B, _N_CENTER, _PCH)

    mlp = params['mlp']
    att = params['att']
    wt = [jnp.transpose(layer['w']) for layer in mlp]
    bt = [layer['b'].reshape(1, -1) for layer in mlp]

    p1, m1, v1 = _run_l1(xg4, cg4, wt[0], bt[0])
    a1, c1 = _bn_affine(m1, v1, mlp[0]['g'], mlp[0]['be'])
    p2, m2, v2 = _run_mm(p1, wt[1], bt[1], a1, c1, relu=True)
    a2, c2 = _bn_affine(m2, v2, mlp[1]['g'], mlp[1]['be'])
    p3, m3, v3 = _run_mm(p2, wt[2], bt[2], a2, c2, relu=True)
    a3, c3 = _bn_affine(m3, v3, mlp[2]['g'], mlp[2]['be'])

    def att_w(name):
        p = att[name]
        return (jnp.transpose(p['w1']), p['b1'].reshape(1, -1), p['g1'],
                p['be1'], jnp.transpose(p['w2']), p['b2'].reshape(1, -1))

    wp1, bp1, gp1, ep1, wp2, bp2 = att_w('psi')
    wa1, ba1, ga1, ea1, wa2, ba2 = att_w('alpha')
    wf1, bf1, gf1, ef1, wf2, bf2 = att_w('fai')
    wg1, bg1, gg1, eg1, wg2, bg2 = att_w('gamma')

    cfa_args = (wt[0], bt[0], mlp[0]['g'].reshape(1, -1),
                mlp[0]['be'].reshape(1, -1),
                wt[1], bt[1], mlp[1]['g'].reshape(1, -1),
                mlp[1]['be'].reshape(1, -1),
                wt[2], bt[2], mlp[2]['g'].reshape(1, -1),
                mlp[2]['be'].reshape(1, -1),
                wf1, bf1, gf1.reshape(1, -1), ef1.reshape(1, -1),
                wf2, bf2)
    fai2 = _run_cfa(cg_all, cfa_args)

    pp1, mp1, vp1, pa1, ma1, va1 = _run_mm2(p3, a3, c3, wp1, bp1, wa1, ba1)
    ap1, cp1 = _bn_affine(mp1, vp1, gp1, ep1)
    aa1, ca1 = _bn_affine(ma1, va1, ga1, ea1)

    alpha2, pg1, mg1, vg1 = _run_pag(pp1, ap1, cp1, wp2, bp2,
                                     pa1, aa1, ca1, wa2, ba2,
                                     fai2, wg1, bg1)
    ag1, cg1 = _bn_affine(mg1, vg1, gg1, eg1)

    y = _run_final(pg1, ag1, cg1, wg2, bg2, alpha2)
    y = y.reshape(_B, _N_CENTER, 256)

    center_xyz = cc[:, :, 0:3]
    center_eula = cc[:, :, 3:6]
    center_near = cc[:, :, 6:8]
    center_meta = cc[:, :, 8:12]
    center_fea = cc[:, :, 12:76]
    new_fea_out = jnp.concatenate([center_fea, y], axis=2)
    return center_xyz, center_eula, center_near, center_meta, new_fea_out

# --- scband reference (transcript-rebuilt; emitter-appended) ---
"""Pipeline reference for scband-set-abstraction-12214886990744 (READ-ONLY COPY).

The authoritative reference and input builder live on the scoring server;
editing this copy changes nothing except your own understanding.
"""

import jax, jax.numpy as jnp
import numpy as np

N_CENTER = 512
N_NEAR = 32
IN_CH = 82
MLP = [128, 128, 256]


def _index_points(points, idx):
    B = points.shape[0]
    batch = jnp.arange(B).reshape((B,) + (1,) * (idx.ndim - 1))
    return points[batch, idx]


def _knn_idx(xyz, k):
    xyz = jax.lax.stop_gradient(xyz)
    sq = jnp.sum(xyz ** 2, axis=-1)
    d = sq[:, :, None] + sq[:, None, :] - 2.0 * jnp.einsum('bnd,bmd->bnm', xyz, xyz)
    _, idx = jax.lax.top_k(-d, k)
    return idx


def _fps(xyz, n_samples):
    xyz = jax.lax.stop_gradient(xyz)
    B, N, _ = xyz.shape
    farthest = jax.random.randint(jax.random.key(42), (B,), 0, N)
    distance = jnp.full((B, N), 1e10, dtype=xyz.dtype)
    batch_idx = jnp.arange(B)
    cents = []
    for _ in range(n_samples):
        cents.append(farthest)
        centroid = xyz[batch_idx, farthest][:, None, :]
        dist = jnp.sum((xyz - centroid) ** 2, axis=-1)
        distance = jnp.minimum(distance, dist)
        farthest = jnp.argmax(distance, axis=-1)
    return jnp.stack(cents, axis=1)


def _conv1x1(x, w, b):
    return jnp.einsum('bchw,oc->bohw', x, w) + b[None, :, None, None]


def _bn2d(x, g, be):
    m = jnp.mean(x, axis=(0, 2, 3), keepdims=True)
    v = jnp.var(x, axis=(0, 2, 3), keepdims=True)
    return g[None, :, None, None] * (x - m) / jnp.sqrt(v + 1e-5) + be[None, :, None, None]


def _mlp2(x, p):
    x = jax.nn.relu(_bn2d(_conv1x1(x, p['w1'], p['b1']), p['g1'], p['be1']))
    x = _conv1x1(x, p['w2'], p['b2'])
    return x


def _attention(x_i, x_j, p):
    channel = x_j.shape[1]
    n_near = x_j.shape[2]
    fai = _mlp2(x_i, p['fai'])
    psi = _mlp2(x_j, p['psi'])
    alpha = _mlp2(x_j, p['alpha'])
    gam = _mlp2(fai - psi, p['gamma'])
    y = channel * jax.nn.softmax(gam, axis=1) * alpha
    y = jnp.sum(y, axis=2) / n_near
    return jnp.transpose(y, (0, 2, 1))


def _init_params():
    rng = np.random.RandomState(0)

    def lin(cin, cout):
        return (jnp.asarray(rng.randn(cout, cin).astype(np.float32) * 0.05),
                jnp.zeros((cout,), jnp.float32))

    mlp = []
    last = IN_CH
    for out in MLP:
        w, b = lin(last, out)
        mlp.append({'w': w, 'b': b, 'g': jnp.ones((out,), jnp.float32),
                    'be': jnp.zeros((out,), jnp.float32)})
        last = out
    att = {}
    for name in ['fai', 'psi', 'alpha', 'gamma']:
        w1, b1 = lin(last, last + 8)
        w2, b2 = lin(last + 8, last)
        att[name] = {'w1': w1, 'b1': b1,
                     'g1': jnp.ones((last + 8,), jnp.float32),
                     'be1': jnp.zeros((last + 8,), jnp.float32),
                     'w2': w2, 'b2': b2}
    return {'mlp': mlp, 'att': att}


def setup_inputs(seed: int = 0):
    key = jax.random.key(seed)
    k = jax.random.split(key, 5)
    B, N = 8, 2048
    return {
        'xyz': jax.random.normal(k[0], (B, N, 3), jnp.float32),
        'eula_angle': jax.random.normal(k[1], (B, N, 3), jnp.float32),
        'edge_nearby': jax.random.uniform(k[2], (B, N, 2), jnp.float32),
        'meta_type': jax.random.uniform(k[3], (B, N, 4), jnp.float32),
        'fea': jax.random.normal(k[4], (B, N, 64), jnp.float32),
        'params': _init_params(),
    }


def _forward(xyz, eula_angle, edge_nearby, meta_type, fea, params):
    idx_all = _knn_idx(xyz, N_NEAR)
    fps_idx = _fps(xyz, N_CENTER)
    center_xyz = _index_points(xyz, fps_idx)
    center_eula = _index_points(eula_angle, fps_idx)
    center_near = _index_points(edge_nearby, fps_idx)
    center_meta = _index_points(meta_type, fps_idx)
    idx = _index_points(idx_all, fps_idx)
    g_xyz = _index_points(xyz, idx)
    g_eula = _index_points(eula_angle, idx)
    g_near = _index_points(edge_nearby, idx)
    g_meta = _index_points(meta_type, idx)
    g_xyz_rel = g_xyz - center_xyz[:, :, None, :]
    g_eula_rel = g_eula - center_eula[:, :, None, :]
    g_near_cat = jnp.concatenate([g_near, jnp.tile(center_near[:, :, None, :], (1, 1, N_NEAR, 1))], axis=-1)
    g_meta_cat = jnp.concatenate([g_meta, jnp.tile(center_meta[:, :, None, :], (1, 1, N_NEAR, 1))], axis=-1)
    g_fea = _index_points(fea, idx)
    g_fea = jnp.concatenate([g_xyz_rel, g_eula_rel, g_near_cat, g_meta_cat, g_fea], axis=-1)
    center_fea = _index_points(fea, fps_idx)
    new_fea = jnp.transpose(g_fea, (0, 3, 2, 1))
    cfa = jnp.concatenate([jnp.zeros_like(center_xyz), jnp.zeros_like(center_eula),
                           jnp.tile(center_near, (1, 1, 2)), jnp.tile(center_meta, (1, 1, 2)),
                           center_fea], axis=-1)
    cfa = jnp.transpose(cfa[:, :, None, :], (0, 3, 2, 1))
    for layer in params['mlp']:
        new_fea = jax.nn.relu(_bn2d(_conv1x1(new_fea, layer['w'], layer['b']), layer['g'], layer['be']))
        cfa = jax.nn.relu(_bn2d(_conv1x1(cfa, layer['w'], layer['b']), layer['g'], layer['be']))
    y = _attention(cfa, new_fea, params['att'])
    new_fea_out = jnp.concatenate([center_fea, y], axis=-1)
    return center_xyz, center_eula, center_near, center_meta, new_fea_out


def reference(xyz, eula_angle, edge_nearby, meta_type, fea, params):
    return _forward(xyz, eula_angle, edge_nearby, meta_type, fea, params)

if __name__ == "__main__":
    import jax
    _d = setup_inputs()
    print(jax.jit(kernel)(*tuple(_d.values())))

</pallas_src>

<mosaic_0001>
#map = affine_map<(d0, d1) -> (0, 0)>
#map1 = affine_map<(d0, d1) -> (0)>
module attributes {stable_mosaic.version = 14 : i64} {
  func.func @k(%arg0: i32, %arg1: i32, %arg2: memref<16384x128xf32, #tpu.memory_space<hbm>>, %arg3: memref<135168xi32, #tpu.memory_space<hbm>>, %arg4: memref<135168x128xf32, #tpu.memory_space<hbm>>, %arg5: memref<4224xi32, #tpu.memory_space<vmem>>, %arg6: memref<352x128xf32, #tpu.memory_space<vmem>>, %arg7: memref<352x128xf32, #tpu.memory_space<vmem>>, %arg8: memref<!tpu.dma_semaphore, #tpu.memory_space<semaphore_mem>>, %arg9: memref<!tpu.dma_semaphore, #tpu.memory_space<semaphore_mem>>) attributes {dimension_semantics = [#tpu.dimension_semantics<core_parallel>, #tpu.dimension_semantics<subcore_parallel>], iteration_bounds = array<i64: 2, 16>, scalar_prefetch = 0 : i64, scratch_operands = 5 : i64, tpu.core_type = #tpu.core_type<sc_vector_subcore>, window_params = [{transform_indices = #map}, {transform_indices = #map1}, {transform_indices = #map}]} {
    %mul3A = arith.constant 2 : i32
    %mul3A_0 = arith.muli %arg1, %mul3A : i32
    %add3A = arith.addi %mul3A_0, %arg0 : i32
    %mul3A_1 = arith.constant 4224 : i32
    %mul3A_2 = arith.muli %add3A, %mul3A_1 : i32
    "tpu.region"() ({
      %run_scoped3A = tpu.sem_alloc : memref<!tpu.dma_semaphore, #tpu.memory_space<semaphore_mem>>
      %dma_start3A_145 = tpu.memref_slice %arg3[%mul3A_2] : memref<135168xi32, #tpu.memory_space<hbm>> -> memref<4224xi32, #tpu.memory_space<hbm>>
      %dma_start3A_146 = tpu.memref_slice %arg3[%mul3A_2] : memref<135168xi32, #tpu.memory_space<hbm>> -> memref<4224xi32, #tpu.memory_space<hbm>>
      tpu.enqueue_dma source(%dma_start3A_146 : memref<4224xi32, #tpu.memory_space<hbm>>) target(%arg5 : memref<4224xi32, #tpu.memory_space<vmem>>) target_semaphore(%run_scoped3A : memref<!tpu.dma_semaphore, #tpu.memory_space<semaphore_mem>>)
      %dma_wait3A_147 = tpu.memref_slice %arg3[%mul3A_2] : memref<135168xi32, #tpu.memory_space<hbm>> -> memref<4224xi32, #tpu.memory_space<hbm>>
      %dma_wait3A_148 = tpu.memref_slice %arg3[%mul3A_2] : memref<135168xi32, #tpu.memory_space<hbm>> -> memref<4224xi32, #tpu.memory_space<hbm>>
      tpu.wait_dma2 semaphore(%run_scoped3A : memref<!tpu.dma_semaphore, #tpu.memory_space<semaphore_mem>>) src(%dma_wait3A_148 : memref<4224xi32, #tpu.memory_space<hbm>>) dst(%arg5 : memref<4224xi32, #tpu.memory_space<vmem>>)
      tpu.yield
    }) : () -> ()
    %dma_start3A = arith.constant 0 : i32
    %dma_start3A_3 = tpu.memref_slice %arg5[%dma_start3A] : memref<4224xi32, #tpu.memory_space<vmem>> -> memref<352xi32, #tpu.memory_space<vmem>>
    %dma_start3A_4 = arith.constant 0 : i32
    %dma_start3A_5 = arith.constant 0 : i32
    %dma_start3A_6 = tpu.memref_slice %arg2[%dma_start3A_4, %dma_start3A_5] : memref<16384x128xf32, #tpu.memory_space<hbm>> -> memref<16384x128xf32, #tpu.memory_space<hbm>>
    tpu.enqueue_indirect_dma source(%dma_start3A_6 : memref<16384x128xf32, #tpu.memory_space<hbm>>) target(%arg6 : memref<352x128xf32, #tpu.memory_space<vmem>>) offsets(%dma_start3A_3 : memref<352xi32, #tpu.memory_space<vmem>>) semaphore(%arg8 : memref<!tpu.dma_semaphore, #tpu.memory_space<semaphore_mem>>)
    %dma_wait3A = arith.constant 0 : i32
    %dma_wait3A_7 = tpu.memref_slice %arg5[%dma_wait3A] : memref<4224xi32, #tpu.memory_space<vmem>> -> memref<352xi32, #tpu.memory_space<vmem>>
    %dma_wait3A_8 = arith.constant 0 : i32
    %dma_wait3A_9 = arith.constant 0 : i32
    %dma_wait3A_10 = tpu.memref_slice %arg2[%dma_wait3A_8, %dma_wait3A_9] : memref<16384x128xf32, #tpu.memory_space<hbm>> -> memref<16384x128xf32, #tpu.memory_space<hbm>>
    tpu.wait_indirect_dma semaphore(%arg8 : memref<!tpu.dma_semaphore, #tpu.memory_space<semaphore_mem>>) src(%dma_wait3A_10 : memref<16384x128xf32, #tpu.memory_space<hbm>>) dst(%arg6 : memref<352x128xf32, #tpu.memory_space<vmem>>)
    %dma_start3A_11 = arith.constant 352 : i32
    %dma_start3A_12 = tpu.memref_slice %arg5[%dma_start3A_11] : memref<4224xi32, #tpu.memory_space<vmem>> -> memref<352xi32, #tpu.memory_space<vmem>>
    %dma_start3A_13 = arith.constant 0 : i32
    %dma_start3A_14 = arith.constant 0 : i32
    %dma_start3A_15 = tpu.memref_slice %arg2[%dma_start3A_13, %dma_start3A_14] : memref<16384x128xf32, #tpu.memory_space<hbm>> -> memref<16384x128xf32, #tpu.memory_space<hbm>>
    tpu.enqueue_indirect_dma source(%dma_start3A_15 : memref<16384x128xf32, #tpu.memory_space<hbm>>) target(%arg7 : memref<352x128xf32, #tpu.memory_space<vmem>>) offsets(%dma_start3A_12 : memref<352xi32, #tpu.memory_space<vmem>>) semaphore(%arg9 : memref<!tpu.dma_semaphore, #tpu.memory_space<semaphore_mem>>)
    %add3A_16 = arith.constant 0 : i32
    %add3A_17 = arith.addi %mul3A_2, %add3A_16 : i32
    "tpu.region"() ({
      %run_scoped3A = tpu.sem_alloc : memref<!tpu.dma_semaphore, #tpu.memory_space<semaphore_mem>>
      %dma_start3A_145 = arith.constant 0 : i32
      %dma_start3A_146 = tpu.memref_slice %arg4[%add3A_17, %dma_start3A_145] : memref<135168x128xf32, #tpu.memory_space<hbm>> -> memref<352x128xf32, #tpu.memory_space<hbm>>
      %dma_start3A_147 = arith.constant 0 : i32
      %dma_start3A_148 = tpu.memref_slice %arg4[%add3A_17, %dma_start3A_147] : memref<135168x128xf32, #tpu.memory_space<hbm>> -> memref<352x128xf32, #tpu.memory_space<hbm>>
      tpu.enqueue_dma source(%arg6 : memref<352x128xf32, #tpu.memory_space<vmem>>) target(%dma_start3A_148 : memref<352x128xf32, #tpu.memory_space<hbm>>) target_semaphore(%run_scoped3A : memref<!tpu.dma_semaphore, #tpu.memory_space<semaphore_mem>>)
      %dma_wait3A_149 = arith.constant 0 : i32
      %dma_wait3A_150 = tpu.memref_slice %arg4[%add3A_17, %dma_wait3A_149] : memref<135168x128xf32, #tpu.memory_space<hbm>> -> memref<352x128xf32, #tpu.memory_space<hbm>>
      %dma_wait3A_151 = arith.constant 0 : i32
      %dma_wait3A_152 = tpu.memref_slice %arg4[%add3A_17, %dma_wait3A_151] : memref<135168x128xf32, #tpu.memory_space<hbm>> -> memref<352x128xf32, #tpu.memory_space<hbm>>
      tpu.wait_dma2 semaphore(%run_scoped3A : memref<!tpu.dma_semaphore, #tpu.memory_space<semaphore_mem>>) src(%arg6 : memref<352x128xf32, #tpu.memory_space<vmem>>) dst(%dma_wait3A_152 : memref<352x128xf32, #tpu.memory_space<hbm>>)
      tpu.yield
    }) : () -> ()
    %dma_wait3A_18 = arith.constant 352 : i32
    %dma_wait3A_19 = tpu.memref_slice %arg5[%dma_wait3A_18] : memref<4224xi32, #tpu.memory_space<vmem>> -> memref<352xi32, #tpu.memory_space<vmem>>
    %dma_wait3A_20 = arith.constant 0 : i32
    %dma_wait3A_21 = arith.constant 0 : i32
    %dma_wait3A_22 = tpu.memref_slice %arg2[%dma_wait3A_20, %dma_wait3A_21] : memref<16384x128xf32, #tpu.memory_space<hbm>> -> memref<16384x128xf32, #tpu.memory_space<hbm>>
    tpu.wait_indirect_dma semaphore(%arg9 : memref<!tpu.dma_semaphore, #tpu.memory_space<semaphore_mem>>) src(%dma_wait3A_22 : memref<16384x128xf32, #tpu.memory_space<hbm>>) dst(%arg7 : memref<352x128xf32, #tpu.memory_space<vmem>>)
    %dma_start3A_23 = arith.constant 704 : i32
    %dma_start3A_24 = tpu.memref_slice %arg5[%dma_start3A_23] : memref<4224xi32, #tpu.memory_space<vmem>> -> memref<352xi32, #tpu.memory_space<vmem>>
    %dma_start3A_25 = arith.constant 0 : i32
    %dma_start3A_26 = arith.constant 0 : i32
    %dma_start3A_27 = tpu.memref_slice %arg2[%dma_start3A_25, %dma_start3A_26] : memref<16384x128xf32, #tpu.memory_space<hbm>> -> memref<16384x128xf32, #tpu.memory_space<hbm>>
    tpu.enqueue_indirect_dma source(%dma_start3A_27 : memref<16384x128xf32, #tpu.memory_space<hbm>>) target(%arg6 : memref<352x128xf32, #tpu.memory_space<vmem>>) offsets(%dma_start3A_24 : memref<352xi32, #tpu.memory_space<vmem>>) semaphore(%arg8 : memref<!tpu.dma_semaphore, #tpu.memory_space<semaphore_mem>>)
    %add3A_28 = arith.constant 352 : i32
    %add3A_29 = arith.addi %mul3A_2, %add3A_28 : i32
    "tpu.region"() ({
      %run_scoped3A = tpu.sem_alloc : memref<!tpu.dma_semaphore, #tpu.memory_space<semaphore_mem>>
      %dma_start3A_145 = arith.constant 0 : i32
      %dma_start3A_146 = tpu.memref_slice %arg4[%add3A_29, %dma_start3A_145] : memref<135168x128xf32, #tpu.memory_space<hbm>> -> memref<352x128xf32, #tpu.memory_space<hbm>>
      %dma_start3A_147 = arith.constant 0 : i32
      %dma_start3A_148 = tpu.memref_slice %arg4[%add3A_29, %dma_start3A_147] : memref<135168x128xf32, #tpu.memory_space<hbm>> -> memref<352x128xf32, #tpu.memory_space<hbm>>
      tpu.enqueue_dma source(%arg7 : memref<352x128xf32, #tpu.memory_space<vmem>>) target(%dma_start3A_148 : memref<352x128xf32, #tpu.memory_space<hbm>>) target_semaphore(%run_scoped3A : memref<!tpu.dma_semaphore, #tpu.memory_space<semaphore_mem>>)
      %dma_wait3A_149 = arith.constant 0 : i32
      %dma_wait3A_150 = tpu.memref_slice %arg4[%add3A_29, %dma_wait3A_149] : memref<135168x128xf32, #tpu.memory_space<hbm>> -> memref<352x128xf32, #tpu.memory_space<hbm>>
      %dma_wait3A_151 = arith.constant 0 : i32
      %dma_wait3A_152 = tpu.memref_slice %arg4[%add3A_29, %dma_wait3A_151] : memref<135168x128xf32, #tpu.memory_space<hbm>> -> memref<352x128xf32, #tpu.memory_space<hbm>>
      tpu.wait_dma2 semaphore(%run_scoped3A : memref<!tpu.dma_semaphore, #tpu.memory_space<semaphore_mem>>) src(%arg7 : memref<352x128xf32, #tpu.memory_space<vmem>>) dst(%dma_wait3A_152 : memref<352x128xf32, #tpu.memory_space<hbm>>)
      tpu.yield
    }) : () -> ()
    %dma_wait3A_30 = arith.constant 704 : i32
    %dma_wait3A_31 = tpu.memref_slice %arg5[%dma_wait3A_30] : memref<4224xi32, #tpu.memory_space<vmem>> -> memref<352xi32, #tpu.memory_space<vmem>>
    %dma_wait3A_32 = arith.constant 0 : i32
    %dma_wait3A_33 = arith.constant 0 : i32
    %dma_wait3A_34 = tpu.memref_slice %arg2[%dma_wait3A_32, %dma_wait3A_33] : memref<16384x128xf32, #tpu.memory_space<hbm>> -> memref<16384x128xf32, #tpu.memory_space<hbm>>
    tpu.wait_indirect_dma semaphore(%arg8 : memref<!tpu.dma_semaphore, #tpu.memory_space<semaphore_mem>>) src(%dma_wait3A_34 : memref<16384x128xf32, #tpu.memory_space<hbm>>) dst(%arg6 : memref<352x128xf32, #tpu.memory_space<vmem>>)
    %dma_start3A_35 = arith.constant 1056 : i32
    %dma_start3A_36 = tpu.memref_slice %arg5[%dma_start3A_35] : memref<4224xi32, #tpu.memory_space<vmem>> -> memref<352xi32, #tpu.memory_space<vmem>>
    %dma_start3A_37 = arith.constant 0 : i32
    %dma_start3A_38 = arith.constant 0 : i32
    %dma_start3A_39 = tpu.memref_slice %arg2[%dma_start3A_37, %dma_start3A_38] : memref<16384x128xf32, #tpu.memory_space<hbm>> -> memref<16384x128xf32, #tpu.memory_space<hbm>>
    tpu.enqueue_indirect_dma source(%dma_start3A_39 : memref<16384x128xf32, #tpu.memory_space<hbm>>) target(%arg7 : memref<352x128xf32, #tpu.memory_space<vmem>>) offsets(%dma_start3A_36 : memref<352xi32, #tpu.memory_space<vmem>>) semaphore(%arg9 : memref<!tpu.dma_semaphore, #tpu.memory_space<semaphore_mem>>)
    %add3A_40 = arith.constant 704 : i32
    %add3A_41 = arith.addi %mul3A_2, %add3A_40 : i32
    "tpu.region"() ({
      %run_scoped3A = tpu.sem_alloc : memref<!tpu.dma_semaphore, #tpu.memory_space<semaphore_mem>>
      %dma_start3A_145 = arith.constant 0 : i32
      %dma_start3A_146 = tpu.memref_slice %arg4[%add3A_41, %dma_start3A_145] : memref<135168x128xf32, #tpu.memory_space<hbm>> -> memref<352x128xf32, #tpu.memory_space<hbm>>
      %dma_start3A_147 = arith.constant 0 : i32
      %dma_start3A_148 = tpu.memref_slice %arg4[%add3A_41, %dma_start3A_147] : memref<135168x128xf32, #tpu.memory_space<hbm>> -> memref<352x128xf32, #tpu.memory_space<hbm>>
      tpu.enqueue_dma source(%arg6 : memref<352x128xf32, #tpu.memory_space<vmem>>) target(%dma_start3A_148 : memref<352x128xf32, #tpu.memory_space<hbm>>) target_semaphore(%run_scoped3A : memref<!tpu.dma_semaphore, #tpu.memory_space<semaphore_mem>>)
      %dma_wait3A_149 = arith.constant 0 : i32
      %dma_wait3A_150 = tpu.memref_slice %arg4[%add3A_41, %dma_wait3A_149] : memref<135168x128xf32, #tpu.memory_space<hbm>> -> memref<352x128xf32, #tpu.memory_space<hbm>>
      %dma_wait3A_151 = arith.constant 0 : i32
      %dma_wait3A_152 = tpu.memref_slice %arg4[%add3A_41, %dma_wait3A_151] : memref<135168x128xf32, #tpu.memory_space<hbm>> -> memref<352x128xf32, #tpu.memory_space<hbm>>
      tpu.wait_dma2 semaphore(%run_scoped3A : memref<!tpu.dma_semaphore, #tpu.memory_space<semaphore_mem>>) src(%arg6 : memref<352x128xf32, #tpu.memory_space<vmem>>) dst(%dma_wait3A_152 : memref<352x128xf32, #tpu.memory_space<hbm>>)
      tpu.yield
    }) : () -> ()
    %dma_wait3A_42 = arith.constant 1056 : i32
    %dma_wait3A_43 = tpu.memref_slice %arg5[%dma_wait3A_42] : memref<4224xi32, #tpu.memory_space<vmem>> -> memref<352xi32, #tpu.memory_space<vmem>>
    %dma_wait3A_44 = arith.constant 0 : i32
    %dma_wait3A_45 = arith.constant 0 : i32
    %dma_wait3A_46 = tpu.memref_slice %arg2[%dma_wait3A_44, %dma_wait3A_45] : memref<16384x128xf32, #tpu.memory_space<hbm>> -> memref<16384x128xf32, #tpu.memory_space<hbm>>
    tpu.wait_indirect_dma semaphore(%arg9 : memref<!tpu.dma_semaphore, #tpu.memory_space<semaphore_mem>>) src(%dma_wait3A_46 : memref<16384x128xf32, #tpu.memory_space<hbm>>) dst(%arg7 : memref<352x128xf32, #tpu.memory_space<vmem>>)
    %dma_start3A_47 = arith.constant 1408 : i32
    %dma_start3A_48 = tpu.memref_slice %arg5[%dma_start3A_47] : memref<4224xi32, #tpu.memory_space<vmem>> -> memref<352xi32, #tpu.memory_space<vmem>>
    %dma_start3A_49 = arith.constant 0 : i32
    %dma_start3A_50 = arith.constant 0 : i32
    %dma_start3A_51 = tpu.memref_slice %arg2[%dma_start3A_49, %dma_start3A_50] : memref<16384x128xf32, #tpu.memory_space<hbm>> -> memref<16384x128xf32, #tpu.memory_space<hbm>>
    tpu.enqueue_indirect_dma source(%dma_start3A_51 : memref<16384x128xf32, #tpu.memory_space<hbm>>) target(%arg6 : memref<352x128xf32, #tpu.memory_space<vmem>>) offsets(%dma_start3A_48 : memref<352xi32, #tpu.memory_space<vmem>>) semaphore(%arg8 : memref<!tpu.dma_semaphore, #tpu.memory_space<semaphore_mem>>)
    %add3A_52 = arith.constant 1056 : i32
    %add3A_53 = arith.addi %mul3A_2, %add3A_52 : i32
    "tpu.region"() ({
      %run_scoped3A = tpu.sem_alloc : memref<!tpu.dma_semaphore, #tpu.memory_space<semaphore_mem>>
      %dma_start3A_145 = arith.constant 0 : i32
      %dma_start3A_146 = tpu.memref_slice %arg4[%add3A_53, %dma_start3A_145] : memref<135168x128xf32, #tpu.memory_space<hbm>> -> memref<352x128xf32, #tpu.memory_space<hbm>>
      %dma_start3A_147 = arith.constant 0 : i32
      %dma_start3A_148 = tpu.memref_slice %arg4[%add3A_53, %dma_start3A_147] : memref<135168x128xf32, #tpu.memory_space<hbm>> -> memref<352x128xf32, #tpu.memory_space<hbm>>
      tpu.enqueue_dma source(%arg7 : memref<352x128xf32, #tpu.memory_space<vmem>>) target(%dma_start3A_148 : memref<352x128xf32, #tpu.memory_space<hbm>>) target_semaphore(%run_scoped3A : memref<!tpu.dma_semaphore, #tpu.memory_space<semaphore_mem>>)
      %dma_wait3A_149 = arith.constant 0 : i32
      %dma_wait3A_150 = tpu.memref_slice %arg4[%add3A_53, %dma_wait3A_149] : memref<135168x128xf32, #tpu.memory_space<hbm>> -> memref<352x128xf32, #tpu.memory_space<hbm>>
      %dma_wait3A_151 = arith.constant 0 : i32
      %dma_wait3A_152 = tpu.memref_slice %arg4[%add3A_53, %dma_wait3A_151] : memref<135168x128xf32, #tpu.memory_space<hbm>> -> memref<352x128xf32, #tpu.memory_space<hbm>>
      tpu.wait_dma2 semaphore(%run_scoped3A : memref<!tpu.dma_semaphore, #tpu.memory_space<semaphore_mem>>) src(%arg7 : memref<352x128xf32, #tpu.memory_space<vmem>>) dst(%dma_wait3A_152 : memref<352x128xf32, #tpu.memory_space<hbm>>)
      tpu.yield
    }) : () -> ()
    %dma_wait3A_54 = arith.constant 1408 : i32
    %dma_wait3A_55 = tpu.memref_slice %arg5[%dma_wait3A_54] : memref<4224xi32, #tpu.memory_space<vmem>> -> memref<352xi32, #tpu.memory_space<vmem>>
    %dma_wait3A_56 = arith.constant 0 : i32
    %dma_wait3A_57 = arith.constant 0 : i32
    %dma_wait3A_58 = tpu.memref_slice %arg2[%dma_wait3A_56, %dma_wait3A_57] : memref<16384x128xf32, #tpu.memory_space<hbm>> -> memref<16384x128xf32, #tpu.memory_space<hbm>>
    tpu.wait_indirect_dma semaphore(%arg8 : memref<!tpu.dma_semaphore, #tpu.memory_space<semaphore_mem>>) src(%dma_wait3A_58 : memref<16384x128xf32, #tpu.memory_space<hbm>>) dst(%arg6 : memref<352x128xf32, #tpu.memory_space<vmem>>)
    %dma_start3A_59 = arith.constant 1760 : i32
    %dma_start3A_60 = tpu.memref_slice %arg5[%dma_start3A_59] : memref<4224xi32, #tpu.memory_space<vmem>> -> memref<352xi32, #tpu.memory_space<vmem>>
    %dma_start3A_61 = arith.constant 0 : i32
    %dma_start3A_62 = arith.constant 0 : i32
    %dma_start3A_63 = tpu.memref_slice %arg2[%dma_start3A_61, %dma_start3A_62] : memref<16384x128xf32, #tpu.memory_space<hbm>> -> memref<16384x128xf32, #tpu.memory_space<hbm>>
    tpu.enqueue_indirect_dma source(%dma_start3A_63 : memref<16384x128xf32, #tpu.memory_space<hbm>>) target(%arg7 : memref<352x128xf32, #tpu.memory_space<vmem>>) offsets(%dma_start3A_60 : memref<352xi32, #tpu.memory_space<vmem>>) semaphore(%arg9 : memref<!tpu.dma_semaphore, #tpu.memory_space<semaphore_mem>>)
    %add3A_64 = arith.constant 1408 : i32
    %add3A_65 = arith.addi %mul3A_2, %add3A_64 : i32
    "tpu.region"() ({
      %run_scoped3A = tpu.sem_alloc : memref<!tpu.dma_semaphore, #tpu.memory_space<semaphore_mem>>
      %dma_start3A_145 = arith.constant 0 : i32
      %dma_start3A_146 = tpu.memref_slice %arg4[%add3A_65, %dma_start3A_145] : memref<135168x128xf32, #tpu.memory_space<hbm>> -> memref<352x128xf32, #tpu.memory_space<hbm>>
      %dma_start3A_147 = arith.constant 0 : i32
      %dma_start3A_148 = tpu.memref_slice %arg4[%add3A_65, %dma_start3A_147] : memref<135168x128xf32, #tpu.memory_space<hbm>> -> memref<352x128xf32, #tpu.memory_space<hbm>>
      tpu.enqueue_dma source(%arg6 : memref<352x128xf32, #tpu.memory_space<vmem>>) target(%dma_start3A_148 : memref<352x128xf32, #tpu.memory_space<hbm>>) target_semaphore(%run_scoped3A : memref<!tpu.dma_semaphore, #tpu.memory_space<semaphore_mem>>)
      %dma_wait3A_149 = arith.constant 0 : i32
      %dma_wait3A_150 = tpu.memref_slice %arg4[%add3A_65, %dma_wait3A_149] : memref<135168x128xf32, #tpu.memory_space<hbm>> -> memref<352x128xf32, #tpu.memory_space<hbm>>
      %dma_wait3A_151 = arith.constant 0 : i32
      %dma_wait3A_152 = tpu.memref_slice %arg4[%add3A_65, %dma_wait3A_151] : memref<135168x128xf32, #tpu.memory_space<hbm>> -> memref<352x128xf32, #tpu.memory_space<hbm>>
      tpu.wait_dma2 semaphore(%run_scoped3A : memref<!tpu.dma_semaphore, #tpu.memory_space<semaphore_mem>>) src(%arg6 : memref<352x128xf32, #tpu.memory_space<vmem>>) dst(%dma_wait3A_152 : memref<352x128xf32, #tpu.memory_space<hbm>>)
      tpu.yield
    }) : () -> ()
    %dma_wait3A_66 = arith.constant 1760 : i32
    %dma_wait3A_67 = tpu.memref_slice %arg5[%dma_wait3A_66] : memref<4224xi32, #tpu.memory_space<vmem>> -> memref<352xi32, #tpu.memory_space<vmem>>
    %dma_wait3A_68 = arith.constant 0 : i32
    %dma_wait3A_69 = arith.constant 0 : i32
    %dma_wait3A_70 = tpu.memref_slice %arg2[%dma_wait3A_68, %dma_wait3A_69] : memref<16384x128xf32, #tpu.memory_space<hbm>> -> memref<16384x128xf32, #tpu.memory_space<hbm>>
    tpu.wait_indirect_dma semaphore(%arg9 : memref<!tpu.dma_semaphore, #tpu.memory_space<semaphore_mem>>) src(%dma_wait3A_70 : memref<16384x128xf32, #tpu.memory_space<hbm>>) dst(%arg7 : memref<352x128xf32, #tpu.memory_space<vmem>>)
    %dma_start3A_71 = arith.constant 2112 : i32
    %dma_start3A_72 = tpu.memref_slice %arg5[%dma_start3A_71] : memref<4224xi32, #tpu.memory_space<vmem>> -> memref<352xi32, #tpu.memory_space<vmem>>
    %dma_start3A_73 = arith.constant 0 : i32
    %dma_start3A_74 = arith.constant 0 : i32
    %dma_start3A_75 = tpu.memref_slice %arg2[%dma_start3A_73, %dma_start3A_74] : memref<16384x128xf32, #tpu.memory_space<hbm>> -> memref<16384x128xf32, #tpu.memory_space<hbm>>
    tpu.enqueue_indirect_dma source(%dma_start3A_75 : memref<16384x128xf32, #tpu.memory_space<hbm>>) target(%arg6 : memref<352x128xf32, #tpu.memory_space<vmem>>) offsets(%dma_start3A_72 : memref<352xi32, #tpu.memory_space<vmem>>) semaphore(%arg8 : memref<!tpu.dma_semaphore, #tpu.memory_space<semaphore_mem>>)
    %add3A_76 = arith.constant 1760 : i32
    %add3A_77 = arith.addi %mul3A_2, %add3A_76 : i32
    "tpu.region"() ({
      %run_scoped3A = tpu.sem_alloc : memref<!tpu.dma_semaphore, #tpu.memory_space<semaphore_mem>>
      %dma_start3A_145 = arith.constant 0 : i32
      %dma_start3A_146 = tpu.memref_slice %arg4[%add3A_77, %dma_start3A_145] : memref<135168x128xf32, #tpu.memory_space<hbm>> -> memref<352x128xf32, #tpu.memory_space<hbm>>
      %dma_start3A_147 = arith.constant 0 : i32
      %dma_start3A_148 = tpu.memref_slice %arg4[%add3A_77, %dma_start3A_147] : memref<135168x128xf32, #tpu.memory_space<hbm>> -> memref<352x128xf32, #tpu.memory_space<hbm>>
      tpu.enqueue_dma source(%arg7 : memref<352x128xf32, #tpu.memory_space<vmem>>) target(%dma_start3A_148 : memref<352x128xf32, #tpu.memory_space<hbm>>) target_semaphore(%run_scoped3A : memref<!tpu.dma_semaphore, #tpu.memory_space<semaphore_mem>>)
      %dma_wait3A_149 = arith.constant 0 : i32
      %dma_wait3A_150 = tpu.memref_slice %arg4[%add3A_77, %dma_wait3A_149] : memref<135168x128xf32, #tpu.memory_space<hbm>> -> memref<352x128xf32, #tpu.memory_space<hbm>>
      %dma_wait3A_151 = arith.constant 0 : i32
      %dma_wait3A_152 = tpu.memref_slice %arg4[%add3A_77, %dma_wait3A_151] : memref<135168x128xf32, #tpu.memory_space<hbm>> -> memref<352x128xf32, #tpu.memory_space<hbm>>
      tpu.wait_dma2 semaphore(%run_scoped3A : memref<!tpu.dma_semaphore, #tpu.memory_space<semaphore_mem>>) src(%arg7 : memref<352x128xf32, #tpu.memory_space<vmem>>) dst(%dma_wait3A_152 : memref<352x128xf32, #tpu.memory_space<hbm>>)
      tpu.yield
    }) : () -> ()
    %dma_wait3A_78 = arith.constant 2112 : i32
    %dma_wait3A_79 = tpu.memref_slice %arg5[%dma_wait3A_78] : memref<4224xi32, #tpu.memory_space<vmem>> -> memref<352xi32, #tpu.memory_space<vmem>>
    %dma_wait3A_80 = arith.constant 0 : i32
    %dma_wait3A_81 = arith.constant 0 : i32
    %dma_wait3A_82 = tpu.memref_slice %arg2[%dma_wait3A_80, %dma_wait3A_81] : memref<16384x128xf32, #tpu.memory_space<hbm>> -> memref<16384x128xf32, #tpu.memory_space<hbm>>
    tpu.wait_indirect_dma semaphore(%arg8 : memref<!tpu.dma_semaphore, #tpu.memory_space<semaphore_mem>>) src(%dma_wait3A_82 : memref<16384x128xf32, #tpu.memory_space<hbm>>) dst(%arg6 : memref<352x128xf32, #tpu.memory_space<vmem>>)
    %dma_start3A_83 = arith.constant 2464 : i32
    %dma_start3A_84 = tpu.memref_slice %arg5[%dma_start3A_83] : memref<4224xi32, #tpu.memory_space<vmem>> -> memref<352xi32, #tpu.memory_space<vmem>>
    %dma_start3A_85 = arith.constant 0 : i32
    %dma_start3A_86 = arith.constant 0 : i32
    %dma_start3A_87 = tpu.memref_slice %arg2[%dma_start3A_85, %dma_start3A_86] : memref<16384x128xf32, #tpu.memory_space<hbm>> -> memref<16384x128xf32, #tpu.memory_space<hbm>>
    tpu.enqueue_indirect_dma source(%dma_start3A_87 : memref<16384x128xf32, #tpu.memory_space<hbm>>) target(%arg7 : memref<352x128xf32, #tpu.memory_space<vmem>>) offsets(%dma_start3A_84 : memref<352xi32, #tpu.memory_space<vmem>>) semaphore(%arg9 : memref<!tpu.dma_semaphore, #tpu.memory_space<semaphore_mem>>)
    %add3A_88 = arith.constant 2112 : i32
    %add3A_89 = arith.addi %mul3A_2, %add3A_88 : i32
    "tpu.region"() ({
      %run_scoped3A = tpu.sem_alloc : memref<!tpu.dma_semaphore, #tpu.memory_space<semaphore_mem>>
      %dma_start3A_145 = arith.constant 0 : i32
      %dma_start3A_146 = tpu.memref_slice %arg4[%add3A_89, %dma_start3A_145] : memref<135168x128xf32, #tpu.memory_space<hbm>> -> memref<352x128xf32, #tpu.memory_space<hbm>>
      %dma_start3A_147 = arith.constant 0 : i32
      %dma_start3A_148 = tpu.memref_slice %arg4[%add3A_89, %dma_start3A_147] : memref<135168x128xf32, #tpu.memory_space<hbm>> -> memref<352x128xf32, #tpu.memory_space<hbm>>
      tpu.enqueue_dma source(%arg6 : memref<352x128xf32, #tpu.memory_space<vmem>>) target(%dma_start3A_148 : memref<352x128xf32, #tpu.memory_space<hbm>>) target_semaphore(%run_scoped3A : memref<!tpu.dma_semaphore, #tpu.memory_space<semaphore_mem>>)
      %dma_wait3A_149 = arith.constant 0 : i32
      %dma_wait3A_150 = tpu.memref_slice %arg4[%add3A_89, %dma_wait3A_149] : memref<135168x128xf32, #tpu.memory_space<hbm>> -> memref<352x128xf32, #tpu.memory_space<hbm>>
      %dma_wait3A_151 = arith.constant 0 : i32
      %dma_wait3A_152 = tpu.memref_slice %arg4[%add3A_89, %dma_wait3A_151] : memref<135168x128xf32, #tpu.memory_space<hbm>> -> memref<352x128xf32, #tpu.memory_space<hbm>>
      tpu.wait_dma2 semaphore(%run_scoped3A : memref<!tpu.dma_semaphore, #tpu.memory_space<semaphore_mem>>) src(%arg6 : memref<352x128xf32, #tpu.memory_space<vmem>>) dst(%dma_wait3A_152 : memref<352x128xf32, #tpu.memory_space<hbm>>)
      tpu.yield
    }) : () -> ()
    %dma_wait3A_90 = arith.constant 2464 : i32
    %dma_wait3A_91 = tpu.memref_slice %arg5[%dma_wait3A_90] : memref<4224xi32, #tpu.memory_space<vmem>> -> memref<352xi32, #tpu.memory_space<vmem>>
    %dma_wait3A_92 = arith.constant 0 : i32
    %dma_wait3A_93 = arith.constant 0 : i32
    %dma_wait3A_94 = tpu.memref_slice %arg2[%dma_wait3A_92, %dma_wait3A_93] : memref<16384x128xf32, #tpu.memory_space<hbm>> -> memref<16384x128xf32, #tpu.memory_space<hbm>>
    tpu.wait_indirect_dma semaphore(%arg9 : memref<!tpu.dma_semaphore, #tpu.memory_space<semaphore_mem>>) src(%dma_wait3A_94 : memref<16384x128xf32, #tpu.memory_space<hbm>>) dst(%arg7 : memref<352x128xf32, #tpu.memory_space<vmem>>)
    %dma_start3A_95 = arith.constant 2816 : i32
    %dma_start3A_96 = tpu.memref_slice %arg5[%dma_start3A_95] : memref<4224xi32, #tpu.memory_space<vmem>> -> memref<352xi32, #tpu.memory_space<vmem>>
    %dma_start3A_97 = arith.constant 0 : i32
    %dma_start3A_98 = arith.constant 0 : i32
    %dma_start3A_99 = tpu.memref_slice %arg2[%dma_start3A_97, %dma_start3A_98] : memref<16384x128xf32, #tpu.memory_space<hbm>> -> memref<16384x128xf32, #tpu.memory_space<hbm>>
    tpu.enqueue_indirect_dma source(%dma_start3A_99 : memref<16384x128xf32, #tpu.memory_space<hbm>>) target(%arg6 : memref<352x128xf32, #tpu.memory_space<vmem>>) offsets(%dma_start3A_96 : memref<352xi32, #tpu.memory_space<vmem>>) semaphore(%arg8 : memref<!tpu.dma_semaphore, #tpu.memory_space<semaphore_mem>>)
    %add3A_100 = arith.constant 2464 : i32
    %add3A_101 = arith.addi %mul3A_2, %add3A_100 : i32
    "tpu.region"() ({
      %run_scoped3A = tpu.sem_alloc : memref<!tpu.dma_semaphore, #tpu.memory_space<semaphore_mem>>
      %dma_start3A_145 = arith.constant 0 : i32
      %dma_start3A_146 = tpu.memref_slice %arg4[%add3A_101, %dma_start3A_145] : memref<135168x128xf32, #tpu.memory_space<hbm>> -> memref<352x128xf32, #tpu.memory_space<hbm>>
      %dma_start3A_147 = arith.constant 0 : i32
      %dma_start3A_148 = tpu.memref_slice %arg4[%add3A_101, %dma_start3A_147] : memref<135168x128xf32, #tpu.memory_space<hbm>> -> memref<352x128xf32, #tpu.memory_space<hbm>>
      tpu.enqueue_dma source(%arg7 : memref<352x128xf32, #tpu.memory_space<vmem>>) target(%dma_start3A_148 : memref<352x128xf32, #tpu.memory_space<hbm>>) target_semaphore(%run_scoped3A : memref<!tpu.dma_semaphore, #tpu.memory_space<semaphore_mem>>)
      %dma_wait3A_149 = arith.constant 0 : i32
      %dma_wait3A_150 = tpu.memref_slice %arg4[%add3A_101, %dma_wait3A_149] : memref<135168x128xf32, #tpu.memory_space<hbm>> -> memref<352x128xf32, #tpu.memory_space<hbm>>
      %dma_wait3A_151 = arith.constant 0 : i32
      %dma_wait3A_152 = tpu.memref_slice %arg4[%add3A_101, %dma_wait3A_151] : memref<135168x128xf32, #tpu.memory_space<hbm>> -> memref<352x128xf32, #tpu.memory_space<hbm>>
      tpu.wait_dma2 semaphore(%run_scoped3A : memref<!tpu.dma_semaphore, #tpu.memory_space<semaphore_mem>>) src(%arg7 : memref<352x128xf32, #tpu.memory_space<vmem>>) dst(%dma_wait3A_152 : memref<352x128xf32, #tpu.memory_space<hbm>>)
      tpu.yield
    }) : () -> ()
    %dma_wait3A_102 = arith.constant 2816 : i32
    %dma_wait3A_103 = tpu.memref_slice %arg5[%dma_wait3A_102] : memref<4224xi32, #tpu.memory_space<vmem>> -> memref<352xi32, #tpu.memory_space<vmem>>
    %dma_wait3A_104 = arith.constant 0 : i32
    %dma_wait3A_105 = arith.constant 0 : i32
    %dma_wait3A_106 = tpu.memref_slice %arg2[%dma_wait3A_104, %dma_wait3A_105] : memref<16384x128xf32, #tpu.memory_space<hbm>> -> memref<16384x128xf32, #tpu.memory_space<hbm>>
    tpu.wait_indirect_dma semaphore(%arg8 : memref<!tpu.dma_semaphore, #tpu.memory_space<semaphore_mem>>) src(%dma_wait3A_106 : memref<16384x128xf32, #tpu.memory_space<hbm>>) dst(%arg6 : memref<352x128xf32, #tpu.memory_space<vmem>>)
    %dma_start3A_107 = arith.constant 3168 : i32
    %dma_start3A_108 = tpu.memref_slice %arg5[%dma_start3A_107] : memref<4224xi32, #tpu.memory_space<vmem>> -> memref<352xi32, #tpu.memory_space<vmem>>
    %dma_start3A_109 = arith.constant 0 : i32
    %dma_start3A_110 = arith.constant 0 : i32
    %dma_start3A_111 = tpu.memref_slice %arg2[%dma_start3A_109, %dma_start3A_110] : memref<16384x128xf32, #tpu.memory_space<hbm>> -> memref<16384x128xf32, #tpu.memory_space<hbm>>
    tpu.enqueue_indirect_dma source(%dma_start3A_111 : memref<16384x128xf32, #tpu.memory_space<hbm>>) target(%arg7 : memref<352x128xf32, #tpu.memory_space<vmem>>) offsets(%dma_start3A_108 : memref<352xi32, #tpu.memory_space<vmem>>) semaphore(%arg9 : memref<!tpu.dma_semaphore, #tpu.memory_space<semaphore_mem>>)
    %add3A_112 = arith.constant 2816 : i32
    %add3A_113 = arith.addi %mul3A_2, %add3A_112 : i32
    "tpu.region"() ({
      %run_scoped3A = tpu.sem_alloc : memref<!tpu.dma_semaphore, #tpu.memory_space<semaphore_mem>>
      %dma_start3A_145 = arith.constant 0 : i32
      %dma_start3A_146 = tpu.memref_slice %arg4[%add3A_113, %dma_start3A_145] : memref<135168x128xf32, #tpu.memory_space<hbm>> -> memref<352x128xf32, #tpu.memory_space<hbm>>
      %dma_start3A_147 = arith.constant 0 : i32
      %dma_start3A_148 = tpu.memref_slice %arg4[%add3A_113, %dma_start3A_147] : memref<135168x128xf32, #tpu.memory_space<hbm>> -> memref<352x128xf32, #tpu.memory_space<hbm>>
      tpu.enqueue_dma source(%arg6 : memref<352x128xf32, #tpu.memory_space<vmem>>) target(%dma_start3A_148 : memref<352x128xf32, #tpu.memory_space<hbm>>) target_semaphore(%run_scoped3A : memref<!tpu.dma_semaphore, #tpu.memory_space<semaphore_mem>>)
      %dma_wait3A_149 = arith.constant 0 : i32
      %dma_wait3A_150 = tpu.memref_slice %arg4[%add3A_113, %dma_wait3A_149] : memref<135168x128xf32, #tpu.memory_space<hbm>> -> memref<352x128xf32, #tpu.memory_space<hbm>>
      %dma_wait3A_151 = arith.constant 0 : i32
      %dma_wait3A_152 = tpu.memref_slice %arg4[%add3A_113, %dma_wait3A_151] : memref<135168x128xf32, #tpu.memory_space<hbm>> -> memref<352x128xf32, #tpu.memory_space<hbm>>
      tpu.wait_dma2 semaphore(%run_scoped3A : memref<!tpu.dma_semaphore, #tpu.memory_space<semaphore_mem>>) src(%arg6 : memref<352x128xf32, #tpu.memory_space<vmem>>) dst(%dma_wait3A_152 : memref<352x128xf32, #tpu.memory_space<hbm>>)
      tpu.yield
    }) : () -> ()
    %dma_wait3A_114 = arith.constant 3168 : i32
    %dma_wait3A_115 = tpu.memref_slice %arg5[%dma_wait3A_114] : memref<4224xi32, #tpu.memory_space<vmem>> -> memref<352xi32, #tpu.memory_space<vmem>>
    %dma_wait3A_116 = arith.constant 0 : i32
    %dma_wait3A_117 = arith.constant 0 : i32
    %dma_wait3A_118 = tpu.memref_slice %arg2[%dma_wait3A_116, %dma_wait3A_117] : memref<16384x128xf32, #tpu.memory_space<hbm>> -> memref<16384x128xf32, #tpu.memory_space<hbm>>
    tpu.wait_indirect_dma semaphore(%arg9 : memref<!tpu.dma_semaphore, #tpu.memory_space<semaphore_mem>>) src(%dma_wait3A_118 : memref<16384x128xf32, #tpu.memory_space<hbm>>) dst(%arg7 : memref<352x128xf32, #tpu.memory_space<vmem>>)
    %dma_start3A_119 = arith.constant 3520 : i32
    %dma_start3A_120 = tpu.memref_slice %arg5[%dma_start3A_119] : memref<4224xi32, #tpu.memory_space<vmem>> -> memref<352xi32, #tpu.memory_space<vmem>>
    %dma_start3A_121 = arith.constant 0 : i32
    %dma_start3A_122 = arith.constant 0 : i32
    %dma_start3A_123 = tpu.memref_slice %arg2[%dma_start3A_121, %dma_start3A_122] : memref<16384x128xf32, #tpu.memory_space<hbm>> -> memref<16384x128xf32, #tpu.memory_space<hbm>>
    tpu.enqueue_indirect_dma source(%dma_start3A_123 : memref<16384x128xf32, #tpu.memory_space<hbm>>) target(%arg6 : memref<352x128xf32, #tpu.memory_space<vmem>>) offsets(%dma_start3A_120 : memref<352xi32, #tpu.memory_space<vmem>>) semaphore(%arg8 : memref<!tpu.dma_semaphore, #tpu.memory_space<semaphore_mem>>)
    %add3A_124 = arith.constant 3168 : i32
    %add3A_125 = arith.addi %mul3A_2, %add3A_124 : i32
    "tpu.region"() ({
      %run_scoped3A = tpu.sem_alloc : memref<!tpu.dma_semaphore, #tpu.memory_space<semaphore_mem>>
      %dma_start3A_145 = arith.constant 0 : i32
      %dma_start3A_146 = tpu.memref_slice %arg4[%add3A_125, %dma_start3A_145] : memref<135168x128xf32, #tpu.memory_space<hbm>> -> memref<352x128xf32, #tpu.memory_space<hbm>>
      %dma_start3A_147 = arith.constant 0 : i32
      %dma_start3A_148 = tpu.memref_slice %arg4[%add3A_125, %dma_start3A_147] : memref<135168x128xf32, #tpu.memory_space<hbm>> -> memref<352x128xf32, #tpu.memory_space<hbm>>
      tpu.enqueue_dma source(%arg7 : memref<352x128xf32, #tpu.memory_space<vmem>>) target(%dma_start3A_148 : memref<352x128xf32, #tpu.memory_space<hbm>>) target_semaphore(%run_scoped3A : memref<!tpu.dma_semaphore, #tpu.memory_space<semaphore_mem>>)
      %dma_wait3A_149 = arith.constant 0 : i32
      %dma_wait3A_150 = tpu.memref_slice %arg4[%add3A_125, %dma_wait3A_149] : memref<135168x128xf32, #tpu.memory_space<hbm>> -> memref<352x128xf32, #tpu.memory_space<hbm>>
      %dma_wait3A_151 = arith.constant 0 : i32
      %dma_wait3A_152 = tpu.memref_slice %arg4[%add3A_125, %dma_wait3A_151] : memref<135168x128xf32, #tpu.memory_space<hbm>> -> memref<352x128xf32, #tpu.memory_space<hbm>>
      tpu.wait_dma2 semaphore(%run_scoped3A : memref<!tpu.dma_semaphore, #tpu.memory_space<semaphore_mem>>) src(%arg7 : memref<352x128xf32, #tpu.memory_space<vmem>>) dst(%dma_wait3A_152 : memref<352x128xf32, #tpu.memory_space<hbm>>)
      tpu.yield
    }) : () -> ()
    %dma_wait3A_126 = arith.constant 3520 : i32
    %dma_wait3A_127 = tpu.memref_slice %arg5[%dma_wait3A_126] : memref<4224xi32, #tpu.memory_space<vmem>> -> memref<352xi32, #tpu.memory_space<vmem>>
    %dma_wait3A_128 = arith.constant 0 : i32
    %dma_wait3A_129 = arith.constant 0 : i32
    %dma_wait3A_130 = tpu.memref_slice %arg2[%dma_wait3A_128, %dma_wait3A_129] : memref<16384x128xf32, #tpu.memory_space<hbm>> -> memref<16384x128xf32, #tpu.memory_space<hbm>>
    tpu.wait_indirect_dma semaphore(%arg8 : memref<!tpu.dma_semaphore, #tpu.memory_space<semaphore_mem>>) src(%dma_wait3A_130 : memref<16384x128xf32, #tpu.memory_space<hbm>>) dst(%arg6 : memref<352x128xf32, #tpu.memory_space<vmem>>)
    %dma_start3A_131 = arith.constant 3872 : i32
    %dma_start3A_132 = tpu.memref_slice %arg5[%dma_start3A_131] : memref<4224xi32, #tpu.memory_space<vmem>> -> memref<352xi32, #tpu.memory_space<vmem>>
    %dma_start3A_133 = arith.constant 0 : i32
    %dma_start3A_134 = arith.constant 0 : i32
    %dma_start3A_135 = tpu.memref_slice %arg2[%dma_start3A_133, %dma_start3A_134] : memref<16384x128xf32, #tpu.memory_space<hbm>> -> memref<16384x128xf32, #tpu.memory_space<hbm>>
    tpu.enqueue_indirect_dma source(%dma_start3A_135 : memref<16384x128xf32, #tpu.memory_space<hbm>>) target(%arg7 : memref<352x128xf32, #tpu.memory_space<vmem>>) offsets(%dma_start3A_132 : memref<352xi32, #tpu.memory_space<vmem>>) semaphore(%arg9 : memref<!tpu.dma_semaphore, #tpu.memory_space<semaphore_mem>>)
    %add3A_136 = arith.constant 3520 : i32
    %add3A_137 = arith.addi %mul3A_2, %add3A_136 : i32
    "tpu.region"() ({
      %run_scoped3A = tpu.sem_alloc : memref<!tpu.dma_semaphore, #tpu.memory_space<semaphore_mem>>
      %dma_start3A_145 = arith.constant 0 : i32
      %dma_start3A_146 = tpu.memref_slice %arg4[%add3A_137, %dma_start3A_145] : memref<135168x128xf32, #tpu.memory_space<hbm>> -> memref<352x128xf32, #tpu.memory_space<hbm>>
      %dma_start3A_147 = arith.constant 0 : i32
      %dma_start3A_148 = tpu.memref_slice %arg4[%add3A_137, %dma_start3A_147] : memref<135168x128xf32, #tpu.memory_space<hbm>> -> memref<352x128xf32, #tpu.memory_space<hbm>>
      tpu.enqueue_dma source(%arg6 : memref<352x128xf32, #tpu.memory_space<vmem>>) target(%dma_start3A_148 : memref<352x128xf32, #tpu.memory_space<hbm>>) target_semaphore(%run_scoped3A : memref<!tpu.dma_semaphore, #tpu.memory_space<semaphore_mem>>)
      %dma_wait3A_149 = arith.constant 0 : i32
      %dma_wait3A_150 = tpu.memref_slice %arg4[%add3A_137, %dma_wait3A_149] : memref<135168x128xf32, #tpu.memory_space<hbm>> -> memref<352x128xf32, #tpu.memory_space<hbm>>
      %dma_wait3A_151 = arith.constant 0 : i32
      %dma_wait3A_152 = tpu.memref_slice %arg4[%add3A_137, %dma_wait3A_151] : memref<135168x128xf32, #tpu.memory_space<hbm>> -> memref<352x128xf32, #tpu.memory_space<hbm>>
      tpu.wait_dma2 semaphore(%run_scoped3A : memref<!tpu.dma_semaphore, #tpu.memory_space<semaphore_mem>>) src(%arg6 : memref<352x128xf32, #tpu.memory_space<vmem>>) dst(%dma_wait3A_152 : memref<352x128xf32, #tpu.memory_space<hbm>>)
      tpu.yield
    }) : () -> ()
    %dma_wait3A_138 = arith.constant 3872 : i32
    %dma_wait3A_139 = tpu.memref_slice %arg5[%dma_wait3A_138] : memref<4224xi32, #tpu.memory_space<vmem>> -> memref<352xi32, #tpu.memory_space<vmem>>
    %dma_wait3A_140 = arith.constant 0 : i32
    %dma_wait3A_141 = arith.constant 0 : i32
    %dma_wait3A_142 = tpu.memref_slice %arg2[%dma_wait3A_140, %dma_wait3A_141] : memref<16384x128xf32, #tpu.memory_space<hbm>> -> memref<16384x128xf32, #tpu.memory_space<hbm>>
    tpu.wait_indirect_dma semaphore(%arg9 : memref<!tpu.dma_semaphore, #tpu.memory_space<semaphore_mem>>) src(%dma_wait3A_142 : memref<16384x128xf32, #tpu.memory_space<hbm>>) dst(%arg7 : memref<352x128xf32, #tpu.memory_space<vmem>>)
    %add3A_143 = arith.constant 3872 : i32
    %add3A_144 = arith.addi %mul3A_2, %add3A_143 : i32
    "tpu.region"() ({
      %run_scoped3A = tpu.sem_alloc : memref<!tpu.dma_semaphore, #tpu.memory_space<semaphore_mem>>
      %dma_start3A_145 = arith.constant 0 : i32
      %dma_start3A_146 = tpu.memref_slice %arg4[%add3A_144, %dma_start3A_145] : memref<135168x128xf32, #tpu.memory_space<hbm>> -> memref<352x128xf32, #tpu.memory_space<hbm>>
      %dma_start3A_147 = arith.constant 0 : i32
      %dma_start3A_148 = tpu.memref_slice %arg4[%add3A_144, %dma_start3A_147] : memref<135168x128xf32, #tpu.memory_space<hbm>> -> memref<352x128xf32, #tpu.memory_space<hbm>>
      tpu.enqueue_dma source(%arg7 : memref<352x128xf32, #tpu.memory_space<vmem>>) target(%dma_start3A_148 : memref<352x128xf32, #tpu.memory_space<hbm>>) target_semaphore(%run_scoped3A : memref<!tpu.dma_semaphore, #tpu.memory_space<semaphore_mem>>)
      %dma_wait3A_149 = arith.constant 0 : i32
      %dma_wait3A_150 = tpu.memref_slice %arg4[%add3A_144, %dma_wait3A_149] : memref<135168x128xf32, #tpu.memory_space<hbm>> -> memref<352x128xf32, #tpu.memory_space<hbm>>
      %dma_wait3A_151 = arith.constant 0 : i32
      %dma_wait3A_152 = tpu.memref_slice %arg4[%add3A_144, %dma_wait3A_151] : memref<135168x128xf32, #tpu.memory_space<hbm>> -> memref<352x128xf32, #tpu.memory_space<hbm>>
      tpu.wait_dma2 semaphore(%run_scoped3A : memref<!tpu.dma_semaphore, #tpu.memory_space<semaphore_mem>>) src(%arg7 : memref<352x128xf32, #tpu.memory_space<vmem>>) dst(%dma_wait3A_152 : memref<352x128xf32, #tpu.memory_space<hbm>>)
      tpu.yield
    }) : () -> ()
    return
  }
}

module attributes {stable_mosaic.version = 14 : i64} {
  func.func @_fps_body(%arg0: memref<8x2048xf32, #tpu.memory_space<vmem>>, %arg1: memref<8x2048xf32, #tpu.memory_space<vmem>>, %arg2: memref<8x2048xf32, #tpu.memory_space<vmem>>, %arg3: memref<8x1xi32, #tpu.memory_space<vmem>>, %arg4: memref<8x512xi32, #tpu.memory_space<vmem>>) attributes {dimension_semantics = [], scalar_prefetch = 0 : i64, scratch_operands = 0 : i64, tpu.core_type = #tpu.core_type<tc>} {
    %get3A = arith.constant 0 : index
    %get3A_0 = arith.constant 0 : index
    %get3A_1 = vector.load %arg0[%get3A, %get3A_0] : memref<8x2048xf32, #tpu.memory_space<vmem>>, vector<8x2048xf32>
    %get3A_2 = arith.constant 0 : index
    %get3A_3 = arith.constant 0 : index
    %get3A_4 = vector.load %arg1[%get3A_2, %get3A_3] : memref<8x2048xf32, #tpu.memory_space<vmem>>, vector<8x2048xf32>
    %get3A_5 = arith.constant 0 : index
    %get3A_6 = arith.constant 0 : index
    %get3A_7 = vector.load %arg2[%get3A_5, %get3A_6] : memref<8x2048xf32, #tpu.memory_space<vmem>>, vector<8x2048xf32>
    %iota3A = tpu.iota {dimensions = array<i32: 1>} : vector<8x2048xi32>
    %iota3A_8 = tpu.iota {dimensions = array<i32: 1>} : vector<8x512xi32>
    %broadcast_in_dim3A = arith.constant 1.000000e+10 : f32
    %broadcast_in_dim3A_9 = vector.broadcast %broadcast_in_dim3A : f32 to vector<8x2048xf32>
    %get3A_10 = arith.constant 0 : index
    %get3A_11 = arith.constant 0 : index
    %get3A_12 = vector.load %arg3[%get3A_10, %get3A_11] : memref<8x1xi32, #tpu.memory_space<vmem>>, vector<8x1xi32>
    %broadcast_in_dim3A_13 = arith.constant 0 : i32
    %broadcast_in_dim3A_14 = vector.broadcast %broadcast_in_dim3A_13 : i32 to vector<8x512xi32>
    %scan3A = arith.constant 0 : i32
    %scan3A_15 = arith.constant 128 : i32
    %scan3A_16 = arith.addi %scan3A, %scan3A_15 : i32
    %scan3A_17 = arith.constant 1 : i32
    %scan3A_18:3 = scf.for %scan3A_22 = %scan3A to %scan3A_16 step %scan3A_17 iter_args(%scan3A_23 = %broadcast_in_dim3A_9, %scan3A_24 = %get3A_12, %scan3A_25 = %broadcast_in_dim3A_14) -> (vector<8x2048xf32>, vector<8x1xi32>, vector<8x512xi32>)  : i32 {
      %mul3A = arith.constant 4 : i32
      %mul3A_26 = arith.muli %scan3A_22, %mul3A : i32
      %add3A = arith.constant 0 : i32
      %add3A_27 = arith.addi %mul3A_26, %add3A : i32
      %eq3A = vector.broadcast %add3A_27 : i32 to vector<8x512xi32>
      %eq3A_28 = arith.cmpi eq, %iota3A_8, %eq3A : vector<8x512xi32>
      %broadcast_in_dim3A_29 = vector.shape_cast %scan3A_24 : vector<8x1xi32> to vector<8x1xi32>
      %broadcast_in_dim3A_30 = vector.broadcast %broadcast_in_dim3A_29 : vector<8x1xi32> to vector<8x512xi32>
      %select_n3A = arith.select %eq3A_28, %broadcast_in_dim3A_30, %scan3A_25 : vector<8x512xi1>, vector<8x512xi32>
      %eq3A_31 = vector.broadcast %scan3A_24 : vector<8x1xi32> to vector<8x2048xi32>
      %eq3A_32 = arith.cmpi eq, %iota3A, %eq3A_31 : vector<8x2048xi32>
      %jit3A = arith.constant 0.000000e+00 : f32
      %broadcast_in_dim3A_33 = vector.broadcast %jit3A : f32 to vector<8x2048xf32>
      %select_n3A_34 = arith.select %eq3A_32, %get3A_1, %broadcast_in_dim3A_33 : vector<8x2048xi1>, vector<8x2048xf32>
      %reduce_sum3A = arith.constant dense<0.000000e+00> : vector<8xf32>
      %reduce_sum3A_35 = vector.multi_reduction <add>, %select_n3A_34, %reduce_sum3A [1] : vector<8x2048xf32> to vector<8xf32>
      %broadcast_in_dim3A_36 = vector.shape_cast %reduce_sum3A_35 : vector<8xf32> to vector<8x1xf32>
      %jit3A_37 = arith.constant 0.000000e+00 : f32
      %broadcast_in_dim3A_38 = vector.broadcast %jit3A_37 : f32 to vector<8x2048xf32>
      %select_n3A_39 = arith.select %eq3A_32, %get3A_4, %broadcast_in_dim3A_38 : vector<8x2048xi1>, vector<8x2048xf32>
      %reduce_sum3A_40 = arith.constant dense<0.000000e+00> : vector<8xf32>
      %reduce_sum3A_41 = vector.multi_reduction <add>, %select_n3A_39, %reduce_sum3A_40 [1] : vector<8x2048xf32> to vector<8xf32>
      %broadcast_in_dim3A_42 = vector.shape_cast %reduce_sum3A_41 : vector<8xf32> to vector<8x1xf32>
      %jit3A_43 = arith.constant 0.000000e+00 : f32
      %broadcast_in_dim3A_44 = vector.broadcast %jit3A_43 : f32 to vector<8x2048xf32>
      %select_n3A_45 = arith.select %eq3A_32, %get3A_7, %broadcast_in_dim3A_44 : vector<8x2048xi1>, vector<8x2048xf32>
      %reduce_sum3A_46 = arith.constant dense<0.000000e+00> : vector<8xf32>
      %reduce_sum3A_47 = vector.multi_reduction <add>, %select_n3A_45, %reduce_sum3A_46 [1] : vector<8x2048xf32> to vector<8xf32>
      %broadcast_in_dim3A_48 = vector.shape_cast %reduce_sum3A_47 : vector<8xf32> to vector<8x1xf32>
      %sub3A = vector.broadcast %broadcast_in_dim3A_36 : vector<8x1xf32> to vector<8x2048xf32>
      %sub3A_49 = arith.subf %get3A_1, %sub3A : vector<8x2048xf32>
      %sub3A_50 = vector.broadcast %broadcast_in_dim3A_42 : vector<8x1xf32> to vector<8x2048xf32>
      %sub3A_51 = arith.subf %get3A_4, %sub3A_50 : vector<8x2048xf32>
      %sub3A_52 = vector.broadcast %broadcast_in_dim3A_48 : vector<8x1xf32> to vector<8x2048xf32>
      %sub3A_53 = arith.subf %get3A_7, %sub3A_52 : vector<8x2048xf32>
      %mul3A_54 = arith.mulf %sub3A_49, %sub3A_49 : vector<8x2048xf32>
      %mul3A_55 = arith.mulf %sub3A_51, %sub3A_51 : vector<8x2048xf32>
      %add3A_56 = arith.addf %mul3A_54, %mul3A_55 : vector<8x2048xf32>
      %mul3A_57 = arith.mulf %sub3A_53, %sub3A_53 : vector<8x2048xf32>
      %add3A_58 = arith.addf %add3A_56, %mul3A_57 : vector<8x2048xf32>
      %min3A = arith.minimumf %scan3A_23, %add3A_58 : vector<8x2048xf32>
      %reduce_max3A = arith.constant dense<0xFF800000> : vector<8xf32>
      %reduce_max3A_59 = vector.multi_reduction <maximumf>, %min3A, %reduce_max3A [1] : vector<8x2048xf32> to vector<8xf32>
      %broadcast_in_dim3A_60 = vector.shape_cast %reduce_max3A_59 : vector<8xf32> to vector<8x1xf32>
      %eq3A_61 = vector.broadcast %broadcast_in_dim3A_60 : vector<8x1xf32> to vector<8x2048xf32>
      %eq3A_62 = arith.cmpf oeq, %min3A, %eq3A_61 : vector<8x2048xf32>
      %jit3A_63 = arith.constant 2048 : i32
      %broadcast_in_dim3A_64 = vector.broadcast %jit3A_63 : i32 to vector<8x2048xi32>
      %select_n3A_65 = arith.select %eq3A_62, %iota3A, %broadcast_in_dim3A_64 : vector<8x2048xi1>, vector<8x2048xi32>
      %reduce_min3A = arith.constant dense<2147483647> : vector<8xi32>
      %reduce_min3A_66 = vector.multi_reduction <minsi>, %select_n3A_65, %reduce_min3A [1] : vector<8x2048xi32> to vector<8xi32>
      %broadcast_in_dim3A_67 = vector.shape_cast %reduce_min3A_66 : vector<8xi32> to vector<8x1xi32>
      %add3A_68 = arith.constant 1 : i32
      %add3A_69 = arith.addi %mul3A_26, %add3A_68 : i32
      %eq3A_70 = vector.broadcast %add3A_69 : i32 to vector<8x512xi32>
      %eq3A_71 = arith.cmpi eq, %iota3A_8, %eq3A_70 : vector<8x512xi32>
      %broadcast_in_dim3A_72 = vector.shape_cast %broadcast_in_dim3A_67 : vector<8x1xi32> to vector<8x1xi32>
      %broadcast_in_dim3A_73 = vector.broadcast %broadcast_in_dim3A_72 : vector<8x1xi32> to vector<8x512xi32>
      %select_n3A_74 = arith.select %eq3A_71, %broadcast_in_dim3A_73, %select_n3A : vector<8x512xi1>, vector<8x512xi32>
      %eq3A_75 = vector.broadcast %broadcast_in_dim3A_67 : vector<8x1xi32> to vector<8x2048xi32>
      %eq3A_76 = arith.cmpi eq, %iota3A, %eq3A_75 : vector<8x2048xi32>
      %jit3A_77 = arith.constant 0.000000e+00 : f32
      %broadcast_in_dim3A_78 = vector.broadcast %jit3A_77 : f32 to vector<8x2048xf32>
      %select_n3A_79 = arith.select %eq3A_76, %get3A_1, %broadcast_in_dim3A_78 : vector<8x2048xi1>, vector<8x2048xf32>
      %reduce_sum3A_80 = arith.constant dense<0.000000e+00> : vector<8xf32>
      %reduce_sum3A_81 = vector.multi_reduction <add>, %select_n3A_79, %reduce_sum3A_80 [1] : vector<8x2048xf32> to vector<8xf32>
      %broadcast_in_dim3A_82 = vector.shape_cast %reduce_sum3A_81 : vector<8xf32> to vector<8x1xf32>
      %jit3A_83 = arith.constant 0.000000e+00 : f32
      %broadcast_in_dim3A_84 = vector.broadcast %jit3A_83 : f32 to vector<8x2048xf32>
      %select_n3A_85 = arith.select %eq3A_76, %get3A_4, %broadcast_in_dim3A_84 : vector<8x2048xi1>, vector<8x2048xf32>
      %reduce_sum3A_86 = arith.constant dense<0.000000e+00> : vector<8xf32>
      %reduce_sum3A_87 = vector.multi_reduction <add>, %select_n3A_85, %reduce_sum3A_86 [1] : vector<8x2048xf32> to vector<8xf32>
      %broadcast_in_dim3A_88 = vector.shape_cast %reduce_sum3A_87 : vector<8xf32> to vector<8x1xf32>
      %jit3A_89 = arith.constant 0.000000e+00 : f32
      %broadcast_in_dim3A_90 = vector.broadcast %jit3A_89 : f32 to vector<8x2048xf32>
      %select_n3A_91 = arith.select %eq3A_76, %get3A_7, %broadcast_in_dim3A_90 : vector<8x2048xi1>, vector<8x2048xf32>
      %reduce_sum3A_92 = arith.constant dense<0.000000e+00> : vector<8xf32>
      %reduce_sum3A_93 = vector.multi_reduction <add>, %select_n3A_91, %reduce_sum3A_92 [1] : vector<8x2048xf32> to vector<8xf32>
      %broadcast_in_dim3A_94 = vector.shape_cast %reduce_sum3A_93 : vector<8xf32> to vector<8x1xf32>
      %sub3A_95 = vector.broadcast %broadcast_in_dim3A_82 : vector<8x1xf32> to vector<8x2048xf32>
      %sub3A_96 = arith.subf %get3A_1, %sub3A_95 : vector<8x2048xf32>
      %sub3A_97 = vector.broadcast %broadcast_in_dim3A_88 : vector<8x1xf32> to vector<8x2048xf32>
      %sub3A_98 = arith.subf %get3A_4, %sub3A_97 : vector<8x2048xf32>
      %sub3A_99 = vector.broadcast %broadcast_in_dim3A_94 : vector<8x1xf32> to vector<8x2048xf32>
      %sub3A_100 = arith.subf %get3A_7, %sub3A_99 : vector<8x2048xf32>
      %mul3A_101 = arith.mulf %sub3A_96, %sub3A_96 : vector<8x2048xf32>
      %mul3A_102 = arith.mulf %sub3A_98, %sub3A_98 : vector<8x2048xf32>
      %add3A_103 = arith.addf %mul3A_101, %mul3A_102 : vector<8x2048xf32>
      %mul3A_104 = arith.mulf %sub3A_100, %sub3A_100 : vector<8x2048xf32>
      %add3A_105 = arith.addf %add3A_103, %mul3A_104 : vector<8x2048xf32>
      %min3A_106 = arith.minimumf %min3A, %add3A_105 : vector<8x2048xf32>
      %reduce_max3A_107 = arith.constant dense<0xFF800000> : vector<8xf32>
      %reduce_max3A_108 = vector.multi_reduction <maximumf>, %min3A_106, %reduce_max3A_107 [1] : vector<8x2048xf32> to vector<8xf32>
      %broadcast_in_dim3A_109 = vector.shape_cast %reduce_max3A_108 : vector<8xf32> to vector<8x1xf32>
      %eq3A_110 = vector.broadcast %broadcast_in_dim3A_109 : vector<8x1xf32> to vector<8x2048xf32>
      %eq3A_111 = arith.cmpf oeq, %min3A_106, %eq3A_110 : vector<8x2048xf32>
      %jit3A_112 = arith.constant 2048 : i32
      %broadcast_in_dim3A_113 = vector.broadcast %jit3A_112 : i32 to vector<8x2048xi32>
      %select_n3A_114 = arith.select %eq3A_111, %iota3A, %broadcast_in_dim3A_113 : vector<8x2048xi1>, vector<8x2048xi32>
      %reduce_min3A_115 = arith.constant dense<2147483647> : vector<8xi32>
      %reduce_min3A_116 = vector.multi_reduction <minsi>, %select_n3A_114, %reduce_min3A_115 [1] : vector<8x2048xi32> to vector<8xi32>
      %broadcast_in_dim3A_117 = vector.shape_cast %reduce_min3A_116 : vector<8xi32> to vector<8x1xi32>
      %add3A_118 = arith.constant 2 : i32
      %add3A_119 = arith.addi %mul3A_26, %add3A_118 : i32
      %eq3A_120 = vector.broadcast %add3A_119 : i32 to vector<8x512xi32>
      %eq3A_121 = arith.cmpi eq, %iota3A_8, %eq3A_120 : vector<8x512xi32>
      %broadcast_in_dim3A_122 = vector.shape_cast %broadcast_in_dim3A_117 : vector<8x1xi32> to vector<8x1xi32>
      %broadcast_in_dim3A_123 = vector.broadcast %broadcast_in_dim3A_122 : vector<8x1xi32> to vector<8x512xi32>
      %select_n3A_124 = arith.select %eq3A_121, %broadcast_in_dim3A_123, %select_n3A_74 : vector<8x512xi1>, vector<8x512xi32>
      %eq3A_125 = vector.broadcast %broadcast_in_dim3A_117 : vector<8x1xi32> to vector<8x2048xi32>
      %eq3A_126 = arith.cmpi eq, %iota3A, %eq3A_125 : vector<8x2048xi32>
      %jit3A_127 = arith.constant 0.000000e+00 : f32
      %broadcast_in_dim3A_128 = vector.broadcast %jit3A_127 : f32 to vector<8x2048xf32>
      %select_n3A_129 = arith.select %eq3A_126, %get3A_1, %broadcast_in_dim3A_128 : vector<8x2048xi1>, vector<8x2048xf32>
      %reduce_sum3A_130 = arith.constant dense<0.000000e+00> : vector<8xf32>
      %reduce_sum3A_131 = vector.multi_reduction <add>, %select_n3A_129, %reduce_sum3A_130 [1] : vector<8x2048xf32> to vector<8xf32>
      %broadcast_in_dim3A_132 = vector.shape_cast %reduce_sum3A_131 : vector<8xf32> to vector<8x1xf32>
      %jit3A_133 = arith.constant 0.000000e+00 : f32
      %broadcast_in_dim3A_134 = vector.broadcast %jit3A_133 : f32 to vector<8x2048xf32>
      %select_n3A_135 = arith.select %eq3A_126, %get3A_4, %broadcast_in_dim3A_134 : vector<8x2048xi1>, vector<8x2048xf32>
      %reduce_sum3A_136 = arith.constant dense<0.000000e+00> : vector<8xf32>
      %reduce_sum3A_137 = vector.multi_reduction <add>, %select_n3A_135, %reduce_sum3A_136 [1] : vector<8x2048xf32> to vector<8xf32>
      %broadcast_in_dim3A_138 = vector.shape_cast %reduce_sum3A_137 : vector<8xf32> to vector<8x1xf32>
      %jit3A_139 = arith.constant 0.000000e+00 : f32
      %broadcast_in_dim3A_140 = vector.broadcast %jit3A_139 : f32 to vector<8x2048xf32>
      %select_n3A_141 = arith.select %eq3A_126, %get3A_7, %broadcast_in_dim3A_140 : vector<8x2048xi1>, vector<8x2048xf32>
      %reduce_sum3A_142 = arith.constant dense<0.000000e+00> : vector<8xf32>
      %reduce_sum3A_143 = vector.multi_reduction <add>, %select_n3A_141, %reduce_sum3A_142 [1] : vector<8x2048xf32> to vector<8xf32>
      %broadcast_in_dim3A_144 = vector.shape_cast %reduce_sum3A_143 : vector<8xf32> to vector<8x1xf32>
      %sub3A_145 = vector.broadcast %broadcast_in_dim3A_132 : vector<8x1xf32> to vector<8x2048xf32>
      %sub3A_146 = arith.subf %get3A_1, %sub3A_145 : vector<8x2048xf32>
      %sub3A_147 = vector.broadcast %broadcast_in_dim3A_138 : vector<8x1xf32> to vector<8x2048xf32>
      %sub3A_148 = arith.subf %get3A_4, %sub3A_147 : vector<8x2048xf32>
      %sub3A_149 = vector.broadcast %broadcast_in_dim3A_144 : vector<8x1xf32> to vector<8x2048xf32>
      %sub3A_150 = arith.subf %get3A_7, %sub3A_149 : vector<8x2048xf32>
      %mul3A_151 = arith.mulf %sub3A_146, %sub3A_146 : vector<8x2048xf32>
      %mul3A_152 = arith.mulf %sub3A_148, %sub3A_148 : vector<8x2048xf32>
      %add3A_153 = arith.addf %mul3A_151, %mul3A_152 : vector<8x2048xf32>
      %mul3A_154 = arith.mulf %sub3A_150, %sub3A_150 : vector<8x2048xf32>
      %add3A_155 = arith.addf %add3A_153, %mul3A_154 : vector<8x2048xf32>
      %min3A_156 = arith.minimumf %min3A_106, %add3A_155 : vector<8x2048xf32>
      %reduce_max3A_157 = arith.constant dense<0xFF800000> : vector<8xf32>
      %reduce_max3A_158 = vector.multi_reduction <maximumf>, %min3A_156, %reduce_max3A_157 [1] : vector<8x2048xf32> to vector<8xf32>
      %broadcast_in_dim3A_159 = vector.shape_cast %reduce_max3A_158 : vector<8xf32> to vector<8x1xf32>
      %eq3A_160 = vector.broadcast %broadcast_in_dim3A_159 : vector<8x1xf32> to vector<8x2048xf32>
      %eq3A_161 = arith.cmpf oeq, %min3A_156, %eq3A_160 : vector<8x2048xf32>
      %jit3A_162 = arith.constant 2048 : i32
      %broadcast_in_dim3A_163 = vector.broadcast %jit3A_162 : i32 to vector<8x2048xi32>
      %select_n3A_164 = arith.select %eq3A_161, %iota3A, %broadcast_in_dim3A_163 : vector<8x2048xi1>, vector<8x2048xi32>
      %reduce_min3A_165 = arith.constant dense<2147483647> : vector<8xi32>
      %reduce_min3A_166 = vector.multi_reduction <minsi>, %select_n3A_164, %reduce_min3A_165 [1] : vector<8x2048xi32> to vector<8xi32>
      %broadcast_in_dim3A_167 = vector.shape_cast %reduce_min3A_166 : vector<8xi32> to vector<8x1xi32>
      %add3A_168 = arith.constant 3 : i32
      %add3A_169 = arith.addi %mul3A_26, %add3A_168 : i32
      %eq3A_170 = vector.broadcast %add3A_169 : i32 to vector<8x512xi32>
      %eq3A_171 = arith.cmpi eq, %iota3A_8, %eq3A_170 : vector<8x512xi32>
      %broadcast_in_dim3A_172 = vector.shape_cast %broadcast_in_dim3A_167 : vector<8x1xi32> to vector<8x1xi32>
      %broadcast_in_dim3A_173 = vector.broadcast %broadcast_in_dim3A_172 : vector<8x1xi32> to vector<8x512xi32>
      %select_n3A_174 = arith.select %eq3A_171, %broadcast_in_dim3A_173, %select_n3A_124 : vector<8x512xi1>, vector<8x512xi32>
      %eq3A_175 = vector.broadcast %broadcast_in_dim3A_167 : vector<8x1xi32> to vector<8x2048xi32>
      %eq3A_176 = arith.cmpi eq, %iota3A, %eq3A_175 : vector<8x2048xi32>
      %jit3A_177 = arith.constant 0.000000e+00 : f32
      %broadcast_in_dim3A_178 = vector.broadcast %jit3A_177 : f32 to vector<8x2048xf32>
      %select_n3A_179 = arith.select %eq3A_176, %get3A_1, %broadcast_in_dim3A_178 : vector<8x2048xi1>, vector<8x2048xf32>
      %reduce_sum3A_180 = arith.constant dense<0.000000e+00> : vector<8xf32>
      %reduce_sum3A_181 = vector.multi_reduction <add>, %select_n3A_179, %reduce_sum3A_180 [1] : vector<8x2048xf32> to vector<8xf32>
      %broadcast_in_dim3A_182 = vector.shape_cast %reduce_sum3A_181 : vector<8xf32> to vector<8x1xf32>
      %jit3A_183 = arith.constant 0.000000e+00 : f32
      %broadcast_in_dim3A_184 = vector.broadcast %jit3A_183 : f32 to vector<8x2048xf32>
      %select_n3A_185 = arith.select %eq3A_176, %get3A_4, %broadcast_in_dim3A_184 : vector<8x2048xi1>, vector<8x2048xf32>
      %reduce_sum3A_186 = arith.constant dense<0.000000e+00> : vector<8xf32>
      %reduce_sum3A_187 = vector.multi_reduction <add>, %select_n3A_185, %reduce_sum3A_186 [1] : vector<8x2048xf32> to vector<8xf32>
      %broadcast_in_dim3A_188 = vector.shape_cast %reduce_sum3A_187 : vector<8xf32> to vector<8x1xf32>
      %jit3A_189 = arith.constant 0.000000e+00 : f32
      %broadcast_in_dim3A_190 = vector.broadcast %jit3A_189 : f32 to vector<8x2048xf32>
      %select_n3A_191 = arith.select %eq3A_176, %get3A_7, %broadcast_in_dim3A_190 : vector<8x2048xi1>, vector<8x2048xf32>
      %reduce_sum3A_192 = arith.constant dense<0.000000e+00> : vector<8xf32>
      %reduce_sum3A_193 = vector.multi_reduction <add>, %select_n3A_191, %reduce_sum3A_192 [1] : vector<8x2048xf32> to vector<8xf32>
      %broadcast_in_dim3A_194 = vector.shape_cast %reduce_sum3A_193 : vector<8xf32> to vector<8x1xf32>
      %sub3A_195 = vector.broadcast %broadcast_in_dim3A_182 : vector<8x1xf32> to vector<8x2048xf32>
      %sub3A_196 = arith.subf %get3A_1, %sub3A_195 : vector<8x2048xf32>
      %sub3A_197 = vector.broadcast %broadcast_in_dim3A_188 : vector<8x1xf32> to vector<8x2048xf32>
      %sub3A_198 = arith.subf %get3A_4, %sub3A_197 : vector<8x2048xf32>
      %sub3A_199 = vector.broadcast %broadcast_in_dim3A_194 : vector<8x1xf32> to vector<8x2048xf32>
      %sub3A_200 = arith.subf %get3A_7, %sub3A_199 : vector<8x2048xf32>
      %mul3A_201 = arith.mulf %sub3A_196, %sub3A_196 : vector<8x2048xf32>
      %mul3A_202 = arith.mulf %sub3A_198, %sub3A_198 : vector<8x2048xf32>
      %add3A_203 = arith.addf %mul3A_201, %mul3A_202 : vector<8x2048xf32>
      %mul3A_204 = arith.mulf %sub3A_200, %sub3A_200 : vector<8x2048xf32>
      %add3A_205 = arith.addf %add3A_203, %mul3A_204 : vector<8x2048xf32>
      %min3A_206 = arith.minimumf %min3A_156, %add3A_205 : vector<8x2048xf32>
      %reduce_max3A_207 = arith.constant dense<0xFF800000> : vector<8xf32>
      %reduce_max3A_208 = vector.multi_reduction <maximumf>, %min3A_206, %reduce_max3A_207 [1] : vector<8x2048xf32> to vector<8xf32>
      %broadcast_in_dim3A_209 = vector.shape_cast %reduce_max3A_208 : vector<8xf32> to vector<8x1xf32>
      %eq3A_210 = vector.broadcast %broadcast_in_dim3A_209 : vector<8x1xf32> to vector<8x2048xf32>
      %eq3A_211 = arith.cmpf oeq, %min3A_206, %eq3A_210 : vector<8x2048xf32>
      %jit3A_212 = arith.constant 2048 : i32
      %broadcast_in_dim3A_213 = vector.broadcast %jit3A_212 : i32 to vector<8x2048xi32>
      %select_n3A_214 = arith.select %eq3A_211, %iota3A, %broadcast_in_dim3A_213 : vector<8x2048xi1>, vector<8x2048xi32>
      %reduce_min3A_215 = arith.constant dense<2147483647> : vector<8xi32>
      %reduce_min3A_216 = vector.multi_reduction <minsi>, %select_n3A_214, %reduce_min3A_215 [1] : vector<8x2048xi32> to vector<8xi32>
      %broadcast_in_dim3A_217 = vector.shape_cast %reduce_min3A_216 : vector<8xi32> to vector<8x1xi32>
      scf.yield %min3A_206, %broadcast_in_dim3A_217, %select_n3A_174 : vector<8x2048xf32>, vector<8x1xi32>, vector<8x512xi32>
    }
    %scan3A_19 = arith.constant 128 : i32
    %swap3A = arith.constant 0 : index
    %swap3A_20 = arith.constant 0 : index
    %swap3A_21 = vector.load %arg4[%swap3A, %swap3A_20] : memref<8x512xi32, #tpu.memory_space<vmem>>, vector<8x512xi32>
    tpu.vector_store %arg4[%swap3A, %swap3A_20], %scan3A_18#2 {strides = array<i32>} : memref<8x512xi32, #tpu.memory_space<vmem>>, vector<8x512xi32>,
    return
  }
}

module attributes {stable_mosaic.version = 14 : i64} {
  func.func @_knn_body(%arg0: i32, %arg1: memref<1x2048x3xf32, #tpu.memory_space<vmem>>, %arg2: memref<1x1x2048xf32, #tpu.memory_space<vmem>>, %arg3: memref<1x1x2048xf32, #tpu.memory_space<vmem>>, %arg4: memref<1x1x2048xf32, #tpu.memory_space<vmem>>, %arg5: memref<1x512x1xi32, #tpu.memory_space<vmem>>, %arg6: memref<1x512x32xi32, #tpu.memory_space<vmem>>) attributes {dimension_semantics = [#tpu.dimension_semantics<arbitrary>], iteration_bounds = array<i64: 8>, scalar_prefetch = 0 : i64, scratch_operands = 0 : i64, tpu.core_type = #tpu.core_type<tc>, window_params = [{transform_indices = @transform_0, window_bounds = array<i64: 1, 2048, 3>}, {transform_indices = @transform_1, window_bounds = array<i64: 1, 1, 2048>}, {transform_indices = @transform_2, window_bounds = array<i64: 1, 1, 2048>}, {transform_indices = @transform_3, window_bounds = array<i64: 1, 1, 2048>}, {transform_indices = @transform_4, window_bounds = array<i64: 1, 512, 1>}, {transform_indices = @transform_5, window_bounds = array<i64: 1, 512, 32>}]} {
    %get3A = arith.constant 0 : index
    %get3A_0 = arith.constant 0 : index
    %get3A_1 = arith.constant 0 : index
    %get3A_2 = vector.load %arg1[%get3A, %get3A_0, %get3A_1] : memref<1x2048x3xf32, #tpu.memory_space<vmem>>, vector<1x2048x3xf32>
    %get3A_3 = vector.shape_cast %get3A_2 : vector<1x2048x3xf32> to vector<2048x3xf32>
    %get3A_4 = arith.constant 0 : index
    %get3A_5 = arith.constant 0 : index
    %get3A_6 = arith.constant 0 : index
    %get3A_7 = vector.load %arg2[%get3A_4, %get3A_5, %get3A_6] : memref<1x1x2048xf32, #tpu.memory_space<vmem>>, vector<1x1x2048xf32>
    %get3A_8 = vector.shape_cast %get3A_7 : vector<1x1x2048xf32> to vector<1x2048xf32>
    %get3A_9 = arith.constant 0 : index
    %get3A_10 = arith.constant 0 : index
    %get3A_11 = arith.constant 0 : index
    %get3A_12 = vector.load %arg3[%get3A_9, %get3A_10, %get3A_11] : memref<1x1x2048xf32, #tpu.memory_space<vmem>>, vector<1x1x2048xf32>
    %get3A_13 = vector.shape_cast %get3A_12 : vector<1x1x2048xf32> to vector<1x2048xf32>
    %get3A_14 = arith.constant 0 : index
    %get3A_15 = arith.constant 0 : index
    %get3A_16 = arith.constant 0 : index
    %get3A_17 = vector.load %arg4[%get3A_14, %get3A_15, %get3A_16] : memref<1x1x2048xf32, #tpu.memory_space<vmem>>, vector<1x1x2048xf32>
    %get3A_18 = vector.shape_cast %get3A_17 : vector<1x1x2048xf32> to vector<1x2048xf32>
    %get3A_19 = arith.constant 0 : index
    %get3A_20 = arith.constant 0 : index
    %get3A_21 = arith.constant 0 : index
    %get3A_22 = vector.load %arg5[%get3A_19, %get3A_20, %get3A_21] : memref<1x512x1xi32, #tpu.memory_space<vmem>>, vector<1x512x1xi32>
    %get3A_23 = vector.shape_cast %get3A_22 : vector<1x512x1xi32> to vector<512x1xi32>
    %iota3A = tpu.iota {dimensions = array<i32: 1>} : vector<512x2048xi32>
    %eq3A = vector.broadcast %get3A_23 : vector<512x1xi32> to vector<512x2048xi32>
    %eq3A_24 = arith.cmpi eq, %iota3A, %eq3A : vector<512x2048xi32>
    %convert_element_type3A = arith.extui %eq3A_24 : vector<512x2048xi1> to vector<512x2048xi32>
    %convert_element_type3A_25 = arith.sitofp %convert_element_type3A : vector<512x2048xi32> to vector<512x2048xf32>
    %slice3A = vector.extract_strided_slice %get3A_3 {offsets = [0, 0], sizes = [2048, 1], strides = [1, 1]} : vector<2048x3xf32> to vector<2048x1xf32>
    %slice3A_26 = vector.extract_strided_slice %get3A_3 {offsets = [0, 1], sizes = [2048, 1], strides = [1, 1]} : vector<2048x3xf32> to vector<2048x1xf32>
    %slice3A_27 = vector.extract_strided_slice %get3A_3 {offsets = [0, 2], sizes = [2048, 1], strides = [1, 1]} : vector<2048x3xf32> to vector<2048x1xf32>
    %mul3A = arith.mulf %slice3A, %slice3A : vector<2048x1xf32>
    %mul3A_28 = arith.mulf %slice3A_26, %slice3A_26 : vector<2048x1xf32>
    %add3A = arith.addf %mul3A, %mul3A_28 : vector<2048x1xf32>
    %mul3A_29 = arith.mulf %slice3A_27, %slice3A_27 : vector<2048x1xf32>
    %add3A_30 = arith.addf %add3A, %mul3A_29 : vector<2048x1xf32>
    %concatenate3A = tpu.concatenate %get3A_3, %add3A_30 in 1 : vector<2048x3xf32>, vector<2048x1xf32> -> vector<2048x4xf32>
    %dot_general3A = arith.constant dense<0.000000e+00> : vector<512x4xf32>
    %dot_general3A_31 = tpu.matmul %convert_element_type3A_25, %concatenate3A, %dot_general3A {dimension_numbers = #tpu.dot_dimension_numbers<[1], [0], [0], [1], [0, 0, 1, 1], [], []>, transpose_lhs_hint = false} : vector<512x2048xf32>, vector<2048x4xf32>, vector<512x4xf32> -> vector<512x4xf32>
    %slice3A_32 = vector.extract_strided_slice %dot_general3A_31 {offsets = [0, 0], sizes = [512, 3], strides = [1, 1]} : vector<512x4xf32> to vector<512x3xf32>
    %slice3A_33 = vector.extract_strided_slice %dot_general3A_31 {offsets = [0, 3], sizes = [512, 1], strides = [1, 1]} : vector<512x4xf32> to vector<512x1xf32>
    %mul3A_34 = arith.mulf %get3A_8, %get3A_8 : vector<1x2048xf32>
    %mul3A_35 = arith.mulf %get3A_13, %get3A_13 : vector<1x2048xf32>
    %add3A_36 = arith.addf %mul3A_34, %mul3A_35 : vector<1x2048xf32>
    %mul3A_37 = arith.mulf %get3A_18, %get3A_18 : vector<1x2048xf32>
    %add3A_38 = arith.addf %add3A_36, %mul3A_37 : vector<1x2048xf32>
    %dot_general3A_39 = arith.constant dense<0.000000e+00> : vector<512x2048xf32>
    %dot_general3A_40 = tpu.matmul %slice3A_32, %get3A_3, %dot_general3A_39 {dimension_numbers = #tpu.dot_dimension_numbers<[1], [1], [0], [0], [0, 0, 1, 0], [], []>, transpose_lhs_hint = false} : vector<512x3xf32>, vector<2048x3xf32>, vector<512x2048xf32> -> vector<512x2048xf32>
    %add3A_41 = vector.broadcast %slice3A_33 : vector<512x1xf32> to vector<512x2048xf32>
    %add3A_42 = vector.broadcast %add3A_38 : vector<1x2048xf32> to vector<512x2048xf32>
    %add3A_43 = arith.addf %add3A_41, %add3A_42 : vector<512x2048xf32>
    %mul3A_44 = arith.constant 2.000000e+00 : f32
    %mul3A_45 = vector.broadcast %mul3A_44 : f32 to vector<512x2048xf32>
    %mul3A_46 = arith.mulf %mul3A_45, %dot_general3A_40 : vector<512x2048xf32>
    %sub3A = arith.subf %add3A_43, %mul3A_46 : vector<512x2048xf32>
    %iota3A_47 = tpu.iota {dimensions = array<i32: 1>} : vector<512x32xi32>
    %broadcast_in_dim3A = arith.constant 0 : i32
    %broadcast_in_dim3A_48 = vector.broadcast %broadcast_in_dim3A : i32 to vector<512x32xi32>
    %reduce_min3A = arith.constant dense<0x7F800000> : vector<512xf32>
    %reduce_min3A_49 = vector.multi_reduction <minimumf>, %sub3A, %reduce_min3A [1] : vector<512x2048xf32> to vector<512xf32>
    %broadcast_in_dim3A_50 = vector.shape_cast %reduce_min3A_49 : vector<512xf32> to vector<512x1xf32>
    %eq3A_51 = vector.broadcast %broadcast_in_dim3A_50 : vector<512x1xf32> to vector<512x2048xf32>
    %eq3A_52 = arith.cmpf oeq, %sub3A, %eq3A_51 : vector<512x2048xf32>
    %jit3A = arith.constant 2048 : i32
    %broadcast_in_dim3A_53 = vector.broadcast %jit3A : i32 to vector<512x2048xi32>
    %select_n3A = arith.select %eq3A_52, %iota3A, %broadcast_in_dim3A_53 : vector<512x2048xi1>, vector<512x2048xi32>
    %reduce_min3A_54 = arith.constant dense<2147483647> : vector<512xi32>
    %reduce_min3A_55 = vector.multi_reduction <minsi>, %select_n3A, %reduce_min3A_54 [1] : vector<512x2048xi32> to vector<512xi32>
    %broadcast_in_dim3A_56 = vector.shape_cast %reduce_min3A_55 : vector<512xi32> to vector<512x1xi32>
    %eq3A_57 = arith.constant 0 : i32
    %eq3A_58 = vector.broadcast %eq3A_57 : i32 to vector<512x32xi32>
    %eq3A_59 = arith.cmpi eq, %iota3A_47, %eq3A_58 : vector<512x32xi32>
    %broadcast_in_dim3A_60 = vector.shape_cast %broadcast_in_dim3A_56 : vector<512x1xi32> to vector<512x1xi32>
    %broadcast_in_dim3A_61 = vector.broadcast %broadcast_in_dim3A_60 : vector<512x1xi32> to vector<512x32xi32>
    %select_n3A_62 = arith.select %eq3A_59, %broadcast_in_dim3A_61, %broadcast_in_dim3A_48 : vector<512x32xi1>, vector<512x32xi32>
    %eq3A_63 = vector.broadcast %broadcast_in_dim3A_56 : vector<512x1xi32> to vector<512x2048xi32>
    %eq3A_64 = arith.cmpi eq, %iota3A, %eq3A_63 : vector<512x2048xi32>
    %jit3A_65 = arith.constant 0x7F800000 : f32
    %broadcast_in_dim3A_66 = vector.broadcast %jit3A_65 : f32 to vector<512x2048xf32>
    %select_n3A_67 = arith.select %eq3A_64, %broadcast_in_dim3A_66, %sub3A : vector<512x2048xi1>, vector<512x2048xf32>
    %reduce_min3A_68 = arith.constant dense<0x7F800000> : vector<512xf32>
    %reduce_min3A_69 = vector.multi_reduction <minimumf>, %select_n3A_67, %reduce_min3A_68 [1] : vector<512x2048xf32> to vector<512xf32>
    %broadcast_in_dim3A_70 = vector.shape_cast %reduce_min3A_69 : vector<512xf32> to vector<512x1xf32>
    %eq3A_71 = vector.broadcast %broadcast_in_dim3A_70 : vector<512x1xf32> to vector<512x2048xf32>
    %eq3A_72 = arith.cmpf oeq, %select_n3A_67, %eq3A_71 : vector<512x2048xf32>
    %jit3A_73 = arith.constant 2048 : i32
    %broadcast_in_dim3A_74 = vector.broadcast %jit3A_73 : i32 to vector<512x2048xi32>
    %select_n3A_75 = arith.select %eq3A_72, %iota3A, %broadcast_in_dim3A_74 : vector<512x2048xi1>, vector<512x2048xi32>
    %reduce_min3A_76 = arith.constant dense<2147483647> : vector<512xi32>
    %reduce_min3A_77 = vector.multi_reduction <minsi>, %select_n3A_75, %reduce_min3A_76 [1] : vector<512x2048xi32> to vector<512xi32>
    %broadcast_in_dim3A_78 = vector.shape_cast %reduce_min3A_77 : vector<512xi32> to vector<512x1xi32>
    %eq3A_79 = arith.constant 1 : i32
    %eq3A_80 = vector.broadcast %eq3A_79 : i32 to vector<512x32xi32>
    %eq3A_81 = arith.cmpi eq, %iota3A_47, %eq3A_80 : vector<512x32xi32>
    %broadcast_in_dim3A_82 = vector.shape_cast %broadcast_in_dim3A_78 : vector<512x1xi32> to vector<512x1xi32>
    %broadcast_in_dim3A_83 = vector.broadcast %broadcast_in_dim3A_82 : vector<512x1xi32> to vector<512x32xi32>
    %select_n3A_84 = arith.select %eq3A_81, %broadcast_in_dim3A_83, %select_n3A_62 : vector<512x32xi1>, vector<512x32xi32>
    %eq3A_85 = vector.broadcast %broadcast_in_dim3A_78 : vector<512x1xi32> to vector<512x2048xi32>
    %eq3A_86 = arith.cmpi eq, %iota3A, %eq3A_85 : vector<512x2048xi32>
    %jit3A_87 = arith.constant 0x7F800000 : f32
    %broadcast_in_dim3A_88 = vector.broadcast %jit3A_87 : f32 to vector<512x2048xf32>
    %select_n3A_89 = arith.select %eq3A_86, %broadcast_in_dim3A_88, %select_n3A_67 : vector<512x2048xi1>, vector<512x2048xf32>
    %reduce_min3A_90 = arith.constant dense<0x7F800000> : vector<512xf32>
    %reduce_min3A_91 = vector.multi_reduction <minimumf>, %select_n3A_89, %reduce_min3A_90 [1] : vector<512x2048xf32> to vector<512xf32>
    %broadcast_in_dim3A_92 = vector.shape_cast %reduce_min3A_91 : vector<512xf32> to vector<512x1xf32>
    %eq3A_93 = vector.broadcast %broadcast_in_dim3A_92 : vector<512x1xf32> to vector<512x2048xf32>
    %eq3A_94 = arith.cmpf oeq, %select_n3A_89, %eq3A_93 : vector<512x2048xf32>
    %jit3A_95 = arith.constant 2048 : i32
    %broadcast_in_dim3A_96 = vector.broadcast %jit3A_95 : i32 to vector<512x2048xi32>
    %select_n3A_97 = arith.select %eq3A_94, %iota3A, %broadcast_in_dim3A_96 : vector<512x2048xi1>, vector<512x2048xi32>
    %reduce_min3A_98 = arith.constant dense<2147483647> : vector<512xi32>
    %reduce_min3A_99 = vector.multi_reduction <minsi>, %select_n3A_97, %reduce_min3A_98 [1] : vector<512x2048xi32> to vector<512xi32>
    %broadcast_in_dim3A_100 = vector.shape_cast %reduce_min3A_99 : vector<512xi32> to vector<512x1xi32>
    %eq3A_101 = arith.constant 2 : i32
    %eq3A_102 = vector.broadcast %eq3A_101 : i32 to vector<512x32xi32>
    %eq3A_103 = arith.cmpi eq, %iota3A_47, %eq3A_102 : vector<512x32xi32>
    %broadcast_in_dim3A_104 = vector.shape_cast %broadcast_in_dim3A_100 : vector<512x1xi32> to vector<512x1xi32>
    %broadcast_in_dim3A_105 = vector.broadcast %broadcast_in_dim3A_104 : vector<512x1xi32> to vector<512x32xi32>
    %select_n3A_106 = arith.select %eq3A_103, %broadcast_in_dim3A_105, %select_n3A_84 : vector<512x32xi1>, vector<512x32xi32>
    %eq3A_107 = vector.broadcast %broadcast_in_dim3A_100 : vector<512x1xi32> to vector<512x2048xi32>
    %eq3A_108 = arith.cmpi eq, %iota3A, %eq3A_107 : vector<512x2048xi32>
    %jit3A_109 = arith.constant 0x7F800000 : f32
    %broadcast_in_dim3A_110 = vector.broadcast %jit3A_109 : f32 to vector<512x2048xf32>
    %select_n3A_111 = arith.select %eq3A_108, %broadcast_in_dim3A_110, %select_n3A_89 : vector<512x2048xi1>, vector<512x2048xf32>
    %reduce_min3A_112 = arith.constant dense<0x7F800000> : vector<512xf32>
    %reduce_min3A_113 = vector.multi_reduction <minimumf>, %select_n3A_111, %reduce_min3A_112 [1] : vector<512x2048xf32> to vector<512xf32>
    %broadcast_in_dim3A_114 = vector.shape_cast %reduce_min3A_113 : vector<512xf32> to vector<512x1xf32>
    %eq3A_115 = vector.broadcast %broadcast_in_dim3A_114 : vector<512x1xf32> to vector<512x2048xf32>
    %eq3A_116 = arith.cmpf oeq, %select_n3A_111, %eq3A_115 : vector<512x2048xf32>
    %jit3A_117 = arith.constant 2048 : i32
    %broadcast_in_dim3A_118 = vector.broadcast %jit3A_117 : i32 to vector<512x2048xi32>
    %select_n3A_119 = arith.select %eq3A_116, %iota3A, %broadcast_in_dim3A_118 : vector<512x2048xi1>, vector<512x2048xi32>
    %reduce_min3A_120 = arith.constant dense<2147483647> : vector<512xi32>
    %reduce_min3A_121 = vector.multi_reduction <minsi>, %select_n3A_119, %reduce_min3A_120 [1] : vector<512x2048xi32> to vector<512xi32>
    %broadcast_in_dim3A_122 = vector.shape_cast %reduce_min3A_121 : vector<512xi32> to vector<512x1xi32>
    %eq3A_123 = arith.constant 3 : i32
    %eq3A_124 = vector.broadcast %eq3A_123 : i32 to vector<512x32xi32>
    %eq3A_125 = arith.cmpi eq, %iota3A_47, %eq3A_124 : vector<512x32xi32>
    %broadcast_in_dim3A_126 = vector.shape_cast %broadcast_in_dim3A_122 : vector<512x1xi32> to vector<512x1xi32>
    %broadcast_in_dim3A_127 = vector.broadcast %broadcast_in_dim3A_126 : vector<512x1xi32> to vector<512x32xi32>
    %select_n3A_128 = arith.select %eq3A_125, %broadcast_in_dim3A_127, %select_n3A_106 : vector<512x32xi1>, vector<512x32xi32>
    %eq3A_129 = vector.broadcast %broadcast_in_dim3A_122 : vector<512x1xi32> to vector<512x2048xi32>
    %eq3A_130 = arith.cmpi eq, %iota3A, %eq3A_129 : vector<512x2048xi32>
    %jit3A_131 = arith.constant 0x7F800000 : f32
    %broadcast_in_dim3A_132 = vector.broadcast %jit3A_131 : f32 to vector<512x2048xf32>
    %select_n3A_133 = arith.select %eq3A_130, %broadcast_in_dim3A_132, %select_n3A_111 : vector<512x2048xi1>, vector<512x2048xf32>
    %reduce_min3A_134 = arith.constant dense<0x7F800000> : vector<512xf32>
    %reduce_min3A_135 = vector.multi_reduction <minimumf>, %select_n3A_133, %reduce_min3A_134 [1] : vector<512x2048xf32> to vector<512xf32>
    %broadcast_in_dim3A_136 = vector.shape_cast %reduce_min3A_135 : vector<512xf32> to vector<512x1xf32>
    %eq3A_137 = vector.broadcast %broadcast_in_dim3A_136 : vector<512x1xf32> to vector<512x2048xf32>
    %eq3A_138 = arith.cmpf oeq, %select_n3A_133, %eq3A_137 : vector<512x2048xf32>
    %jit3A_139 = arith.constant 2048 : i32
    %broadcast_in_dim3A_140 = vector.broadcast %jit3A_139 : i32 to vector<512x2048xi32>
    %select_n3A_141 = arith.select %eq3A_138, %iota3A, %broadcast_in_dim3A_140 : vector<512x2048xi1>, vector<512x2048xi32>
    %reduce_min3A_142 = arith.constant dense<2147483647> : vector<512xi32>
    %reduce_min3A_143 = vector.multi_reduction <minsi>, %select_n3A_141, %reduce_min3A_142 [1] : vector<512x2048xi32> to vector<512xi32>
    %broadcast_in_dim3A_144 = vector.shape_cast %reduce_min3A_143 : vector<512xi32> to vector<512x1xi32>
    %eq3A_145 = arith.constant 4 : i32
    %eq3A_146 = vector.broadcast %eq3A_145 : i32 to vector<512x32xi32>
    %eq3A_147 = arith.cmpi eq, %iota3A_47, %eq3A_146 : vector<512x32xi32>
    %broadcast_in_dim3A_148 = vector.shape_cast %broadcast_in_dim3A_144 : vector<512x1xi32> to vector<512x1xi32>
    %broadcast_in_dim3A_149 = vector.broadcast %broadcast_in_dim3A_148 : vector<512x1xi32> to vector<512x32xi32>
    %select_n3A_150 = arith.select %eq3A_147, %broadcast_in_dim3A_149, %select_n3A_128 : vector<512x32xi1>, vector<512x32xi32>
    %eq3A_151 = vector.broadcast %broadcast_in_dim3A_144 : vector<512x1xi32> to vector<512x2048xi32>
    %eq3A_152 = arith.cmpi eq, %iota3A, %eq3A_151 : vector<512x2048xi32>
    %jit3A_153 = arith.constant 0x7F800000 : f32
    %broadcast_in_dim3A_154 = vector.broadcast %jit3A_153 : f32 to vector<512x2048xf32>
    %select_n3A_155 = arith.select %eq3A_152, %broadcast_in_dim3A_154, %select_n3A_133 : vector<512x2048xi1>, vector<512x2048xf32>
    %reduce_min3A_156 = arith.constant dense<0x7F800000> : vector<512xf32>
    %reduce_min3A_157 = vector.multi_reduction <minimumf>, %select_n3A_155, %reduce_min3A_156 [1] : vector<512x2048xf32> to vector<512xf32>
    %broadcast_in_dim3A_158 = vector.shape_cast %reduce_min3A_157 : vector<512xf32> to vector<512x1xf32>
    %eq3A_159 = vector.broadcast %broadcast_in_dim3A_158 : vector<512x1xf32> to vector<512x2048xf32>
    %eq3A_160 = arith.cmpf oeq, %select_n3A_155, %eq3A_159 : vector<512x2048xf32>
    %jit3A_161 = arith.constant 2048 : i32
    %broadcast_in_dim3A_162 = vector.broadcast %jit3A_161 : i32 to vector<512x2048xi32>
    %select_n3A_163 = arith.select %eq3A_160, %iota3A, %broadcast_in_dim3A_162 : vector<512x2048xi1>, vector<512x2048xi32>
    %reduce_min3A_164 = arith.constant dense<2147483647> : vector<512xi32>
    %reduce_min3A_165 = vector.multi_reduction <minsi>, %select_n3A_163, %reduce_min3A_164 [1] : vector<512x2048xi32> to vector<512xi32>
    %broadcast_in_dim3A_166 = vector.shape_cast %reduce_min3A_165 : vector<512xi32> to vector<512x1xi32>
    %eq3A_167 = arith.constant 5 : i32
    %eq3A_168 = vector.broadcast %eq3A_167 : i32 to vector<512x32xi32>
    %eq3A_169 = arith.cmpi eq, %iota3A_47, %eq3A_168 : vector<512x32xi32>
    %broadcast_in_dim3A_170 = vector.shape_cast %broadcast_in_dim3A_166 : vector<512x1xi32> to vector<512x1xi32>
    %broadcast_in_dim3A_171 = vector.broadcast %broadcast_in_dim3A_170 : vector<512x1xi32> to vector<512x32xi32>
    %select_n3A_172 = arith.select %eq3A_169, %broadcast_in_dim3A_171, %select_n3A_150 : vector<512x32xi1>, vector<512x32xi32>
    %eq3A_173 = vector.broadcast %broadcast_in_dim3A_166 : vector<512x1xi32> to vector<512x2048xi32>
    %eq3A_174 = arith.cmpi eq, %iota3A, %eq3A_173 : vector<512x2048xi32>
    %jit3A_175 = arith.constant 0x7F800000 : f32
    %broadcast_in_dim3A_176 = vector.broadcast %jit3A_175 : f32 to vector<512x2048xf32>
    %select_n3A_177 = arith.select %eq3A_174, %broadcast_in_dim3A_176, %select_n3A_155 : vector<512x2048xi1>, vector<512x2048xf32>
    %reduce_min3A_178 = arith.constant dense<0x7F800000> : vector<512xf32>
    %reduce_min3A_179 = vector.multi_reduction <minimumf>, %select_n3A_177, %reduce_min3A_178 [1] : vector<512x2048xf32> to vector<512xf32>
    %broadcast_in_dim3A_180 = vector.shape_cast %reduce_min3A_179 : vector<512xf32> to vector<512x1xf32>
    %eq3A_181 = vector.broadcast %broadcast_in_dim3A_180 : vector<512x1xf32> to vector<512x2048xf32>
    %eq3A_182 = arith.cmpf oeq, %select_n3A_177, %eq3A_181 : vector<512x2048xf32>
    %jit3A_183 = arith.constant 2048 : i32
    %broadcast_in_dim3A_184 = vector.broadcast %jit3A_183 : i32 to vector<512x2048xi32>
    %select_n3A_185 = arith.select %eq3A_182, %iota3A, %broadcast_in_dim3A_184 : vector<512x2048xi1>, vector<512x2048xi32>
    %reduce_min3A_186 = arith.constant dense<2147483647> : vector<512xi32>
    %reduce_min3A_187 = vector.multi_reduction <minsi>, %select_n3A_185, %reduce_min3A_186 [1] : vector<512x2048xi32> to vector<512xi32>
    %broadcast_in_dim3A_188 = vector.shape_cast %reduce_min3A_187 : vector<512xi32> to vector<512x1xi32>
    %eq3A_189 = arith.constant 6 : i32
    %eq3A_190 = vector.broadcast %eq3A_189 : i32 to vector<512x32xi32>
    %eq3A_191 = arith.cmpi eq, %iota3A_47, %eq3A_190 : vector<512x32xi32>
    %broadcast_in_dim3A_192 = vector.shape_cast %broadcast_in_dim3A_188 : vector<512x1xi32> to vector<512x1xi32>
    %broadcast_in_dim3A_193 = vector.broadcast %broadcast_in_dim3A_192 : vector<512x1xi32> to vector<512x32xi32>
    %select_n3A_194 = arith.select %eq3A_191, %broadcast_in_dim3A_193, %select_n3A_172 : vector<512x32xi1>, vector<512x32xi32>
    %eq3A_195 = vector.broadcast %broadcast_in_dim3A_188 : vector<512x1xi32> to vector<512x2048xi32>
    %eq3A_196 = arith.cmpi eq, %iota3A, %eq3A_195 : vector<512x2048xi32>
    %jit3A_197 = arith.constant 0x7F800000 : f32
    %broadcast_in_dim3A_198 = vector.broadcast %jit3A_197 : f32 to vector<512x2048xf32>
    %select_n3A_199 = arith.select %eq3A_196, %broadcast_in_dim3A_198, %select_n3A_177 : vector<512x2048xi1>, vector<512x2048xf32>
    %reduce_min3A_200 = arith.constant dense<0x7F800000> : vector<512xf32>
    %reduce_min3A_201 = vector.multi_reduction <minimumf>, %select_n3A_199, %reduce_min3A_200 [1] : vector<512x2048xf32> to vector<512xf32>
    %broadcast_in_dim3A_202 = vector.shape_cast %reduce_min3A_201 : vector<512xf32> to vector<512x1xf32>
    %eq3A_203 = vector.broadcast %broadcast_in_dim3A_202 : vector<512x1xf32> to vector<512x2048xf32>
    %eq3A_204 = arith.cmpf oeq, %select_n3A_199, %eq3A_203 : vector<512x2048xf32>
    %jit3A_205 = arith.constant 2048 : i32
    %broadcast_in_dim3A_206 = vector.broadcast %jit3A_205 : i32 to vector<512x2048xi32>
    %select_n3A_207 = arith.select %eq3A_204, %iota3A, %broadcast_in_dim3A_206 : vector<512x2048xi1>, vector<512x2048xi32>
    %reduce_min3A_208 = arith.constant dense<2147483647> : vector<512xi32>
    %reduce_min3A_209 = vector.multi_reduction <minsi>, %select_n3A_207, %reduce_min3A_208 [1] : vector<512x2048xi32> to vector<512xi32>
    %broadcast_in_dim3A_210 = vector.shape_cast %reduce_min3A_209 : vector<512xi32> to vector<512x1xi32>
    %eq3A_211 = arith.constant 7 : i32
    %eq3A_212 = vector.broadcast %eq3A_211 : i32 to vector<512x32xi32>
    %eq3A_213 = arith.cmpi eq, %iota3A_47, %eq3A_212 : vector<512x32xi32>
    %broadcast_in_dim3A_214 = vector.shape_cast %broadcast_in_dim3A_210 : vector<512x1xi32> to vector<512x1xi32>
    %broadcast_in_dim3A_215 = vector.broadcast %broadcast_in_dim3A_214 : vector<512x1xi32> to vector<512x32xi32>
    %select_n3A_216 = arith.select %eq3A_213, %broadcast_in_dim3A_215, %select_n3A_194 : vector<512x32xi1>, vector<512x32xi32>
    %eq3A_217 = vector.broadcast %broadcast_in_dim3A_210 : vector<512x1xi32> to vector<512x2048xi32>
    %eq3A_218 = arith.cmpi eq, %iota3A, %eq3A_217 : vector<512x2048xi32>
    %jit3A_219 = arith.constant 0x7F800000 : f32
    %broadcast_in_dim3A_220 = vector.broadcast %jit3A_219 : f32 to vector<512x2048xf32>
    %select_n3A_221 = arith.select %eq3A_218, %broadcast_in_dim3A_220, %select_n3A_199 : vector<512x2048xi1>, vector<512x2048xf32>
    %reduce_min3A_222 = arith.constant dense<0x7F800000> : vector<512xf32>
    %reduce_min3A_223 = vector.multi_reduction <minimumf>, %select_n3A_221, %reduce_min3A_222 [1] : vector<512x2048xf32> to vector<512xf32>
    %broadcast_in_dim3A_224 = vector.shape_cast %reduce_min3A_223 : vector<512xf32> to vector<512x1xf32>
    %eq3A_225 = vector.broadcast %broadcast_in_dim3A_224 : vector<512x1xf32> to vector<512x2048xf32>
    %eq3A_226 = arith.cmpf oeq, %select_n3A_221, %eq3A_225 : vector<512x2048xf32>
    %jit3A_227 = arith.constant 2048 : i32
    %broadcast_in_dim3A_228 = vector.broadcast %jit3A_227 : i32 to vector<512x2048xi32>
    %select_n3A_229 = arith.select %eq3A_226, %iota3A, %broadcast_in_dim3A_228 : vector<512x2048xi1>, vector<512x2048xi32>
    %reduce_min3A_230 = arith.constant dense<2147483647> : vector<512xi32>
    %reduce_min3A_231 = vector.multi_reduction <minsi>, %select_n3A_229, %reduce_min3A_230 [1] : vector<512x2048xi32> to vector<512xi32>
    %broadcast_in_dim3A_232 = vector.shape_cast %reduce_min3A_231 : vector<512xi32> to vector<512x1xi32>
    %eq3A_233 = arith.constant 8 : i32
    %eq3A_234 = vector.broadcast %eq3A_233 : i32 to vector<512x32xi32>
    %eq3A_235 = arith.cmpi eq, %iota3A_47, %eq3A_234 : vector<512x32xi32>
    %broadcast_in_dim3A_236 = vector.shape_cast %broadcast_in_dim3A_232 : vector<512x1xi32> to vector<512x1xi32>
    %broadcast_in_dim3A_237 = vector.broadcast %broadcast_in_dim3A_236 : vector<512x1xi32> to vector<512x32xi32>
    %select_n3A_238 = arith.select %eq3A_235, %broadcast_in_dim3A_237, %select_n3A_216 : vector<512x32xi1>, vector<512x32xi32>
    %eq3A_239 = vector.broadcast %broadcast_in_dim3A_232 : vector<512x1xi32> to vector<512x2048xi32>
    %eq3A_240 = arith.cmpi eq, %iota3A, %eq3A_239 : vector<512x2048xi32>
    %jit3A_241 = arith.constant 0x7F800000 : f32
    %broadcast_in_dim3A_242 = vector.broadcast %jit3A_241 : f32 to vector<512x2048xf32>
    %select_n3A_243 = arith.select %eq3A_240, %broadcast_in_dim3A_242, %select_n3A_221 : vector<512x2048xi1>, vector<512x2048xf32>
    %reduce_min3A_244 = arith.constant dense<0x7F800000> : vector<512xf32>
    %reduce_min3A_245 = vector.multi_reduction <minimumf>, %select_n3A_243, %reduce_min3A_244 [1] : vector<512x2048xf32> to vector<512xf32>
    %broadcast_in_dim3A_246 = vector.shape_cast %reduce_min3A_245 : vector<512xf32> to vector<512x1xf32>
    %eq3A_247 = vector.broadcast %broadcast_in_dim3A_246 : vector<512x1xf32> to vector<512x2048xf32>
    %eq3A_248 = arith.cmpf oeq, %select_n3A_243, %eq3A_247 : vector<512x2048xf32>
    %jit3A_249 = arith.constant 2048 : i32
    %broadcast_in_dim3A_250 = vector.broadcast %jit3A_249 : i32 to vector<512x2048xi32>
    %select_n3A_251 = arith.select %eq3A_248, %iota3A, %broadcast_in_dim3A_250 : vector<512x2048xi1>, vector<512x2048xi32>
    %reduce_min3A_252 = arith.constant dense<2147483647> : vector<512xi32>
    %reduce_min3A_253 = vector.multi_reduction <minsi>, %select_n3A_251, %reduce_min3A_252 [1] : vector<512x2048xi32> to vector<512xi32>
    %broadcast_in_dim3A_254 = vector.shape_cast %reduce_min3A_253 : vector<512xi32> to vector<512x1xi32>
    %eq3A_255 = arith.constant 9 : i32
    %eq3A_256 = vector.broadcast %eq3A_255 : i32 to vector<512x32xi32>
    %eq3A_257 = arith.cmpi eq, %iota3A_47, %eq3A_256 : vector<512x32xi32>
    %broadcast_in_dim3A_258 = vector.shape_cast %broadcast_in_dim3A_254 : vector<512x1xi32> to vector<512x1xi32>
    %broadcast_in_dim3A_259 = vector.broadcast %broadcast_in_dim3A_258 : vector<512x1xi32> to vector<512x32xi32>
    %select_n3A_260 = arith.select %eq3A_257, %broadcast_in_dim3A_259, %select_n3A_238 : vector<512x32xi1>, vector<512x32xi32>
    %eq3A_261 = vector.broadcast %broadcast_in_dim3A_254 : vector<512x1xi32> to vector<512x2048xi32>
    %eq3A_262 = arith.cmpi eq, %iota3A, %eq3A_261 : vector<512x2048xi32>
    %jit3A_263 = arith.constant 0x7F800000 : f32
    %broadcast_in_dim3A_264 = vector.broadcast %jit3A_263 : f32 to vector<512x2048xf32>
    %select_n3A_265 = arith.select %eq3A_262, %broadcast_in_dim3A_264, %select_n3A_243 : vector<512x2048xi1>, vector<512x2048xf32>
    %reduce_min3A_266 = arith.constant dense<0x7F800000> : vector<512xf32>
    %reduce_min3A_267 = vector.multi_reduction <minimumf>, %select_n3A_265, %reduce_min3A_266 [1] : vector<512x2048xf32> to vector<512xf32>
    %broadcast_in_dim3A_268 = vector.shape_cast %reduce_min3A_267 : vector<512xf32> to vector<512x1xf32>
    %eq3A_269 = vector.broadcast %broadcast_in_dim3A_268 : vector<512x1xf32> to vector<512x2048xf32>
    %eq3A_270 = arith.cmpf oeq, %select_n3A_265, %eq3A_269 : vector<512x2048xf32>
    %jit3A_271 = arith.constant 2048 : i32
    %broadcast_in_dim3A_272 = vector.broadcast %jit3A_271 : i32 to vector<512x2048xi32>
    %select_n3A_273 = arith.select %eq3A_270, %iota3A, %broadcast_in_dim3A_272 : vector<512x2048xi1>, vector<512x2048xi32>
    %reduce_min3A_274 = arith.constant dense<2147483647> : vector<512xi32>
    %reduce_min3A_275 = vector.multi_reduction <minsi>, %select_n3A_273, %reduce_min3A_274 [1] : vector<512x2048xi32> to vector<512xi32>
    %broadcast_in_dim3A_276 = vector.shape_cast %reduce_min3A_275 : vector<512xi32> to vector<512x1xi32>
    %eq3A_277 = arith.constant 10 : i32
    %eq3A_278 = vector.broadcast %eq3A_277 : i32 to vector<512x32xi32>
    %eq3A_279 = arith.cmpi eq, %iota3A_47, %eq3A_278 : vector<512x32xi32>
    %broadcast_in_dim3A_280 = vector.shape_cast %broadcast_in_dim3A_276 : vector<512x1xi32> to vector<512x1xi32>
    %broadcast_in_dim3A_281 = vector.broadcast %broadcast_in_dim3A_280 : vector<512x1xi32> to vector<512x32xi32>
    %select_n3A_282 = arith.select %eq3A_279, %broadcast_in_dim3A_281, %select_n3A_260 : vector<512x32xi1>, vector<512x32xi32>
    %eq3A_283 = vector.broadcast %broadcast_in_dim3A_276 : vector<512x1xi32> to vector<512x2048xi32>
    %eq3A_284 = arith.cmpi eq, %iota3A, %eq3A_283 : vector<512x2048xi32>
    %jit3A_285 = arith.constant 0x7F800000 : f32
    %broadcast_in_dim3A_286 = vector.broadcast %jit3A_285 : f32 to vector<512x2048xf32>
    %select_n3A_287 = arith.select %eq3A_284, %broadcast_in_dim3A_286, %select_n3A_265 : vector<512x2048xi1>, vector<512x2048xf32>
    %reduce_min3A_288 = arith.constant dense<0x7F800000> : vector<512xf32>
    %reduce_min3A_289 = vector.multi_reduction <minimumf>, %select_n3A_287, %reduce_min3A_288 [1] : vector<512x2048xf32> to vector<512xf32>
    %broadcast_in_dim3A_290 = vector.shape_cast %reduce_min3A_289 : vector<512xf32> to vector<512x1xf32>
    %eq3A_291 = vector.broadcast %broadcast_in_dim3A_290 : vector<512x1xf32> to vector<512x2048xf32>
    %eq3A_292 = arith.cmpf oeq, %select_n3A_287, %eq3A_291 : vector<512x2048xf32>
    %jit3A_293 = arith.constant 2048 : i32
    %broadcast_in_dim3A_294 = vector.broadcast %jit3A_293 : i32 to vector<512x2048xi32>
    %select_n3A_295 = arith.select %eq3A_292, %iota3A, %broadcast_in_dim3A_294 : vector<512x2048xi1>, vector<512x2048xi32>
    %reduce_min3A_296 = arith.constant dense<2147483647> : vector<512xi32>
    %reduce_min3A_297 = vector.multi_reduction <minsi>, %select_n3A_295, %reduce_min3A_296 [1] : vector<512x2048xi32> to vector<512xi32>
    %broadcast_in_dim3A_298 = vector.shape_cast %reduce_min3A_297 : vector<512xi32> to vector<512x1xi32>
    %eq3A_299 = arith.constant 11 : i32
    %eq3A_300 = vector.broadcast %eq3A_299 : i32 to vector<512x32xi32>
    %eq3A_301 = arith.cmpi eq, %iota3A_47, %eq3A_300 : vector<512x32xi32>
    %broadcast_in_dim3A_302 = vector.shape_cast %broadcast_in_dim3A_298 : vector<512x1xi32> to vector<512x1xi32>
    %broadcast_in_dim3A_303 = vector.broadcast %broadcast_in_dim3A_302 : vector<512x1xi32> to vector<512x32xi32>
    %select_n3A_304 = arith.select %eq3A_301, %broadcast_in_dim3A_303, %select_n3A_282 : vector<512x32xi1>, vector<512x32xi32>
    %eq3A_305 = vector.broadcast %broadcast_in_dim3A_298 : vector<512x1xi32> to vector<512x2048xi32>
    %eq3A_306 = arith.cmpi eq, %iota3A, %eq3A_305 : vector<512x2048xi32>
    %jit3A_307 = arith.constant 0x7F800000 : f32
    %broadcast_in_dim3A_308 = vector.broadcast %jit3A_307 : f32 to vector<512x2048xf32>
    %select_n3A_309 = arith.select %eq3A_306, %broadcast_in_dim3A_308, %select_n3A_287 : vector<512x2048xi1>, vector<512x2048xf32>
    %reduce_min3A_310 = arith.constant dense<0x7F800000> : vector<512xf32>
    %reduce_min3A_311 = vector.multi_reduction <minimumf>, %select_n3A_309, %reduce_min3A_310 [1] : vector<512x2048xf32> to vector<512xf32>
    %broadcast_in_dim3A_312 = vector.shape_cast %reduce_min3A_311 : vector<512xf32> to vector<512x1xf32>
    %eq3A_313 = vector.broadcast %broadcast_in_dim3A_312 : vector<512x1xf32> to vector<512x2048xf32>
    %eq3A_314 = arith.cmpf oeq, %select_n3A_309, %eq3A_313 : vector<512x2048xf32>
    %jit3A_315 = arith.constant 2048 : i32
    %broadcast_in_dim3A_316 = vector.broadcast %jit3A_315 : i32 to vector<512x2048xi32>
    %select_n3A_317 = arith.select %eq3A_314, %iota3A, %broadcast_in_dim3A_316 : vector<512x2048xi1>, vector<512x2048xi32>
    %reduce_min3A_318 = arith.constant dense<2147483647> : vector<512xi32>
    %reduce_min3A_319 = vector.multi_reduction <minsi>, %select_n3A_317, %reduce_min3A_318 [1] : vector<512x2048xi32> to vector<512xi32>
    %broadcast_in_dim3A_320 = vector.shape_cast %reduce_min3A_319 : vector<512xi32> to vector<512x1xi32>
    %eq3A_321 = arith.constant 12 : i32
    %eq3A_322 = vector.broadcast %eq3A_321 : i32 to vector<512x32xi32>
    %eq3A_323 = arith.cmpi eq, %iota3A_47, %eq3A_322 : vector<512x32xi32>
    %broadcast_in_dim3A_324 = vector.shape_cast %broadcast_in_dim3A_320 : vector<512x1xi32> to vector<512x1xi32>
    %broadcast_in_dim3A_325 = vector.broadcast %broadcast_in_dim3A_324 : vector<512x1xi32> to vector<512x32xi32>
    %select_n3A_326 = arith.select %eq3A_323, %broadcast_in_dim3A_325, %select_n3A_304 : vector<512x32xi1>, vector<512x32xi32>
    %eq3A_327 = vector.broadcast %broadcast_in_dim3A_320 : vector<512x1xi32> to vector<512x2048xi32>
    %eq3A_328 = arith.cmpi eq, %iota3A, %eq3A_327 : vector<512x2048xi32>
    %jit3A_329 = arith.constant 0x7F800000 : f32
    %broadcast_in_dim3A_330 = vector.broadcast %jit3A_329 : f32 to vector<512x2048xf32>
    %select_n3A_331 = arith.select %eq3A_328, %broadcast_in_dim3A_330, %select_n3A_309 : vector<512x2048xi1>, vector<512x2048xf32>
    %reduce_min3A_332 = arith.constant dense<0x7F800000> : vector<512xf32>
    %reduce_min3A_333 = vector.multi_reduction <minimumf>, %select_n3A_331, %reduce_min3A_332 [1] : vector<512x2048xf32> to vector<512xf32>
    %broadcast_in_dim3A_334 = vector.shape_cast %reduce_min3A_333 : vector<512xf32> to vector<512x1xf32>
    %eq3A_335 = vector.broadcast %broadcast_in_dim3A_334 : vector<512x1xf32> to vector<512x2048xf32>
    %eq3A_336 = arith.cmpf oeq, %select_n3A_331, %eq3A_335 : vector<512x2048xf32>
    %jit3A_337 = arith.constant 2048 : i32
    %broadcast_in_dim3A_338 = vector.broadcast %jit3A_337 : i32 to vector<512x2048xi32>
    %select_n3A_339 = arith.select %eq3A_336, %iota3A, %broadcast_in_dim3A_338 : vector<512x2048xi1>, vector<512x2048xi32>
    %reduce_min3A_340 = arith.constant dense<2147483647> : vector<512xi32>
    %reduce_min3A_341 = vector.multi_reduction <minsi>, %select_n3A_339, %reduce_min3A_340 [1] : vector<512x2048xi32> to vector<512xi32>
    %broadcast_in_dim3A_342 = vector.shape_cast %reduce_min3A_341 : vector<512xi32> to vector<512x1xi32>
    %eq3A_343 = arith.constant 13 : i32
    %eq3A_344 = vector.broadcast %eq3A_343 : i32 to vector<512x32xi32>
    %eq3A_345 = arith.cmpi eq, %iota3A_47, %eq3A_344 : vector<512x32xi32>
    %broadcast_in_dim3A_346 = vector.shape_cast %broadcast_in_dim3A_342 : vector<512x1xi32> to vector<512x1xi32>
    %broadcast_in_dim3A_347 = vector.broadcast %broadcast_in_dim3A_346 : vector<512x1xi32> to vector<512x32xi32>
    %select_n3A_348 = arith.select %eq3A_345, %broadcast_in_dim3A_347, %select_n3A_326 : vector<512x32xi1>, vector<512x32xi32>
    %eq3A_349 = vector.broadcast %broadcast_in_dim3A_342 : vector<512x1xi32> to vector<512x2048xi32>
    %eq3A_350 = arith.cmpi eq, %iota3A, %eq3A_349 : vector<512x2048xi32>
    %jit3A_351 = arith.constant 0x7F800000 : f32
    %broadcast_in_dim3A_352 = vector.broadcast %jit3A_351 : f32 to vector<512x2048xf32>
    %select_n3A_353 = arith.select %eq3A_350, %broadcast_in_dim3A_352, %select_n3A_331 : vector<512x2048xi1>, vector<512x2048xf32>
    %reduce_min3A_354 = arith.constant dense<0x7F800000> : vector<512xf32>
    %reduce_min3A_355 = vector.multi_reduction <minimumf>, %select_n3A_353, %reduce_min3A_354 [1] : vector<512x2048xf32> to vector<512xf32>
    %broadcast_in_dim3A_356 = vector.shape_cast %reduce_min3A_355 : vector<512xf32> to vector<512x1xf32>
    %eq3A_357 = vector.broadcast %broadcast_in_dim3A_356 : vector<512x1xf32> to vector<512x2048xf32>
    %eq3A_358 = arith.cmpf oeq, %select_n3A_353, %eq3A_357 : vector<512x2048xf32>
    %jit3A_359 = arith.constant 2048 : i32
    %broadcast_in_dim3A_360 = vector.broadcast %jit3A_359 : i32 to vector<512x2048xi32>
    %select_n3A_361 = arith.select %eq3A_358, %iota3A, %broadcast_in_dim3A_360 : vector<512x2048xi1>, vector<512x2048xi32>
    %reduce_min3A_362 = arith.constant dense<2147483647> : vector<512xi32>
    %reduce_min3A_363 = vector.multi_reduction <minsi>, %select_n3A_361, %reduce_min3A_362 [1] : vector<512x2048xi32> to vector<512xi32>
    %broadcast_in_dim3A_364 = vector.shape_cast %reduce_min3A_363 : vector<512xi32> to vector<512x1xi32>
    %eq3A_365 = arith.constant 14 : i32
    %eq3A_366 = vector.broadcast %eq3A_365 : i32 to vector<512x32xi32>
    %eq3A_367 = arith.cmpi eq, %iota3A_47, %eq3A_366 : vector<512x32xi32>
    %broadcast_in_dim3A_368 = vector.shape_cast %broadcast_in_dim3A_364 : vector<512x1xi32> to vector<512x1xi32>
    %broadcast_in_dim3A_369 = vector.broadcast %broadcast_in_dim3A_368 : vector<512x1xi32> to vector<512x32xi32>
    %select_n3A_370 = arith.select %eq3A_367, %broadcast_in_dim3A_369, %select_n3A_348 : vector<512x32xi1>, vector<512x32xi32>
    %eq3A_371 = vector.broadcast %broadcast_in_dim3A_364 : vector<512x1xi32> to vector<512x2048xi32>
    %eq3A_372 = arith.cmpi eq, %iota3A, %eq3A_371 : vector<512x2048xi32>
    %jit3A_373 = arith.constant 0x7F800000 : f32
    %broadcast_in_dim3A_374 = vector.broadcast %jit3A_373 : f32 to vector<512x2048xf32>
    %select_n3A_375 = arith.select %eq3A_372, %broadcast_in_dim3A_374, %select_n3A_353 : vector<512x2048xi1>, vector<512x2048xf32>
    %reduce_min3A_376 = arith.constant dense<0x7F800000> : vector<512xf32>
    %reduce_min3A_377 = vector.multi_reduction <minimumf>, %select_n3A_375, %reduce_min3A_376 [1] : vector<512x2048xf32> to vector<512xf32>
    %broadcast_in_dim3A_378 = vector.shape_cast %reduce_min3A_377 : vector<512xf32> to vector<512x1xf32>
    %eq3A_379 = vector.broadcast %broadcast_in_dim3A_378 : vector<512x1xf32> to vector<512x2048xf32>
    %eq3A_380 = arith.cmpf oeq, %select_n3A_375, %eq3A_379 : vector<512x2048xf32>
    %jit3A_381 = arith.constant 2048 : i32
    %broadcast_in_dim3A_382 = vector.broadcast %jit3A_381 : i32 to vector<512x2048xi32>
    %select_n3A_383 = arith.select %eq3A_380, %iota3A, %broadcast_in_dim3A_382 : vector<512x2048xi1>, vector<512x2048xi32>
    %reduce_min3A_384 = arith.constant dense<2147483647> : vector<512xi32>
    %reduce_min3A_385 = vector.multi_reduction <minsi>, %select_n3A_383, %reduce_min3A_384 [1] : vector<512x2048xi32> to vector<512xi32>
    %broadcast_in_dim3A_386 = vector.shape_cast %reduce_min3A_385 : vector<512xi32> to vector<512x1xi32>
    %eq3A_387 = arith.constant 15 : i32
    %eq3A_388 = vector.broadcast %eq3A_387 : i32 to vector<512x32xi32>
    %eq3A_389 = arith.cmpi eq, %iota3A_47, %eq3A_388 : vector<512x32xi32>
    %broadcast_in_dim3A_390 = vector.shape_cast %broadcast_in_dim3A_386 : vector<512x1xi32> to vector<512x1xi32>
    %broadcast_in_dim3A_391 = vector.broadcast %broadcast_in_dim3A_390 : vector<512x1xi32> to vector<512x32xi32>
    %select_n3A_392 = arith.select %eq3A_389, %broadcast_in_dim3A_391, %select_n3A_370 : vector<512x32xi1>, vector<512x32xi32>
    %eq3A_393 = vector.broadcast %broadcast_in_dim3A_386 : vector<512x1xi32> to vector<512x2048xi32>
    %eq3A_394 = arith.cmpi eq, %iota3A, %eq3A_393 : vector<512x2048xi32>
    %jit3A_395 = arith.constant 0x7F800000 : f32
    %broadcast_in_dim3A_396 = vector.broadcast %jit3A_395 : f32 to vector<512x2048xf32>
    %select_n3A_397 = arith.select %eq3A_394, %broadcast_in_dim3A_396, %select_n3A_375 : vector<512x2048xi1>, vector<512x2048xf32>
    %reduce_min3A_398 = arith.constant dense<0x7F800000> : vector<512xf32>
    %reduce_min3A_399 = vector.multi_reduction <minimumf>, %select_n3A_397, %reduce_min3A_398 [1] : vector<512x2048xf32> to vector<512xf32>
    %broadcast_in_dim3A_400 = vector.shape_cast %reduce_min3A_399 : vector<512xf32> to vector<512x1xf32>
    %eq3A_401 = vector.broadcast %broadcast_in_dim3A_400 : vector<512x1xf32> to vector<512x2048xf32>
    %eq3A_402 = arith.cmpf oeq, %select_n3A_397, %eq3A_401 : vector<512x2048xf32>
    %jit3A_403 = arith.constant 2048 : i32
    %broadcast_in_dim3A_404 = vector.broadcast %jit3A_403 : i32 to vector<512x2048xi32>
    %select_n3A_405 = arith.select %eq3A_402, %iota3A, %broadcast_in_dim3A_404 : vector<512x2048xi1>, vector<512x2048xi32>
    %reduce_min3A_406 = arith.constant dense<2147483647> : vector<512xi32>
    %reduce_min3A_407 = vector.multi_reduction <minsi>, %select_n3A_405, %reduce_min3A_406 [1] : vector<512x2048xi32> to vector<512xi32>
    %broadcast_in_dim3A_408 = vector.shape_cast %reduce_min3A_407 : vector<512xi32> to vector<512x1xi32>
    %eq3A_409 = arith.constant 16 : i32
    %eq3A_410 = vector.broadcast %eq3A_409 : i32 to vector<512x32xi32>
    %eq3A_411 = arith.cmpi eq, %iota3A_47, %eq3A_410 : vector<512x32xi32>
    %broadcast_in_dim3A_412 = vector.shape_cast %broadcast_in_dim3A_408 : vector<512x1xi32> to vector<512x1xi32>
    %broadcast_in_dim3A_413 = vector.broadcast %broadcast_in_dim3A_412 : vector<512x1xi32> to vector<512x32xi32>
    %select_n3A_414 = arith.select %eq3A_411, %broadcast_in_dim3A_413, %select_n3A_392 : vector<512x32xi1>, vector<512x32xi32>
    %eq3A_415 = vector.broadcast %broadcast_in_dim3A_408 : vector<512x1xi32> to vector<512x2048xi32>
    %eq3A_416 = arith.cmpi eq, %iota3A, %eq3A_415 : vector<512x2048xi32>
    %jit3A_417 = arith.constant 0x7F800000 : f32
    %broadcast_in_dim3A_418 = vector.broadcast %jit3A_417 : f32 to vector<512x2048xf32>
    %select_n3A_419 = arith.select %eq3A_416, %broadcast_in_dim3A_418, %select_n3A_397 : vector<512x2048xi1>, vector<512x2048xf32>
    %reduce_min3A_420 = arith.constant dense<0x7F800000> : vector<512xf32>
    %reduce_min3A_421 = vector.multi_reduction <minimumf>, %select_n3A_419, %reduce_min3A_420 [1] : vector<512x2048xf32> to vector<512xf32>
    %broadcast_in_dim3A_422 = vector.shape_cast %reduce_min3A_421 : vector<512xf32> to vector<512x1xf32>
    %eq3A_423 = vector.broadcast %broadcast_in_dim3A_422 : vector<512x1xf32> to vector<512x2048xf32>
    %eq3A_424 = arith.cmpf oeq, %select_n3A_419, %eq3A_423 : vector<512x2048xf32>
    %jit3A_425 = arith.constant 2048 : i32
    %broadcast_in_dim3A_426 = vector.broadcast %jit3A_425 : i32 to vector<512x2048xi32>
    %select_n3A_427 = arith.select %eq3A_424, %iota3A, %broadcast_in_dim3A_426 : vector<512x2048xi1>, vector<512x2048xi32>
    %reduce_min3A_428 = arith.constant dense<2147483647> : vector<512xi32>
    %reduce_min3A_429 = vector.multi_reduction <minsi>, %select_n3A_427, %reduce_min3A_428 [1] : vector<512x2048xi32> to vector<512xi32>
    %broadcast_in_dim3A_430 = vector.shape_cast %reduce_min3A_429 : vector<512xi32> to vector<512x1xi32>
    %eq3A_431 = arith.constant 17 : i32
    %eq3A_432 = vector.broadcast %eq3A_431 : i32 to vector<512x32xi32>
    %eq3A_433 = arith.cmpi eq, %iota3A_47, %eq3A_432 : vector<512x32xi32>
    %broadcast_in_dim3A_434 = vector.shape_cast %broadcast_in_dim3A_430 : vector<512x1xi32> to vector<512x1xi32>
    %broadcast_in_dim3A_435 = vector.broadcast %broadcast_in_dim3A_434 : vector<512x1xi32> to vector<512x32xi32>
    %select_n3A_436 = arith.select %eq3A_433, %broadcast_in_dim3A_435, %select_n3A_414 : vector<512x32xi1>, vector<512x32xi32>
    %eq3A_437 = vector.broadcast %broadcast_in_dim3A_430 : vector<512x1xi32> to vector<512x2048xi32>
    %eq3A_438 = arith.cmpi eq, %iota3A, %eq3A_437 : vector<512x2048xi32>
    %jit3A_439 = arith.constant 0x7F800000 : f32
    %broadcast_in_dim3A_440 = vector.broadcast %jit3A_439 : f32 to vector<512x2048xf32>
    %select_n3A_441 = arith.select %eq3A_438, %broadcast_in_dim3A_440, %select_n3A_419 : vector<512x2048xi1>, vector<512x2048xf32>
    %reduce_min3A_442 = arith.constant dense<0x7F800000> : vector<512xf32>
    %reduce_min3A_443 = vector.multi_reduction <minimumf>, %select_n3A_441, %reduce_min3A_442 [1] : vector<512x2048xf32> to vector<512xf32>
    %broadcast_in_dim3A_444 = vector.shape_cast %reduce_min3A_443 : vector<512xf32> to vector<512x1xf32>
    %eq3A_445 = vector.broadcast %broadcast_in_dim3A_444 : vector<512x1xf32> to vector<512x2048xf32>
    %eq3A_446 = arith.cmpf oeq, %select_n3A_441, %eq3A_445 : vector<512x2048xf32>
    %jit3A_447 = arith.constant 2048 : i32
    %broadcast_in_dim3A_448 = vector.broadcast %jit3A_447 : i32 to vector<512x2048xi32>
    %select_n3A_449 = arith.select %eq3A_446, %iota3A, %broadcast_in_dim3A_448 : vector<512x2048xi1>, vector<512x2048xi32>
    %reduce_min3A_450 = arith.constant dense<2147483647> : vector<512xi32>
    %reduce_min3A_451 = vector.multi_reduction <minsi>, %select_n3A_449, %reduce_min3A_450 [1] : vector<512x2048xi32> to vector<512xi32>
    %broadcast_in_dim3A_452 = vector.shape_cast %reduce_min3A_451 : vector<512xi32> to vector<512x1xi32>
    %eq3A_453 = arith.constant 18 : i32
    %eq3A_454 = vector.broadcast %eq3A_453 : i32 to vector<512x32xi32>
    %eq3A_455 = arith.cmpi eq, %iota3A_47, %eq3A_454 : vector<512x32xi32>
    %broadcast_in_dim3A_456 = vector.shape_cast %broadcast_in_dim3A_452 : vector<512x1xi32> to vector<512x1xi32>
    %broadcast_in_dim3A_457 = vector.broadcast %broadcast_in_dim3A_456 : vector<512x1xi32> to vector<512x32xi32>
    %select_n3A_458 = arith.select %eq3A_455, %broadcast_in_dim3A_457, %select_n3A_436 : vector<512x32xi1>, vector<512x32xi32>
    %eq3A_459 = vector.broadcast %broadcast_in_dim3A_452 : vector<512x1xi32> to vector<512x2048xi32>
    %eq3A_460 = arith.cmpi eq, %iota3A, %eq3A_459 : vector<512x2048xi32>
    %jit3A_461 = arith.constant 0x7F800000 : f32
    %broadcast_in_dim3A_462 = vector.broadcast %jit3A_461 : f32 to vector<512x2048xf32>
    %select_n3A_463 = arith.select %eq3A_460, %broadcast_in_dim3A_462, %select_n3A_441 : vector<512x2048xi1>, vector<512x2048xf32>
    %reduce_min3A_464 = arith.constant dense<0x7F800000> : vector<512xf32>
    %reduce_min3A_465 = vector.multi_reduction <minimumf>, %select_n3A_463, %reduce_min3A_464 [1] : vector<512x2048xf32> to vector<512xf32>
    %broadcast_in_dim3A_466 = vector.shape_cast %reduce_min3A_465 : vector<512xf32> to vector<512x1xf32>
    %eq3A_467 = vector.broadcast %broadcast_in_dim3A_466 : vector<512x1xf32> to vector<512x2048xf32>
    %eq3A_468 = arith.cmpf oeq, %select_n3A_463, %eq3A_467 : vector<512x2048xf32>
    %jit3A_469 = arith.constant 2048 : i32
    %broadcast_in_dim3A_470 = vector.broadcast %jit3A_469 : i32 to vector<512x2048xi32>
    %select_n3A_471 = arith.select %eq3A_468, %iota3A, %broadcast_in_dim3A_470 : vector<512x2048xi1>, vector<512x2048xi32>
    %reduce_min3A_472 = arith.constant dense<2147483647> : vector<512xi32>
    %reduce_min3A_473 = vector.multi_reduction <minsi>, %select_n3A_471, %reduce_min3A_472 [1] : vector<512x2048xi32> to vector<512xi32>
    %broadcast_in_dim3A_474 = vector.shape_cast %reduce_min3A_473 : vector<512xi32> to vector<512x1xi32>
    %eq3A_475 = arith.constant 19 : i32
    %eq3A_476 = vector.broadcast %eq3A_475 : i32 to vector<512x32xi32>
    %eq3A_477 = arith.cmpi eq, %iota3A_47, %eq3A_476 : vector<512x32xi32>
    %broadcast_in_dim3A_478 = vector.shape_cast %broadcast_in_dim3A_474 : vector<512x1xi32> to vector<512x1xi32>
    %broadcast_in_dim3A_479 = vector.broadcast %broadcast_in_dim3A_478 : vector<512x1xi32> to vector<512x32xi32>
    %select_n3A_480 = arith.select %eq3A_477, %broadcast_in_dim3A_479, %select_n3A_458 : vector<512x32xi1>, vector<512x32xi32>
    %eq3A_481 = vector.broadcast %broadcast_in_dim3A_474 : vector<512x1xi32> to vector<512x2048xi32>
    %eq3A_482 = arith.cmpi eq, %iota3A, %eq3A_481 : vector<512x2048xi32>
    %jit3A_483 = arith.constant 0x7F800000 : f32
    %broadcast_in_dim3A_484 = vector.broadcast %jit3A_483 : f32 to vector<512x2048xf32>
    %select_n3A_485 = arith.select %eq3A_482, %broadcast_in_dim3A_484, %select_n3A_463 : vector<512x2048xi1>, vector<512x2048xf32>
    %reduce_min3A_486 = arith.constant dense<0x7F800000> : vector<512xf32>
    %reduce_min3A_487 = vector.multi_reduction <minimumf>, %select_n3A_485, %reduce_min3A_486 [1] : vector<512x2048xf32> to vector<512xf32>
    %broadcast_in_dim3A_488 = vector.shape_cast %reduce_min3A_487 : vector<512xf32> to vector<512x1xf32>
    %eq3A_489 = vector.broadcast %broadcast_in_dim3A_488 : vector<512x1xf32> to vector<512x2048xf32>
    %eq3A_490 = arith.cmpf oeq, %select_n3A_485, %eq3A_489 : vector<512x2048xf32>
    %jit3A_491 = arith.constant 2048 : i32
    %broadcast_in_dim3A_492 = vector.broadcast %jit3A_491 : i32 to vector<512x2048xi32>
    %select_n3A_493 = arith.select %eq3A_490, %iota3A, %broadcast_in_dim3A_492 : vector<512x2048xi1>, vector<512x2048xi32>
    %reduce_min3A_494 = arith.constant dense<2147483647> : vector<512xi32>
    %reduce_min3A_495 = vector.multi_reduction <minsi>, %select_n3A_493, %reduce_min3A_494 [1] : vector<512x2048xi32> to vector<512xi32>
    %broadcast_in_dim3A_496 = vector.shape_cast %reduce_min3A_495 : vector<512xi32> to vector<512x1xi32>
    %eq3A_497 = arith.constant 20 : i32
    %eq3A_498 = vector.broadcast %eq3A_497 : i32 to vector<512x32xi32>
    %eq3A_499 = arith.cmpi eq, %iota3A_47, %eq3A_498 : vector<512x32xi32>
    %broadcast_in_dim3A_500 = vector.shape_cast %broadcast_in_dim3A_496 : vector<512x1xi32> to vector<512x1xi32>
    %broadcast_in_dim3A_501 = vector.broadcast %broadcast_in_dim3A_500 : vector<512x1xi32> to vector<512x32xi32>
    %select_n3A_502 = arith.select %eq3A_499, %broadcast_in_dim3A_501, %select_n3A_480 : vector<512x32xi1>, vector<512x32xi32>
    %eq3A_503 = vector.broadcast %broadcast_in_dim3A_496 : vector<512x1xi32> to vector<512x2048xi32>
    %eq3A_504 = arith.cmpi eq, %iota3A, %eq3A_503 : vector<512x2048xi32>
    %jit3A_505 = arith.constant 0x7F800000 : f32
    %broadcast_in_dim3A_506 = vector.broadcast %jit3A_505 : f32 to vector<512x2048xf32>
    %select_n3A_507 = arith.select %eq3A_504, %broadcast_in_dim3A_506, %select_n3A_485 : vector<512x2048xi1>, vector<512x2048xf32>
    %reduce_min3A_508 = arith.constant dense<0x7F800000> : vector<512xf32>
    %reduce_min3A_509 = vector.multi_reduction <minimumf>, %select_n3A_507, %reduce_min3A_508 [1] : vector<512x2048xf32> to vector<512xf32>
    %broadcast_in_dim3A_510 = vector.shape_cast %reduce_min3A_509 : vector<512xf32> to vector<512x1xf32>
    %eq3A_511 = vector.broadcast %broadcast_in_dim3A_510 : vector<512x1xf32> to vector<512x2048xf32>
    %eq3A_512 = arith.cmpf oeq, %select_n3A_507, %eq3A_511 : vector<512x2048xf32>
    %jit3A_513 = arith.constant 2048 : i32
    %broadcast_in_dim3A_514 = vector.broadcast %jit3A_513 : i32 to vector<512x2048xi32>
    %select_n3A_515 = arith.select %eq3A_512, %iota3A, %broadcast_in_dim3A_514 : vector<512x2048xi1>, vector<512x2048xi32>
    %reduce_min3A_516 = arith.constant dense<2147483647> : vector<512xi32>
    %reduce_min3A_517 = vector.multi_reduction <minsi>, %select_n3A_515, %reduce_min3A_516 [1] : vector<512x2048xi32> to vector<512xi32>
    %broadcast_in_dim3A_518 = vector.shape_cast %reduce_min3A_517 : vector<512xi32> to vector<512x1xi32>
    %eq3A_519 = arith.constant 21 : i32
    %eq3A_520 = vector.broadcast %eq3A_519 : i32 to vector<512x32xi32>
    %eq3A_521 = arith.cmpi eq, %iota3A_47, %eq3A_520 : vector<512x32xi32>
    %broadcast_in_dim3A_522 = vector.shape_cast %broadcast_in_dim3A_518 : vector<512x1xi32> to vector<512x1xi32>
    %broadcast_in_dim3A_523 = vector.broadcast %broadcast_in_dim3A_522 : vector<512x1xi32> to vector<512x32xi32>
    %select_n3A_524 = arith.select %eq3A_521, %broadcast_in_dim3A_523, %select_n3A_502 : vector<512x32xi1>, vector<512x32xi32>
    %eq3A_525 = vector.broadcast %broadcast_in_dim3A_518 : vector<512x1xi32> to vector<512x2048xi32>
    %eq3A_526 = arith.cmpi eq, %iota3A, %eq3A_525 : vector<512x2048xi32>
    %jit3A_527 = arith.constant 0x7F800000 : f32
    %broadcast_in_dim3A_528 = vector.broadcast %jit3A_527 : f32 to vector<512x2048xf32>
    %select_n3A_529 = arith.select %eq3A_526, %broadcast_in_dim3A_528, %select_n3A_507 : vector<512x2048xi1>, vector<512x2048xf32>
    %reduce_min3A_530 = arith.constant dense<0x7F800000> : vector<512xf32>
    %reduce_min3A_531 = vector.multi_reduction <minimumf>, %select_n3A_529, %reduce_min3A_530 [1] : vector<512x2048xf32> to vector<512xf32>
    %broadcast_in_dim3A_532 = vector.shape_cast %reduce_min3A_531 : vector<512xf32> to vector<512x1xf32>
    %eq3A_533 = vector.broadcast %broadcast_in_dim3A_532 : vector<512x1xf32> to vector<512x2048xf32>
    %eq3A_534 = arith.cmpf oeq, %select_n3A_529, %eq3A_533 : vector<512x2048xf32>
    %jit3A_535 = arith.constant 2048 : i32
    %broadcast_in_dim3A_536 = vector.broadcast %jit3A_535 : i32 to vector<512x2048xi32>
    %select_n3A_537 = arith.select %eq3A_534, %iota3A, %broadcast_in_dim3A_536 : vector<512x2048xi1>, vector<512x2048xi32>
    %reduce_min3A_538 = arith.constant dense<2147483647> : vector<512xi32>
    %reduce_min3A_539 = vector.multi_reduction <minsi>, %select_n3A_537, %reduce_min3A_538 [1] : vector<512x2048xi32> to vector<512xi32>
    %broadcast_in_dim3A_540 = vector.shape_cast %reduce_min3A_539 : vector<512xi32> to vector<512x1xi32>
    %eq3A_541 = arith.constant 22 : i32
    %eq3A_542 = vector.broadcast %eq3A_541 : i32 to vector<512x32xi32>
    %eq3A_543 = arith.cmpi eq, %iota3A_47, %eq3A_542 : vector<512x32xi32>
    %broadcast_in_dim3A_544 = vector.shape_cast %broadcast_in_dim3A_540 : vector<512x1xi32> to vector<512x1xi32>
    %broadcast_in_dim3A_545 = vector.broadcast %broadcast_in_dim3A_544 : vector<512x1xi32> to vector<512x32xi32>
    %select_n3A_546 = arith.select %eq3A_543, %broadcast_in_dim3A_545, %select_n3A_524 : vector<512x32xi1>, vector<512x32xi32>
    %eq3A_547 = vector.broadcast %broadcast_in_dim3A_540 : vector<512x1xi32> to vector<512x2048xi32>
    %eq3A_548 = arith.cmpi eq, %iota3A, %eq3A_547 : vector<512x2048xi32>
    %jit3A_549 = arith.constant 0x7F800000 : f32
    %broadcast_in_dim3A_550 = vector.broadcast %jit3A_549 : f32 to vector<512x2048xf32>
    %select_n3A_551 = arith.select %eq3A_548, %broadcast_in_dim3A_550, %select_n3A_529 : vector<512x2048xi1>, vector<512x2048xf32>
    %reduce_min3A_552 = arith.constant dense<0x7F800000> : vector<512xf32>
    %reduce_min3A_553 = vector.multi_reduction <minimumf>, %select_n3A_551, %reduce_min3A_552 [1] : vector<512x2048xf32> to vector<512xf32>
    %broadcast_in_dim3A_554 = vector.shape_cast %reduce_min3A_553 : vector<512xf32> to vector<512x1xf32>
    %eq3A_555 = vector.broadcast %broadcast_in_dim3A_554 : vector<512x1xf32> to vector<512x2048xf32>
    %eq3A_556 = arith.cmpf oeq, %select_n3A_551, %eq3A_555 : vector<512x2048xf32>
    %jit3A_557 = arith.constant 2048 : i32
    %broadcast_in_dim3A_558 = vector.broadcast %jit3A_557 : i32 to vector<512x2048xi32>
    %select_n3A_559 = arith.select %eq3A_556, %iota3A, %broadcast_in_dim3A_558 : vector<512x2048xi1>, vector<512x2048xi32>
    %reduce_min3A_560 = arith.constant dense<2147483647> : vector<512xi32>
    %reduce_min3A_561 = vector.multi_reduction <minsi>, %select_n3A_559, %reduce_min3A_560 [1] : vector<512x2048xi32> to vector<512xi32>
    %broadcast_in_dim3A_562 = vector.shape_cast %reduce_min3A_561 : vector<512xi32> to vector<512x1xi32>
    %eq3A_563 = arith.constant 23 : i32
    %eq3A_564 = vector.broadcast %eq3A_563 : i32 to vector<512x32xi32>
    %eq3A_565 = arith.cmpi eq, %iota3A_47, %eq3A_564 : vector<512x32xi32>
    %broadcast_in_dim3A_566 = vector.shape_cast %broadcast_in_dim3A_562 : vector<512x1xi32> to vector<512x1xi32>
    %broadcast_in_dim3A_567 = vector.broadcast %broadcast_in_dim3A_566 : vector<512x1xi32> to vector<512x32xi32>
    %select_n3A_568 = arith.select %eq3A_565, %broadcast_in_dim3A_567, %select_n3A_546 : vector<512x32xi1>, vector<512x32xi32>
    %eq3A_569 = vector.broadcast %broadcast_in_dim3A_562 : vector<512x1xi32> to vector<512x2048xi32>
    %eq3A_570 = arith.cmpi eq, %iota3A, %eq3A_569 : vector<512x2048xi32>
    %jit3A_571 = arith.constant 0x7F800000 : f32
    %broadcast_in_dim3A_572 = vector.broadcast %jit3A_571 : f32 to vector<512x2048xf32>
    %select_n3A_573 = arith.select %eq3A_570, %broadcast_in_dim3A_572, %select_n3A_551 : vector<512x2048xi1>, vector<512x2048xf32>
    %reduce_min3A_574 = arith.constant dense<0x7F800000> : vector<512xf32>
    %reduce_min3A_575 = vector.multi_reduction <minimumf>, %select_n3A_573, %reduce_min3A_574 [1] : vector<512x2048xf32> to vector<512xf32>
    %broadcast_in_dim3A_576 = vector.shape_cast %reduce_min3A_575 : vector<512xf32> to vector<512x1xf32>
    %eq3A_577 = vector.broadcast %broadcast_in_dim3A_576 : vector<512x1xf32> to vector<512x2048xf32>
    %eq3A_578 = arith.cmpf oeq, %select_n3A_573, %eq3A_577 : vector<512x2048xf32>
    %jit3A_579 = arith.constant 2048 : i32
    %broadcast_in_dim3A_580 = vector.broadcast %jit3A_579 : i32 to vector<512x2048xi32>
    %select_n3A_581 = arith.select %eq3A_578, %iota3A, %broadcast_in_dim3A_580 : vector<512x2048xi1>, vector<512x2048xi32>
    %reduce_min3A_582 = arith.constant dense<2147483647> : vector<512xi32>
    %reduce_min3A_583 = vector.multi_reduction <minsi>, %select_n3A_581, %reduce_min3A_582 [1] : vector<512x2048xi32> to vector<512xi32>
    %broadcast_in_dim3A_584 = vector.shape_cast %reduce_min3A_583 : vector<512xi32> to vector<512x1xi32>
    %eq3A_585 = arith.constant 24 : i32
    %eq3A_586 = vector.broadcast %eq3A_585 : i32 to vector<512x32xi32>
    %eq3A_587 = arith.cmpi eq, %iota3A_47, %eq3A_586 : vector<512x32xi32>
    %broadcast_in_dim3A_588 = vector.shape_cast %broadcast_in_dim3A_584 : vector<512x1xi32> to vector<512x1xi32>
    %broadcast_in_dim3A_589 = vector.broadcast %broadcast_in_dim3A_588 : vector<512x1xi32> to vector<512x32xi32>
    %select_n3A_590 = arith.select %eq3A_587, %broadcast_in_dim3A_589, %select_n3A_568 : vector<512x32xi1>, vector<512x32xi32>
    %eq3A_591 = vector.broadcast %broadcast_in_dim3A_584 : vector<512x1xi32> to vector<512x2048xi32>
    %eq3A_592 = arith.cmpi eq, %iota3A, %eq3A_591 : vector<512x2048xi32>
    %jit3A_593 = arith.constant 0x7F800000 : f32
    %broadcast_in_dim3A_594 = vector.broadcast %jit3A_593 : f32 to vector<512x2048xf32>
    %select_n3A_595 = arith.select %eq3A_592, %broadcast_in_dim3A_594, %select_n3A_573 : vector<512x2048xi1>, vector<512x2048xf32>
    %reduce_min3A_596 = arith.constant dense<0x7F800000> : vector<512xf32>
    %reduce_min3A_597 = vector.multi_reduction <minimumf>, %select_n3A_595, %reduce_min3A_596 [1] : vector<512x2048xf32> to vector<512xf32>
    %broadcast_in_dim3A_598 = vector.shape_cast %reduce_min3A_597 : vector<512xf32> to vector<512x1xf32>
    %eq3A_599 = vector.broadcast %broadcast_in_dim3A_598 : vector<512x1xf32> to vector<512x2048xf32>
    %eq3A_600 = arith.cmpf oeq, %select_n3A_595, %eq3A_599 : vector<512x2048xf32>
    %jit3A_601 = arith.constant 2048 : i32
    %broadcast_in_dim3A_602 = vector.broadcast %jit3A_601 : i32 to vector<512x2048xi32>
    %select_n3A_603 = arith.select %eq3A_600, %iota3A, %broadcast_in_dim3A_602 : vector<512x2048xi1>, vector<512x2048xi32>
    %reduce_min3A_604 = arith.constant dense<2147483647> : vector<512xi32>
    %reduce_min3A_605 = vector.multi_reduction <minsi>, %select_n3A_603, %reduce_min3A_604 [1] : vector<512x2048xi32> to vector<512xi32>
    %broadcast_in_dim3A_606 = vector.shape_cast %reduce_min3A_605 : vector<512xi32> to vector<512x1xi32>
    %eq3A_607 = arith.constant 25 : i32
    %eq3A_608 = vector.broadcast %eq3A_607 : i32 to vector<512x32xi32>
    %eq3A_609 = arith.cmpi eq, %iota3A_47, %eq3A_608 : vector<512x32xi32>
    %broadcast_in_dim3A_610 = vector.shape_cast %broadcast_in_dim3A_606 : vector<512x1xi32> to vector<512x1xi32>
    %broadcast_in_dim3A_611 = vector.broadcast %broadcast_in_dim3A_610 : vector<512x1xi32> to vector<512x32xi32>
    %select_n3A_612 = arith.select %eq3A_609, %broadcast_in_dim3A_611, %select_n3A_590 : vector<512x32xi1>, vector<512x32xi32>
    %eq3A_613 = vector.broadcast %broadcast_in_dim3A_606 : vector<512x1xi32> to vector<512x2048xi32>
    %eq3A_614 = arith.cmpi eq, %iota3A, %eq3A_613 : vector<512x2048xi32>
    %jit3A_615 = arith.constant 0x7F800000 : f32
    %broadcast_in_dim3A_616 = vector.broadcast %jit3A_615 : f32 to vector<512x2048xf32>
    %select_n3A_617 = arith.select %eq3A_614, %broadcast_in_dim3A_616, %select_n3A_595 : vector<512x2048xi1>, vector<512x2048xf32>
    %reduce_min3A_618 = arith.constant dense<0x7F800000> : vector<512xf32>
    %reduce_min3A_619 = vector.multi_reduction <minimumf>, %select_n3A_617, %reduce_min3A_618 [1] : vector<512x2048xf32> to vector<512xf32>
    %broadcast_in_dim3A_620 = vector.shape_cast %reduce_min3A_619 : vector<512xf32> to vector<512x1xf32>
    %eq3A_621 = vector.broadcast %broadcast_in_dim3A_620 : vector<512x1xf32> to vector<512x2048xf32>
    %eq3A_622 = arith.cmpf oeq, %select_n3A_617, %eq3A_621 : vector<512x2048xf32>
    %jit3A_623 = arith.constant 2048 : i32
    %broadcast_in_dim3A_624 = vector.broadcast %jit3A_623 : i32 to vector<512x2048xi32>
    %select_n3A_625 = arith.select %eq3A_622, %iota3A, %broadcast_in_dim3A_624 : vector<512x2048xi1>, vector<512x2048xi32>
    %reduce_min3A_626 = arith.constant dense<2147483647> : vector<512xi32>
    %reduce_min3A_627 = vector.multi_reduction <minsi>, %select_n3A_625, %reduce_min3A_626 [1] : vector<512x2048xi32> to vector<512xi32>
    %broadcast_in_dim3A_628 = vector.shape_cast %reduce_min3A_627 : vector<512xi32> to vector<512x1xi32>
    %eq3A_629 = arith.constant 26 : i32
    %eq3A_630 = vector.broadcast %eq3A_629 : i32 to vector<512x32xi32>
    %eq3A_631 = arith.cmpi eq, %iota3A_47, %eq3A_630 : vector<512x32xi32>
    %broadcast_in_dim3A_632 = vector.shape_cast %broadcast_in_dim3A_628 : vector<512x1xi32> to vector<512x1xi32>
    %broadcast_in_dim3A_633 = vector.broadcast %broadcast_in_dim3A_632 : vector<512x1xi32> to vector<512x32xi32>
    %select_n3A_634 = arith.select %eq3A_631, %broadcast_in_dim3A_633, %select_n3A_612 : vector<512x32xi1>, vector<512x32xi32>
    %eq3A_635 = vector.broadcast %broadcast_in_dim3A_628 : vector<512x1xi32> to vector<512x2048xi32>
    %eq3A_636 = arith.cmpi eq, %iota3A, %eq3A_635 : vector<512x2048xi32>
    %jit3A_637 = arith.constant 0x7F800000 : f32
    %broadcast_in_dim3A_638 = vector.broadcast %jit3A_637 : f32 to vector<512x2048xf32>
    %select_n3A_639 = arith.select %eq3A_636, %broadcast_in_dim3A_638, %select_n3A_617 : vector<512x2048xi1>, vector<512x2048xf32>
    %reduce_min3A_640 = arith.constant dense<0x7F800000> : vector<512xf32>
    %reduce_min3A_641 = vector.multi_reduction <minimumf>, %select_n3A_639, %reduce_min3A_640 [1] : vector<512x2048xf32> to vector<512xf32>
    %broadcast_in_dim3A_642 = vector.shape_cast %reduce_min3A_641 : vector<512xf32> to vector<512x1xf32>
    %eq3A_643 = vector.broadcast %broadcast_in_dim3A_642 : vector<512x1xf32> to vector<512x2048xf32>
    %eq3A_644 = arith.cmpf oeq, %select_n3A_639, %eq3A_643 : vector<512x2048xf32>
    %jit3A_645 = arith.constant 2048 : i32
    %broadcast_in_dim3A_646 = vector.broadcast %jit3A_645 : i32 to vector<512x2048xi32>
    %select_n3A_647 = arith.select %eq3A_644, %iota3A, %broadcast_in_dim3A_646 : vector<512x2048xi1>, vector<512x2048xi32>
    %reduce_min3A_648 = arith.constant dense<2147483647> : vector<512xi32>
    %reduce_min3A_649 = vector.multi_reduction <minsi>, %select_n3A_647, %reduce_min3A_648 [1] : vector<512x2048xi32> to vector<512xi32>
    %broadcast_in_dim3A_650 = vector.shape_cast %reduce_min3A_649 : vector<512xi32> to vector<512x1xi32>
    %eq3A_651 = arith.constant 27 : i32
    %eq3A_652 = vector.broadcast %eq3A_651 : i32 to vector<512x32xi32>
    %eq3A_653 = arith.cmpi eq, %iota3A_47, %eq3A_652 : vector<512x32xi32>
    %broadcast_in_dim3A_654 = vector.shape_cast %broadcast_in_dim3A_650 : vector<512x1xi32> to vector<512x1xi32>
    %broadcast_in_dim3A_655 = vector.broadcast %broadcast_in_dim3A_654 : vector<512x1xi32> to vector<512x32xi32>
    %select_n3A_656 = arith.select %eq3A_653, %broadcast_in_dim3A_655, %select_n3A_634 : vector<512x32xi1>, vector<512x32xi32>
    %eq3A_657 = vector.broadcast %broadcast_in_dim3A_650 : vector<512x1xi32> to vector<512x2048xi32>
    %eq3A_658 = arith.cmpi eq, %iota3A, %eq3A_657 : vector<512x2048xi32>
    %jit3A_659 = arith.constant 0x7F800000 : f32
    %broadcast_in_dim3A_660 = vector.broadcast %jit3A_659 : f32 to vector<512x2048xf32>
    %select_n3A_661 = arith.select %eq3A_658, %broadcast_in_dim3A_660, %select_n3A_639 : vector<512x2048xi1>, vector<512x2048xf32>
    %reduce_min3A_662 = arith.constant dense<0x7F800000> : vector<512xf32>
    %reduce_min3A_663 = vector.multi_reduction <minimumf>, %select_n3A_661, %reduce_min3A_662 [1] : vector<512x2048xf32> to vector<512xf32>
    %broadcast_in_dim3A_664 = vector.shape_cast %reduce_min3A_663 : vector<512xf32> to vector<512x1xf32>
    %eq3A_665 = vector.broadcast %broadcast_in_dim3A_664 : vector<512x1xf32> to vector<512x2048xf32>
    %eq3A_666 = arith.cmpf oeq, %select_n3A_661, %eq3A_665 : vector<512x2048xf32>
    %jit3A_667 = arith.constant 2048 : i32
    %broadcast_in_dim3A_668 = vector.broadcast %jit3A_667 : i32 to vector<512x2048xi32>
    %select_n3A_669 = arith.select %eq3A_666, %iota3A, %broadcast_in_dim3A_668 : vector<512x2048xi1>, vector<512x2048xi32>
    %reduce_min3A_670 = arith.constant dense<2147483647> : vector<512xi32>
    %reduce_min3A_671 = vector.multi_reduction <minsi>, %select_n3A_669, %reduce_min3A_670 [1] : vector<512x2048xi32> to vector<512xi32>
    %broadcast_in_dim3A_672 = vector.shape_cast %reduce_min3A_671 : vector<512xi32> to vector<512x1xi32>
    %eq3A_673 = arith.constant 28 : i32
    %eq3A_674 = vector.broadcast %eq3A_673 : i32 to vector<512x32xi32>
    %eq3A_675 = arith.cmpi eq, %iota3A_47, %eq3A_674 : vector<512x32xi32>
    %broadcast_in_dim3A_676 = vector.shape_cast %broadcast_in_dim3A_672 : vector<512x1xi32> to vector<512x1xi32>
    %broadcast_in_dim3A_677 = vector.broadcast %broadcast_in_dim3A_676 : vector<512x1xi32> to vector<512x32xi32>
    %select_n3A_678 = arith.select %eq3A_675, %broadcast_in_dim3A_677, %select_n3A_656 : vector<512x32xi1>, vector<512x32xi32>
    %eq3A_679 = vector.broadcast %broadcast_in_dim3A_672 : vector<512x1xi32> to vector<512x2048xi32>
    %eq3A_680 = arith.cmpi eq, %iota3A, %eq3A_679 : vector<512x2048xi32>
    %jit3A_681 = arith.constant 0x7F800000 : f32
    %broadcast_in_dim3A_682 = vector.broadcast %jit3A_681 : f32 to vector<512x2048xf32>
    %select_n3A_683 = arith.select %eq3A_680, %broadcast_in_dim3A_682, %select_n3A_661 : vector<512x2048xi1>, vector<512x2048xf32>
    %reduce_min3A_684 = arith.constant dense<0x7F800000> : vector<512xf32>
    %reduce_min3A_685 = vector.multi_reduction <minimumf>, %select_n3A_683, %reduce_min3A_684 [1] : vector<512x2048xf32> to vector<512xf32>
    %broadcast_in_dim3A_686 = vector.shape_cast %reduce_min3A_685 : vector<512xf32> to vector<512x1xf32>
    %eq3A_687 = vector.broadcast %broadcast_in_dim3A_686 : vector<512x1xf32> to vector<512x2048xf32>
    %eq3A_688 = arith.cmpf oeq, %select_n3A_683, %eq3A_687 : vector<512x2048xf32>
    %jit3A_689 = arith.constant 2048 : i32
    %broadcast_in_dim3A_690 = vector.broadcast %jit3A_689 : i32 to vector<512x2048xi32>
    %select_n3A_691 = arith.select %eq3A_688, %iota3A, %broadcast_in_dim3A_690 : vector<512x2048xi1>, vector<512x2048xi32>
    %reduce_min3A_692 = arith.constant dense<2147483647> : vector<512xi32>
    %reduce_min3A_693 = vector.multi_reduction <minsi>, %select_n3A_691, %reduce_min3A_692 [1] : vector<512x2048xi32> to vector<512xi32>
    %broadcast_in_dim3A_694 = vector.shape_cast %reduce_min3A_693 : vector<512xi32> to vector<512x1xi32>
    %eq3A_695 = arith.constant 29 : i32
    %eq3A_696 = vector.broadcast %eq3A_695 : i32 to vector<512x32xi32>
    %eq3A_697 = arith.cmpi eq, %iota3A_47, %eq3A_696 : vector<512x32xi32>
    %broadcast_in_dim3A_698 = vector.shape_cast %broadcast_in_dim3A_694 : vector<512x1xi32> to vector<512x1xi32>
    %broadcast_in_dim3A_699 = vector.broadcast %broadcast_in_dim3A_698 : vector<512x1xi32> to vector<512x32xi32>
    %select_n3A_700 = arith.select %eq3A_697, %broadcast_in_dim3A_699, %select_n3A_678 : vector<512x32xi1>, vector<512x32xi32>
    %eq3A_701 = vector.broadcast %broadcast_in_dim3A_694 : vector<512x1xi32> to vector<512x2048xi32>
    %eq3A_702 = arith.cmpi eq, %iota3A, %eq3A_701 : vector<512x2048xi32>
    %jit3A_703 = arith.constant 0x7F800000 : f32
    %broadcast_in_dim3A_704 = vector.broadcast %jit3A_703 : f32 to vector<512x2048xf32>
    %select_n3A_705 = arith.select %eq3A_702, %broadcast_in_dim3A_704, %select_n3A_683 : vector<512x2048xi1>, vector<512x2048xf32>
    %reduce_min3A_706 = arith.constant dense<0x7F800000> : vector<512xf32>
    %reduce_min3A_707 = vector.multi_reduction <minimumf>, %select_n3A_705, %reduce_min3A_706 [1] : vector<512x2048xf32> to vector<512xf32>
    %broadcast_in_dim3A_708 = vector.shape_cast %reduce_min3A_707 : vector<512xf32> to vector<512x1xf32>
    %eq3A_709 = vector.broadcast %broadcast_in_dim3A_708 : vector<512x1xf32> to vector<512x2048xf32>
    %eq3A_710 = arith.cmpf oeq, %select_n3A_705, %eq3A_709 : vector<512x2048xf32>
    %jit3A_711 = arith.constant 2048 : i32
    %broadcast_in_dim3A_712 = vector.broadcast %jit3A_711 : i32 to vector<512x2048xi32>
    %select_n3A_713 = arith.select %eq3A_710, %iota3A, %broadcast_in_dim3A_712 : vector<512x2048xi1>, vector<512x2048xi32>
    %reduce_min3A_714 = arith.constant dense<2147483647> : vector<512xi32>
    %reduce_min3A_715 = vector.multi_reduction <minsi>, %select_n3A_713, %reduce_min3A_714 [1] : vector<512x2048xi32> to vector<512xi32>
    %broadcast_in_dim3A_716 = vector.shape_cast %reduce_min3A_715 : vector<512xi32> to vector<512x1xi32>
    %eq3A_717 = arith.constant 30 : i32
    %eq3A_718 = vector.broadcast %eq3A_717 : i32 to vector<512x32xi32>
    %eq3A_719 = arith.cmpi eq, %iota3A_47, %eq3A_718 : vector<512x32xi32>
    %broadcast_in_dim3A_720 = vector.shape_cast %broadcast_in_dim3A_716 : vector<512x1xi32> to vector<512x1xi32>
    %broadcast_in_dim3A_721 = vector.broadcast %broadcast_in_dim3A_720 : vector<512x1xi32> to vector<512x32xi32>
    %select_n3A_722 = arith.select %eq3A_719, %broadcast_in_dim3A_721, %select_n3A_700 : vector<512x32xi1>, vector<512x32xi32>
    %eq3A_723 = vector.broadcast %broadcast_in_dim3A_716 : vector<512x1xi32> to vector<512x2048xi32>
    %eq3A_724 = arith.cmpi eq, %iota3A, %eq3A_723 : vector<512x2048xi32>
    %jit3A_725 = arith.constant 0x7F800000 : f32
    %broadcast_in_dim3A_726 = vector.broadcast %jit3A_725 : f32 to vector<512x2048xf32>
    %select_n3A_727 = arith.select %eq3A_724, %broadcast_in_dim3A_726, %select_n3A_705 : vector<512x2048xi1>, vector<512x2048xf32>
    %reduce_min3A_728 = arith.constant dense<0x7F800000> : vector<512xf32>
    %reduce_min3A_729 = vector.multi_reduction <minimumf>, %select_n3A_727, %reduce_min3A_728 [1] : vector<512x2048xf32> to vector<512xf32>
    %broadcast_in_dim3A_730 = vector.shape_cast %reduce_min3A_729 : vector<512xf32> to vector<512x1xf32>
    %eq3A_731 = vector.broadcast %broadcast_in_dim3A_730 : vector<512x1xf32> to vector<512x2048xf32>
    %eq3A_732 = arith.cmpf oeq, %select_n3A_727, %eq3A_731 : vector<512x2048xf32>
    %jit3A_733 = arith.constant 2048 : i32
    %broadcast_in_dim3A_734 = vector.broadcast %jit3A_733 : i32 to vector<512x2048xi32>
    %select_n3A_735 = arith.select %eq3A_732, %iota3A, %broadcast_in_dim3A_734 : vector<512x2048xi1>, vector<512x2048xi32>
    %reduce_min3A_736 = arith.constant dense<2147483647> : vector<512xi32>
    %reduce_min3A_737 = vector.multi_reduction <minsi>, %select_n3A_735, %reduce_min3A_736 [1] : vector<512x2048xi32> to vector<512xi32>
    %broadcast_in_dim3A_738 = vector.shape_cast %reduce_min3A_737 : vector<512xi32> to vector<512x1xi32>
    %eq3A_739 = arith.constant 31 : i32
    %eq3A_740 = vector.broadcast %eq3A_739 : i32 to vector<512x32xi32>
    %eq3A_741 = arith.cmpi eq, %iota3A_47, %eq3A_740 : vector<512x32xi32>
    %broadcast_in_dim3A_742 = vector.shape_cast %broadcast_in_dim3A_738 : vector<512x1xi32> to vector<512x1xi32>
    %broadcast_in_dim3A_743 = vector.broadcast %broadcast_in_dim3A_742 : vector<512x1xi32> to vector<512x32xi32>
    %select_n3A_744 = arith.select %eq3A_741, %broadcast_in_dim3A_743, %select_n3A_722 : vector<512x32xi1>, vector<512x32xi32>
    %swap3A = arith.constant 0 : index
    %swap3A_745 = arith.constant 0 : index
    %swap3A_746 = arith.constant 0 : index
    %swap3A_747 = vector.load %arg6[%swap3A, %swap3A_745, %swap3A_746] : memref<1x512x32xi32, #tpu.memory_space<vmem>>, vector<1x512x32xi32>
    %swap3A_748 = vector.shape_cast %swap3A_747 : vector<1x512x32xi32> to vector<512x32xi32>
    %swap3A_749 = vector.shape_cast %select_n3A_744 : vector<512x32xi32> to vector<1x512x32xi32>
    tpu.vector_store %arg6[%swap3A, %swap3A_745, %swap3A_746], %swap3A_749 {strides = array<i32>} : memref<1x512x32xi32, #tpu.memory_space<vmem>>, vector<1x512x32xi32>,
    return
  }
  func.func @transform_0(%arg0: i32) -> (i32, i32, i32) {
    %c0_i32 = arith.constant 0 : i32
    %c0_i32_0 = arith.constant 0 : i32
    %c0_i32_1 = arith.constant 0 : i32
    return %arg0, %c0_i32, %c0_i32_0 : i32, i32, i32
  }
  func.func @transform_1(%arg0: i32) -> (i32, i32, i32) {
    %c0_i32 = arith.constant 0 : i32
    %c0_i32_0 = arith.constant 0 : i32
    %c0_i32_1 = arith.constant 0 : i32
    return %arg0, %c0_i32, %c0_i32_0 : i32, i32, i32
  }
  func.func @transform_2(%arg0: i32) -> (i32, i32, i32) {
    %c0_i32 = arith.constant 0 : i32
    %c0_i32_0 = arith.constant 0 : i32
    %c0_i32_1 = arith.constant 0 : i32
    return %arg0, %c0_i32, %c0_i32_0 : i32, i32, i32
  }
  func.func @transform_3(%arg0: i32) -> (i32, i32, i32) {
    %c0_i32 = arith.constant 0 : i32
    %c0_i32_0 = arith.constant 0 : i32
    %c0_i32_1 = arith.constant 0 : i32
    return %arg0, %c0_i32, %c0_i32_0 : i32, i32, i32
  }
  func.func @transform_4(%arg0: i32) -> (i32, i32, i32) {
    %c0_i32 = arith.constant 0 : i32
    %c0_i32_0 = arith.constant 0 : i32
    %c0_i32_1 = arith.constant 0 : i32
    return %arg0, %c0_i32, %c0_i32_0 : i32, i32, i32
  }
  func.func @transform_5(%arg0: i32) -> (i32, i32, i32) {
    %c0_i32 = arith.constant 0 : i32
    %c0_i32_0 = arith.constant 0 : i32
    %c0_i32_1 = arith.constant 0 : i32
    return %arg0, %c0_i32, %c0_i32_0 : i32, i32, i32
  }
}

module attributes {stable_mosaic.version = 14 : i64} {
  func.func @_l1_body(%arg0: i32, %arg1: i32, %arg2: memref<1x1x512x128xf32, #tpu.memory_space<vmem>>, %arg3: memref<1x1x16x128xf32, #tpu.memory_space<vmem>>, %arg4: memref<82x128xf32, #tpu.memory_space<vmem>>, %arg5: memref<1x128xf32, #tpu.memory_space<vmem>>, %arg6: memref<1x1x512x128xbf16, #tpu.memory_space<vmem>>, %arg7: memref<1x1x1x128xf32, #tpu.memory_space<vmem>>, %arg8: memref<1x1x1x128xf32, #tpu.memory_space<vmem>>) attributes {dimension_semantics = [#tpu.dimension_semantics<arbitrary>, #tpu.dimension_semantics<arbitrary>], iteration_bounds = array<i64: 8, 32>, scalar_prefetch = 0 : i64, scratch_operands = 0 : i64, tpu.core_type = #tpu.core_type<tc>, window_params = [{transform_indices = @transform_0, window_bounds = array<i64: 1, 1, 512, 128>}, {transform_indices = @transform_1, window_bounds = array<i64: 1, 1, 16, 128>}, {pipeline_mode = #tpu.pipeline_mode<synchronous>, transform_indices = @transform_2, window_bounds = array<i64: 82, 128>}, {pipeline_mode = #tpu.pipeline_mode<synchronous>, transform_indices = @transform_3, window_bounds = array<i64: 1, 128>}, {transform_indices = @transform_4, window_bounds = array<i64: 1, 1, 512, 128>}, {transform_indices = @transform_5, window_bounds = array<i64: 1, 1, 1, 128>}, {transform_indices = @transform_6, window_bounds = array<i64: 1, 1, 1, 128>}]} {
    %get3A = arith.constant 0 : index
    %get3A_0 = arith.constant 0 : index
    %get3A_1 = arith.constant 0 : index
    %get3A_2 = arith.constant 0 : index
    %get3A_3 = vector.load %arg2[%get3A, %get3A_0, %get3A_1, %get3A_2] : memref<1x1x512x128xf32, #tpu.memory_space<vmem>>, vector<1x1x512x128xf32>
    %get3A_4 = vector.shape_cast %get3A_3 : vector<1x1x512x128xf32> to vector<512x128xf32>
    %get3A_5 = arith.constant 0 : index
    %get3A_6 = arith.constant 0 : index
    %get3A_7 = arith.constant 0 : index
    %get3A_8 = arith.constant 0 : index
    %get3A_9 = vector.load %arg3[%get3A_5, %get3A_6, %get3A_7, %get3A_8] : memref<1x1x16x128xf32, #tpu.memory_space<vmem>>, vector<1x1x16x128xf32>
    %get3A_10 = vector.shape_cast %get3A_9 : vector<1x1x16x128xf32> to vector<16x128xf32>
    %reshape3A = vector.shape_cast %get3A_10 : vector<16x128xf32> to vector<16x1x128xf32>
    %broadcast_in_dim3A = vector.shape_cast %reshape3A : vector<16x1x128xf32> to vector<16x1x128xf32>
    %broadcast_in_dim3A_11 = vector.broadcast %broadcast_in_dim3A : vector<16x1x128xf32> to vector<16x32x128xf32>
    %reshape3A_12 = vector.shape_cast %broadcast_in_dim3A_11 : vector<16x32x128xf32> to vector<512x128xf32>
    %slice3A = vector.extract_strided_slice %get3A_4 {offsets = [0, 0], sizes = [512, 3], strides = [1, 1]} : vector<512x128xf32> to vector<512x3xf32>
    %slice3A_13 = vector.extract_strided_slice %reshape3A_12 {offsets = [0, 0], sizes = [512, 3], strides = [1, 1]} : vector<512x128xf32> to vector<512x3xf32>
    %sub3A = arith.subf %slice3A, %slice3A_13 : vector<512x3xf32>
    %slice3A_14 = vector.extract_strided_slice %get3A_4 {offsets = [0, 3], sizes = [512, 3], strides = [1, 1]} : vector<512x128xf32> to vector<512x3xf32>
    %slice3A_15 = vector.extract_strided_slice %reshape3A_12 {offsets = [0, 3], sizes = [512, 3], strides = [1, 1]} : vector<512x128xf32> to vector<512x3xf32>
    %sub3A_16 = arith.subf %slice3A_14, %slice3A_15 : vector<512x3xf32>
    %slice3A_17 = vector.extract_strided_slice %get3A_4 {offsets = [0, 6], sizes = [512, 2], strides = [1, 1]} : vector<512x128xf32> to vector<512x2xf32>
    %slice3A_18 = vector.extract_strided_slice %reshape3A_12 {offsets = [0, 6], sizes = [512, 2], strides = [1, 1]} : vector<512x128xf32> to vector<512x2xf32>
    %slice3A_19 = vector.extract_strided_slice %get3A_4 {offsets = [0, 8], sizes = [512, 4], strides = [1, 1]} : vector<512x128xf32> to vector<512x4xf32>
    %slice3A_20 = vector.extract_strided_slice %reshape3A_12 {offsets = [0, 8], sizes = [512, 4], strides = [1, 1]} : vector<512x128xf32> to vector<512x4xf32>
    %slice3A_21 = vector.extract_strided_slice %get3A_4 {offsets = [0, 12], sizes = [512, 64], strides = [1, 1]} : vector<512x128xf32> to vector<512x64xf32>
    %concatenate3A = tpu.concatenate %sub3A, %sub3A_16, %slice3A_17, %slice3A_18, %slice3A_19, %slice3A_20, %slice3A_21 in 1 : vector<512x3xf32>, vector<512x3xf32>, vector<512x2xf32>, vector<512x2xf32>, vector<512x4xf32>, vector<512x4xf32>, vector<512x64xf32> -> vector<512x82xf32>
    %get3A_22 = arith.constant 0 : index
    %get3A_23 = arith.constant 0 : index
    %get3A_24 = vector.load %arg4[%get3A_22, %get3A_23] : memref<82x128xf32, #tpu.memory_space<vmem>>, vector<82x128xf32>
    %convert_element_type3A = arith.truncf %concatenate3A : vector<512x82xf32> to vector<512x82xbf16>
    %convert_element_type3A_25 = arith.truncf %get3A_24 : vector<82x128xf32> to vector<82x128xbf16>
    %dot_general3A = arith.constant dense<0.000000e+00> : vector<512x128xf32>
    %dot_general3A_26 = tpu.matmul %convert_element_type3A, %convert_element_type3A_25, %dot_general3A {dimension_numbers = #tpu.dot_dimension_numbers<[1], [0], [0], [1], [0, 0, 1, 1], [], []>, transpose_lhs_hint = false} : vector<512x82xbf16>, vector<82x128xbf16>, vector<512x128xf32> -> vector<512x128xf32>
    %get3A_27 = arith.constant 0 : index
    %get3A_28 = arith.constant 0 : index
    %get3A_29 = vector.load %arg5[%get3A_27, %get3A_28] : memref<1x128xf32, #tpu.memory_space<vmem>>, vector<1x128xf32>
    %add3A = vector.broadcast %get3A_29 : vector<1x128xf32> to vector<512x128xf32>
    %add3A_30 = arith.addf %dot_general3A_26, %add3A : vector<512x128xf32>
    %convert_element_type3A_31 = arith.truncf %add3A_30 : vector<512x128xf32> to vector<512x128xbf16>
    %swap3A = arith.constant 0 : index
    %swap3A_32 = arith.constant 0 : index
    %swap3A_33 = arith.constant 0 : index
    %swap3A_34 = arith.constant 0 : index
    %swap3A_35 = vector.load %arg6[%swap3A, %swap3A_32, %swap3A_33, %swap3A_34] : memref<1x1x512x128xbf16, #tpu.memory_space<vmem>>, vector<1x1x512x128xbf16>
    %swap3A_36 = vector.shape_cast %swap3A_35 : vector<1x1x512x128xbf16> to vector<512x128xbf16>
    %swap3A_37 = vector.shape_cast %convert_element_type3A_31 : vector<512x128xbf16> to vector<1x1x512x128xbf16>
    tpu.vector_store %arg6[%swap3A, %swap3A_32, %swap3A_33, %swap3A_34], %swap3A_37 {strides = array<i32>} : memref<1x1x512x128xbf16, #tpu.memory_space<vmem>>, vector<1x1x512x128xbf16>,
    %reduce_sum3A = arith.constant dense<0.000000e+00> : vector<128xf32>
    %reduce_sum3A_38 = vector.multi_reduction <add>, %add3A_30, %reduce_sum3A [0] : vector<512x128xf32> to vector<128xf32>
    %broadcast_in_dim3A_39 = vector.shape_cast %reduce_sum3A_38 : vector<128xf32> to vector<1x128xf32>
    %swap3A_40 = arith.constant 0 : index
    %swap3A_41 = arith.constant 0 : index
    %swap3A_42 = arith.constant 0 : index
    %swap3A_43 = arith.constant 0 : index
    %swap3A_44 = vector.load %arg7[%swap3A_40, %swap3A_41, %swap3A_42, %swap3A_43] : memref<1x1x1x128xf32, #tpu.memory_space<vmem>>, vector<1x1x1x128xf32>
    %swap3A_45 = vector.shape_cast %swap3A_44 : vector<1x1x1x128xf32> to vector<1x128xf32>
    %swap3A_46 = vector.shape_cast %broadcast_in_dim3A_39 : vector<1x128xf32> to vector<1x1x1x128xf32>
    tpu.vector_store %arg7[%swap3A_40, %swap3A_41, %swap3A_42, %swap3A_43], %swap3A_46 {strides = array<i32>} : memref<1x1x1x128xf32, #tpu.memory_space<vmem>>, vector<1x1x1x128xf32>,
    %mul3A = arith.mulf %add3A_30, %add3A_30 : vector<512x128xf32>
    %reduce_sum3A_47 = arith.constant dense<0.000000e+00> : vector<128xf32>
    %reduce_sum3A_48 = vector.multi_reduction <add>, %mul3A, %reduce_sum3A_47 [0] : vector<512x128xf32> to vector<128xf32>
    %broadcast_in_dim3A_49 = vector.shape_cast %reduce_sum3A_48 : vector<128xf32> to vector<1x128xf32>
    %swap3A_50 = arith.constant 0 : index
    %swap3A_51 = arith.constant 0 : index
    %swap3A_52 = arith.constant 0 : index
    %swap3A_53 = arith.constant 0 : index
    %swap3A_54 = vector.load %arg8[%swap3A_50, %swap3A_51, %swap3A_52, %swap3A_53] : memref<1x1x1x128xf32, #tpu.memory_space<vmem>>, vector<1x1x1x128xf32>
    %swap3A_55 = vector.shape_cast %swap3A_54 : vector<1x1x1x128xf32> to vector<1x128xf32>
    %swap3A_56 = vector.shape_cast %broadcast_in_dim3A_49 : vector<1x128xf32> to vector<1x1x1x128xf32>
    tpu.vector_store %arg8[%swap3A_50, %swap3A_51, %swap3A_52, %swap3A_53], %swap3A_56 {strides = array<i32>} : memref<1x1x1x128xf32, #tpu.memory_space<vmem>>, vector<1x1x1x128xf32>,
    return
  }
  func.func @transform_0(%arg0: i32, %arg1: i32) -> (i32, i32, i32, i32) {
    %c0_i32 = arith.constant 0 : i32
    %c0_i32_0 = arith.constant 0 : i32
    %c0_i32_1 = arith.constant 0 : i32
    return %arg0, %arg1, %c0_i32, %c0_i32_0 : i32, i32, i32, i32
  }
  func.func @transform_1(%arg0: i32, %arg1: i32) -> (i32, i32, i32, i32) {
    %c0_i32 = arith.constant 0 : i32
    %c0_i32_0 = arith.constant 0 : i32
    %c0_i32_1 = arith.constant 0 : i32
    return %arg0, %arg1, %c0_i32, %c0_i32_0 : i32, i32, i32, i32
  }
  func.func @transform_2(%arg0: i32, %arg1: i32) -> (i32, i32) {
    %c0_i32 = arith.constant 0 : i32
    %c0_i32_0 = arith.constant 0 : i32
    %c0_i32_1 = arith.constant 0 : i32
    return %c0_i32, %c0_i32_0 : i32, i32
  }
  func.func @transform_3(%arg0: i32, %arg1: i32) -> (i32, i32) {
    %c0_i32 = arith.constant 0 : i32
    %c0_i32_0 = arith.constant 0 : i32
    %c0_i32_1 = arith.constant 0 : i32
    return %c0_i32, %c0_i32_0 : i32, i32
  }
  func.func @transform_4(%arg0: i32, %arg1: i32) -> (i32, i32, i32, i32) {
    %c0_i32 = arith.constant 0 : i32
    %c0_i32_0 = arith.constant 0 : i32
    %c0_i32_1 = arith.constant 0 : i32
    return %arg0, %arg1, %c0_i32, %c0_i32_0 : i32, i32, i32, i32
  }
  func.func @transform_5(%arg0: i32, %arg1: i32) -> (i32, i32, i32, i32) {
    %c0_i32 = arith.constant 0 : i32
    %c0_i32_0 = arith.constant 0 : i32
    %c0_i32_1 = arith.constant 0 : i32
    return %arg0, %arg1, %c0_i32, %c0_i32_0 : i32, i32, i32, i32
  }
  func.func @transform_6(%arg0: i32, %arg1: i32) -> (i32, i32, i32, i32) {
    %c0_i32 = arith.constant 0 : i32
    %c0_i32_0 = arith.constant 0 : i32
    %c0_i32_1 = arith.constant 0 : i32
    return %arg0, %arg1, %c0_i32, %c0_i32_0 : i32, i32, i32, i32
  }
}

module attributes {stable_mosaic.version = 14 : i64} {
  func.func @_mm_body(%arg0: i32, %arg1: memref<4096x128xbf16, #tpu.memory_space<vmem>>, %arg2: memref<1x128xf32, #tpu.memory_space<vmem>>, %arg3: memref<1x128xf32, #tpu.memory_space<vmem>>, %arg4: memref<128x128xf32, #tpu.memory_space<vmem>>, %arg5: memref<1x128xf32, #tpu.memory_space<vmem>>, %arg6: memref<4096x128xbf16, #tpu.memory_space<vmem>>, %arg7: memref<1x1x128xf32, #tpu.memory_space<vmem>>, %arg8: memref<1x1x128xf32, #tpu.memory_space<vmem>>) attributes {dimension_semantics = [#tpu.dimension_semantics<arbitrary>], iteration_bounds = array<i64: 32>, scalar_prefetch = 0 : i64, scratch_operands = 0 : i64, tpu.core_type = #tpu.core_type<tc>, window_params = [{transform_indices = @transform_0, window_bounds = array<i64: 4096, 128>}, {pipeline_mode = #tpu.pipeline_mode<synchronous>, transform_indices = @transform_1, window_bounds = array<i64: 1, 128>}, {pipeline_mode = #tpu.pipeline_mode<synchronous>, transform_indices = @transform_2, window_bounds = array<i64: 1, 128>}, {pipeline_mode = #tpu.pipeline_mode<synchronous>, transform_indices = @transform_3, window_bounds = array<i64: 128, 128>}, {pipeline_mode = #tpu.pipeline_mode<synchronous>, transform_indices = @transform_4, window_bounds = array<i64: 1, 128>}, {transform_indices = @transform_5, window_bounds = array<i64: 4096, 128>}, {transform_indices = @transform_6, window_bounds = array<i64: 1, 1, 128>}, {transform_indices = @transform_7, window_bounds = array<i64: 1, 1, 128>}]} {
    %get3A = arith.constant 0 : index
    %get3A_0 = arith.constant 0 : index
    %get3A_1 = vector.load %arg1[%get3A, %get3A_0] : memref<4096x128xbf16, #tpu.memory_space<vmem>>, vector<4096x128xbf16>
    %convert_element_type3A = arith.extf %get3A_1 : vector<4096x128xbf16> to vector<4096x128xf32>
    %get3A_2 = arith.constant 0 : index
    %get3A_3 = arith.constant 0 : index
    %get3A_4 = vector.load %arg2[%get3A_2, %get3A_3] : memref<1x128xf32, #tpu.memory_space<vmem>>, vector<1x128xf32>
    %mul3A = vector.broadcast %get3A_4 : vector<1x128xf32> to vector<4096x128xf32>
    %mul3A_5 = arith.mulf %convert_element_type3A, %mul3A : vector<4096x128xf32>
    %get3A_6 = arith.constant 0 : index
    %get3A_7 = arith.constant 0 : index
    %get3A_8 = vector.load %arg3[%get3A_6, %get3A_7] : memref<1x128xf32, #tpu.memory_space<vmem>>, vector<1x128xf32>
    %add3A = vector.broadcast %get3A_8 : vector<1x128xf32> to vector<4096x128xf32>
    %add3A_9 = arith.addf %mul3A_5, %add3A : vector<4096x128xf32>
    %max3A = arith.constant 0.000000e+00 : f32
    %max3A_10 = vector.broadcast %max3A : f32 to vector<4096x128xf32>
    %max3A_11 = arith.maximumf %add3A_9, %max3A_10 : vector<4096x128xf32>
    %get3A_12 = arith.constant 0 : index
    %get3A_13 = arith.constant 0 : index
    %get3A_14 = vector.load %arg4[%get3A_12, %get3A_13] : memref<128x128xf32, #tpu.memory_space<vmem>>, vector<128x128xf32>
    %convert_element_type3A_15 = arith.truncf %max3A_11 : vector<4096x128xf32> to vector<4096x128xbf16>
    %convert_element_type3A_16 = arith.truncf %get3A_14 : vector<128x128xf32> to vector<128x128xbf16>
    %dot_general3A = arith.constant dense<0.000000e+00> : vector<4096x128xf32>
    %dot_general3A_17 = tpu.matmul %convert_element_type3A_15, %convert_element_type3A_16, %dot_general3A {dimension_numbers = #tpu.dot_dimension_numbers<[1], [0], [0], [1], [0, 0, 1, 1], [], []>, transpose_lhs_hint = false} : vector<4096x128xbf16>, vector<128x128xbf16>, vector<4096x128xf32> -> vector<4096x128xf32>
    %get3A_18 = arith.constant 0 : index
    %get3A_19 = arith.constant 0 : index
    %get3A_20 = vector.load %arg5[%get3A_18, %get3A_19] : memref<1x128xf32, #tpu.memory_space<vmem>>, vector<1x128xf32>
    %add3A_21 = vector.broadcast %get3A_20 : vector<1x128xf32> to vector<4096x128xf32>
    %add3A_22 = arith.addf %dot_general3A_17, %add3A_21 : vector<4096x128xf32>
    %convert_element_type3A_23 = arith.truncf %add3A_22 : vector<4096x128xf32> to vector<4096x128xbf16>
    %swap3A = arith.constant 0 : index
    %swap3A_24 = arith.constant 0 : index
    %swap3A_25 = vector.load %arg6[%swap3A, %swap3A_24] : memref<4096x128xbf16, #tpu.memory_space<vmem>>, vector<4096x128xbf16>
    tpu.vector_store %arg6[%swap3A, %swap3A_24], %convert_element_type3A_23 {strides = array<i32>} : memref<4096x128xbf16, #tpu.memory_space<vmem>>, vector<4096x128xbf16>,
    %reduce_sum3A = arith.constant dense<0.000000e+00> : vector<128xf32>
    %reduce_sum3A_26 = vector.multi_reduction <add>, %add3A_22, %reduce_sum3A [0] : vector<4096x128xf32> to vector<128xf32>
    %broadcast_in_dim3A = vector.shape_cast %reduce_sum3A_26 : vector<128xf32> to vector<1x128xf32>
    %swap3A_27 = arith.constant 0 : index
    %swap3A_28 = arith.constant 0 : index
    %swap3A_29 = arith.constant 0 : index
    %swap3A_30 = vector.load %arg7[%swap3A_27, %swap3A_28, %swap3A_29] : memref<1x1x128xf32, #tpu.memory_space<vmem>>, vector<1x1x128xf32>
    %swap3A_31 = vector.shape_cast %swap3A_30 : vector<1x1x128xf32> to vector<1x128xf32>
    %swap3A_32 = vector.shape_cast %broadcast_in_dim3A : vector<1x128xf32> to vector<1x1x128xf32>
    tpu.vector_store %arg7[%swap3A_27, %swap3A_28, %swap3A_29], %swap3A_32 {strides = array<i32>} : memref<1x1x128xf32, #tpu.memory_space<vmem>>, vector<1x1x128xf32>,
    %mul3A_33 = arith.mulf %add3A_22, %add3A_22 : vector<4096x128xf32>
    %reduce_sum3A_34 = arith.constant dense<0.000000e+00> : vector<128xf32>
    %reduce_sum3A_35 = vector.multi_reduction <add>, %mul3A_33, %reduce_sum3A_34 [0] : vector<4096x128xf32> to vector<128xf32>
    %broadcast_in_dim3A_36 = vector.shape_cast %reduce_sum3A_35 : vector<128xf32> to vector<1x128xf32>
    %swap3A_37 = arith.constant 0 : index
    %swap3A_38 = arith.constant 0 : index
    %swap3A_39 = arith.constant 0 : index
    %swap3A_40 = vector.load %arg8[%swap3A_37, %swap3A_38, %swap3A_39] : memref<1x1x128xf32, #tpu.memory_space<vmem>>, vector<1x1x128xf32>
    %swap3A_41 = vector.shape_cast %swap3A_40 : vector<1x1x128xf32> to vector<1x128xf32>
    %swap3A_42 = vector.shape_cast %broadcast_in_dim3A_36 : vector<1x128xf32> to vector<1x1x128xf32>
    tpu.vector_store %arg8[%swap3A_37, %swap3A_38, %swap3A_39], %swap3A_42 {strides = array<i32>} : memref<1x1x128xf32, #tpu.memory_space<vmem>>, vector<1x1x128xf32>,
    return
  }
  func.func @transform_0(%arg0: i32) -> (i32, i32) {
    %c0_i32 = arith.constant 0 : i32
    %c0_i32_0 = arith.constant 0 : i32
    return %arg0, %c0_i32 : i32, i32
  }
  func.func @transform_1(%arg0: i32) -> (i32, i32) {
    %c0_i32 = arith.constant 0 : i32
    %c0_i32_0 = arith.constant 0 : i32
    %c0_i32_1 = arith.constant 0 : i32
    return %c0_i32, %c0_i32_0 : i32, i32
  }
  func.func @transform_2(%arg0: i32) -> (i32, i32) {
    %c0_i32 = arith.constant 0 : i32
    %c0_i32_0 = arith.constant 0 : i32
    %c0_i32_1 = arith.constant 0 : i32
    return %c0_i32, %c0_i32_0 : i32, i32
  }
  func.func @transform_3(%arg0: i32) -> (i32, i32) {
    %c0_i32 = arith.constant 0 : i32
    %c0_i32_0 = arith.constant 0 : i32
    %c0_i32_1 = arith.constant 0 : i32
    return %c0_i32, %c0_i32_0 : i32, i32
  }
  func.func @transform_4(%arg0: i32) -> (i32, i32) {
    %c0_i32 = arith.constant 0 : i32
    %c0_i32_0 = arith.constant 0 : i32
    %c0_i32_1 = arith.constant 0 : i32
    return %c0_i32, %c0_i32_0 : i32, i32
  }
  func.func @transform_5(%arg0: i32) -> (i32, i32) {
    %c0_i32 = arith.constant 0 : i32
    %c0_i32_0 = arith.constant 0 : i32
    return %arg0, %c0_i32 : i32, i32
  }
  func.func @transform_6(%arg0: i32) -> (i32, i32, i32) {
    %c0_i32 = arith.constant 0 : i32
    %c0_i32_0 = arith.constant 0 : i32
    %c0_i32_1 = arith.constant 0 : i32
    return %arg0, %c0_i32, %c0_i32_0 : i32, i32, i32
  }
  func.func @transform_7(%arg0: i32) -> (i32, i32, i32) {
    %c0_i32 = arith.constant 0 : i32
    %c0_i32_0 = arith.constant 0 : i32
    %c0_i32_1 = arith.constant 0 : i32
    return %arg0, %c0_i32, %c0_i32_0 : i32, i32, i32
  }
}

module attributes {stable_mosaic.version = 14 : i64} {
  func.func @_mm_body(%arg0: i32, %arg1: memref<4096x128xbf16, #tpu.memory_space<vmem>>, %arg2: memref<1x128xf32, #tpu.memory_space<vmem>>, %arg3: memref<1x128xf32, #tpu.memory_space<vmem>>, %arg4: memref<128x256xf32, #tpu.memory_space<vmem>>, %arg5: memref<1x256xf32, #tpu.memory_space<vmem>>, %arg6: memref<4096x256xbf16, #tpu.memory_space<vmem>>, %arg7: memref<1x1x256xf32, #tpu.memory_space<vmem>>, %arg8: memref<1x1x256xf32, #tpu.memory_space<vmem>>) attributes {dimension_semantics = [#tpu.dimension_semantics<arbitrary>], iteration_bounds = array<i64: 32>, scalar_prefetch = 0 : i64, scratch_operands = 0 : i64, tpu.core_type = #tpu.core_type<tc>, window_params = [{transform_indices = @transform_0, window_bounds = array<i64: 4096, 128>}, {pipeline_mode = #tpu.pipeline_mode<synchronous>, transform_indices = @transform_1, window_bounds = array<i64: 1, 128>}, {pipeline_mode = #tpu.pipeline_mode<synchronous>, transform_indices = @transform_2, window_bounds = array<i64: 1, 128>}, {pipeline_mode = #tpu.pipeline_mode<synchronous>, transform_indices = @transform_3, window_bounds = array<i64: 128, 256>}, {pipeline_mode = #tpu.pipeline_mode<synchronous>, transform_indices = @transform_4, window_bounds = array<i64: 1, 256>}, {transform_indices = @transform_5, window_bounds = array<i64: 4096, 256>}, {transform_indices = @transform_6, window_bounds = array<i64: 1, 1, 256>}, {transform_indices = @transform_7, window_bounds = array<i64: 1, 1, 256>}]} {
    %get3A = arith.constant 0 : index
    %get3A_0 = arith.constant 0 : index
    %get3A_1 = vector.load %arg1[%get3A, %get3A_0] : memref<4096x128xbf16, #tpu.memory_space<vmem>>, vector<4096x128xbf16>
    %convert_element_type3A = arith.extf %get3A_1 : vector<4096x128xbf16> to vector<4096x128xf32>
    %get3A_2 = arith.constant 0 : index
    %get3A_3 = arith.constant 0 : index
    %get3A_4 = vector.load %arg2[%get3A_2, %get3A_3] : memref<1x128xf32, #tpu.memory_space<vmem>>, vector<1x128xf32>
    %mul3A = vector.broadcast %get3A_4 : vector<1x128xf32> to vector<4096x128xf32>
    %mul3A_5 = arith.mulf %convert_element_type3A, %mul3A : vector<4096x128xf32>
    %get3A_6 = arith.constant 0 : index
    %get3A_7 = arith.constant 0 : index
    %get3A_8 = vector.load %arg3[%get3A_6, %get3A_7] : memref<1x128xf32, #tpu.memory_space<vmem>>, vector<1x128xf32>
    %add3A = vector.broadcast %get3A_8 : vector<1x128xf32> to vector<4096x128xf32>
    %add3A_9 = arith.addf %mul3A_5, %add3A : vector<4096x128xf32>
    %max3A = arith.constant 0.000000e+00 : f32
    %max3A_10 = vector.broadcast %max3A : f32 to vector<4096x128xf32>
    %max3A_11 = arith.maximumf %add3A_9, %max3A_10 : vector<4096x128xf32>
    %get3A_12 = arith.constant 0 : index
    %get3A_13 = arith.constant 0 : index
    %get3A_14 = vector.load %arg4[%get3A_12, %get3A_13] : memref<128x256xf32, #tpu.memory_space<vmem>>, vector<128x256xf32>
    %convert_element_type3A_15 = arith.truncf %max3A_11 : vector<4096x128xf32> to vector<4096x128xbf16>
    %convert_element_type3A_16 = arith.truncf %get3A_14 : vector<128x256xf32> to vector<128x256xbf16>
    %dot_general3A = arith.constant dense<0.000000e+00> : vector<4096x256xf32>
    %dot_general3A_17 = tpu.matmul %convert_element_type3A_15, %convert_element_type3A_16, %dot_general3A {dimension_numbers = #tpu.dot_dimension_numbers<[1], [0], [0], [1], [0, 0, 1, 1], [], []>, transpose_lhs_hint = false} : vector<4096x128xbf16>, vector<128x256xbf16>, vector<4096x256xf32> -> vector<4096x256xf32>
    %get3A_18 = arith.constant 0 : index
    %get3A_19 = arith.constant 0 : index
    %get3A_20 = vector.load %arg5[%get3A_18, %get3A_19] : memref<1x256xf32, #tpu.memory_space<vmem>>, vector<1x256xf32>
    %add3A_21 = vector.broadcast %get3A_20 : vector<1x256xf32> to vector<4096x256xf32>
    %add3A_22 = arith.addf %dot_general3A_17, %add3A_21 : vector<4096x256xf32>
    %convert_element_type3A_23 = arith.truncf %add3A_22 : vector<4096x256xf32> to vector<4096x256xbf16>
    %swap3A = arith.constant 0 : index
    %swap3A_24 = arith.constant 0 : index
    %swap3A_25 = vector.load %arg6[%swap3A, %swap3A_24] : memref<4096x256xbf16, #tpu.memory_space<vmem>>, vector<4096x256xbf16>
    tpu.vector_store %arg6[%swap3A, %swap3A_24], %convert_element_type3A_23 {strides = array<i32>} : memref<4096x256xbf16, #tpu.memory_space<vmem>>, vector<4096x256xbf16>,
    %reduce_sum3A = arith.constant dense<0.000000e+00> : vector<256xf32>
    %reduce_sum3A_26 = vector.multi_reduction <add>, %add3A_22, %reduce_sum3A [0] : vector<4096x256xf32> to vector<256xf32>
    %broadcast_in_dim3A = vector.shape_cast %reduce_sum3A_26 : vector<256xf32> to vector<1x256xf32>
    %swap3A_27 = arith.constant 0 : index
    %swap3A_28 = arith.constant 0 : index
    %swap3A_29 = arith.constant 0 : index
    %swap3A_30 = vector.load %arg7[%swap3A_27, %swap3A_28, %swap3A_29] : memref<1x1x256xf32, #tpu.memory_space<vmem>>, vector<1x1x256xf32>
    %swap3A_31 = vector.shape_cast %swap3A_30 : vector<1x1x256xf32> to vector<1x256xf32>
    %swap3A_32 = vector.shape_cast %broadcast_in_dim3A : vector<1x256xf32> to vector<1x1x256xf32>
    tpu.vector_store %arg7[%swap3A_27, %swap3A_28, %swap3A_29], %swap3A_32 {strides = array<i32>} : memref<1x1x256xf32, #tpu.memory_space<vmem>>, vector<1x1x256xf32>,
    %mul3A_33 = arith.mulf %add3A_22, %add3A_22 : vector<4096x256xf32>
    %reduce_sum3A_34 = arith.constant dense<0.000000e+00> : vector<256xf32>
    %reduce_sum3A_35 = vector.multi_reduction <add>, %mul3A_33, %reduce_sum3A_34 [0] : vector<4096x256xf32> to vector<256xf32>
    %broadcast_in_dim3A_36 = vector.shape_cast %reduce_sum3A_35 : vector<256xf32> to vector<1x256xf32>
    %swap3A_37 = arith.constant 0 : index
    %swap3A_38 = arith.constant 0 : index
    %swap3A_39 = arith.constant 0 : index
    %swap3A_40 = vector.load %arg8[%swap3A_37, %swap3A_38, %swap3A_39] : memref<1x1x256xf32, #tpu.memory_space<vmem>>, vector<1x1x256xf32>
    %swap3A_41 = vector.shape_cast %swap3A_40 : vector<1x1x256xf32> to vector<1x256xf32>
    %swap3A_42 = vector.shape_cast %broadcast_in_dim3A_36 : vector<1x256xf32> to vector<1x1x256xf32>
    tpu.vector_store %arg8[%swap3A_37, %swap3A_38, %swap3A_39], %swap3A_42 {strides = array<i32>} : memref<1x1x256xf32, #tpu.memory_space<vmem>>, vector<1x1x256xf32>,
    return
  }
  func.func @transform_0(%arg0: i32) -> (i32, i32) {
    %c0_i32 = arith.constant 0 : i32
    %c0_i32_0 = arith.constant 0 : i32
    return %arg0, %c0_i32 : i32, i32
  }
  func.func @transform_1(%arg0: i32) -> (i32, i32) {
    %c0_i32 = arith.constant 0 : i32
    %c0_i32_0 = arith.constant 0 : i32
    %c0_i32_1 = arith.constant 0 : i32
    return %c0_i32, %c0_i32_0 : i32, i32
  }
  func.func @transform_2(%arg0: i32) -> (i32, i32) {
    %c0_i32 = arith.constant 0 : i32
    %c0_i32_0 = arith.constant 0 : i32
    %c0_i32_1 = arith.constant 0 : i32
    return %c0_i32, %c0_i32_0 : i32, i32
  }
  func.func @transform_3(%arg0: i32) -> (i32, i32) {
    %c0_i32 = arith.constant 0 : i32
    %c0_i32_0 = arith.constant 0 : i32
    %c0_i32_1 = arith.constant 0 : i32
    return %c0_i32, %c0_i32_0 : i32, i32
  }
  func.func @transform_4(%arg0: i32) -> (i32, i32) {
    %c0_i32 = arith.constant 0 : i32
    %c0_i32_0 = arith.constant 0 : i32
    %c0_i32_1 = arith.constant 0 : i32
    return %c0_i32, %c0_i32_0 : i32, i32
  }
  func.func @transform_5(%arg0: i32) -> (i32, i32) {
    %c0_i32 = arith.constant 0 : i32
    %c0_i32_0 = arith.constant 0 : i32
    return %arg0, %c0_i32 : i32, i32
  }
  func.func @transform_6(%arg0: i32) -> (i32, i32, i32) {
    %c0_i32 = arith.constant 0 : i32
    %c0_i32_0 = arith.constant 0 : i32
    %c0_i32_1 = arith.constant 0 : i32
    return %arg0, %c0_i32, %c0_i32_0 : i32, i32, i32
  }
  func.func @transform_7(%arg0: i32) -> (i32, i32, i32) {
    %c0_i32 = arith.constant 0 : i32
    %c0_i32_0 = arith.constant 0 : i32
    %c0_i32_1 = arith.constant 0 : i32
    return %arg0, %c0_i32, %c0_i32_0 : i32, i32, i32
  }
}

module attributes {stable_mosaic.version = 14 : i64} {
  func.func @_mm2_body(%arg0: i32, %arg1: memref<4096x256xbf16, #tpu.memory_space<vmem>>, %arg2: memref<1x256xf32, #tpu.memory_space<vmem>>, %arg3: memref<1x256xf32, #tpu.memory_space<vmem>>, %arg4: memref<256x264xf32, #tpu.memory_space<vmem>>, %arg5: memref<1x264xf32, #tpu.memory_space<vmem>>, %arg6: memref<256x264xf32, #tpu.memory_space<vmem>>, %arg7: memref<1x264xf32, #tpu.memory_space<vmem>>, %arg8: memref<4096x264xbf16, #tpu.memory_space<vmem>>, %arg9: memref<4096x264xbf16, #tpu.memory_space<vmem>>, %arg10: memref<1x1x264xf32, #tpu.memory_space<vmem>>, %arg11: memref<1x1x264xf32, #tpu.memory_space<vmem>>, %arg12: memref<1x1x264xf32, #tpu.memory_space<vmem>>, %arg13: memref<1x1x264xf32, #tpu.memory_space<vmem>>) attributes {dimension_semantics = [#tpu.dimension_semantics<arbitrary>], iteration_bounds = array<i64: 32>, scalar_prefetch = 0 : i64, scratch_operands = 0 : i64, tpu.core_type = #tpu.core_type<tc>, window_params = [{transform_indices = @transform_0, window_bounds = array<i64: 4096, 256>}, {pipeline_mode = #tpu.pipeline_mode<synchronous>, transform_indices = @transform_1, window_bounds = array<i64: 1, 256>}, {pipeline_mode = #tpu.pipeline_mode<synchronous>, transform_indices = @transform_2, window_bounds = array<i64: 1, 256>}, {pipeline_mode = #tpu.pipeline_mode<synchronous>, transform_indices = @transform_3, window_bounds = array<i64: 256, 264>}, {pipeline_mode = #tpu.pipeline_mode<synchronous>, transform_indices = @transform_4, window_bounds = array<i64: 1, 264>}, {pipeline_mode = #tpu.pipeline_mode<synchronous>, transform_indices = @transform_5, window_bounds = array<i64: 256, 264>}, {pipeline_mode = #tpu.pipeline_mode<synchronous>, transform_indices = @transform_6, window_bounds = array<i64: 1, 264>}, {transform_indices = @transform_7, window_bounds = array<i64: 4096, 264>}, {transform_indices = @transform_8, window_bounds = array<i64: 4096, 264>}, {transform_indices = @transform_9, window_bounds = array<i64: 1, 1, 264>}, {transform_indices = @transform_10, window_bounds = array<i64: 1, 1, 264>}, {transform_indices = @transform_11, window_bounds = array<i64: 1, 1, 264>}, {transform_indices = @transform_12, window_bounds = array<i64: 1, 1, 264>}]} {
    %get3A = arith.constant 0 : index
    %get3A_0 = arith.constant 0 : index
    %get3A_1 = vector.load %arg1[%get3A, %get3A_0] : memref<4096x256xbf16, #tpu.memory_space<vmem>>, vector<4096x256xbf16>
    %convert_element_type3A = arith.extf %get3A_1 : vector<4096x256xbf16> to vector<4096x256xf32>
    %get3A_2 = arith.constant 0 : index
    %get3A_3 = arith.constant 0 : index
    %get3A_4 = vector.load %arg2[%get3A_2, %get3A_3] : memref<1x256xf32, #tpu.memory_space<vmem>>, vector<1x256xf32>
    %mul3A = vector.broadcast %get3A_4 : vector<1x256xf32> to vector<4096x256xf32>
    %mul3A_5 = arith.mulf %convert_element_type3A, %mul3A : vector<4096x256xf32>
    %get3A_6 = arith.constant 0 : index
    %get3A_7 = arith.constant 0 : index
    %get3A_8 = vector.load %arg3[%get3A_6, %get3A_7] : memref<1x256xf32, #tpu.memory_space<vmem>>, vector<1x256xf32>
    %add3A = vector.broadcast %get3A_8 : vector<1x256xf32> to vector<4096x256xf32>
    %add3A_9 = arith.addf %mul3A_5, %add3A : vector<4096x256xf32>
    %max3A = arith.constant 0.000000e+00 : f32
    %max3A_10 = vector.broadcast %max3A : f32 to vector<4096x256xf32>
    %max3A_11 = arith.maximumf %add3A_9, %max3A_10 : vector<4096x256xf32>
    %get3A_12 = arith.constant 0 : index
    %get3A_13 = arith.constant 0 : index
    %get3A_14 = vector.load %arg4[%get3A_12, %get3A_13] : memref<256x264xf32, #tpu.memory_space<vmem>>, vector<256x264xf32>
    %convert_element_type3A_15 = arith.truncf %max3A_11 : vector<4096x256xf32> to vector<4096x256xbf16>
    %convert_element_type3A_16 = arith.truncf %get3A_14 : vector<256x264xf32> to vector<256x264xbf16>
    %dot_general3A = arith.constant dense<0.000000e+00> : vector<4096x264xf32>
    %dot_general3A_17 = tpu.matmul %convert_element_type3A_15, %convert_element_type3A_16, %dot_general3A {dimension_numbers = #tpu.dot_dimension_numbers<[1], [0], [0], [1], [0, 0, 1, 1], [], []>, transpose_lhs_hint = false} : vector<4096x256xbf16>, vector<256x264xbf16>, vector<4096x264xf32> -> vector<4096x264xf32>
    %get3A_18 = arith.constant 0 : index
    %get3A_19 = arith.constant 0 : index
    %get3A_20 = vector.load %arg5[%get3A_18, %get3A_19] : memref<1x264xf32, #tpu.memory_space<vmem>>, vector<1x264xf32>
    %add3A_21 = vector.broadcast %get3A_20 : vector<1x264xf32> to vector<4096x264xf32>
    %add3A_22 = arith.addf %dot_general3A_17, %add3A_21 : vector<4096x264xf32>
    %get3A_23 = arith.constant 0 : index
    %get3A_24 = arith.constant 0 : index
    %get3A_25 = vector.load %arg6[%get3A_23, %get3A_24] : memref<256x264xf32, #tpu.memory_space<vmem>>, vector<256x264xf32>
    %convert_element_type3A_26 = arith.truncf %max3A_11 : vector<4096x256xf32> to vector<4096x256xbf16>
    %convert_element_type3A_27 = arith.truncf %get3A_25 : vector<256x264xf32> to vector<256x264xbf16>
    %dot_general3A_28 = arith.constant dense<0.000000e+00> : vector<4096x264xf32>
    %dot_general3A_29 = tpu.matmul %convert_element_type3A_26, %convert_element_type3A_27, %dot_general3A_28 {dimension_numbers = #tpu.dot_dimension_numbers<[1], [0], [0], [1], [0, 0, 1, 1], [], []>, transpose_lhs_hint = false} : vector<4096x256xbf16>, vector<256x264xbf16>, vector<4096x264xf32> -> vector<4096x264xf32>
    %get3A_30 = arith.constant 0 : index
    %get3A_31 = arith.constant 0 : index
    %get3A_32 = vector.load %arg7[%get3A_30, %get3A_31] : memref<1x264xf32, #tpu.memory_space<vmem>>, vector<1x264xf32>
    %add3A_33 = vector.broadcast %get3A_32 : vector<1x264xf32> to vector<4096x264xf32>
    %add3A_34 = arith.addf %dot_general3A_29, %add3A_33 : vector<4096x264xf32>
    %convert_element_type3A_35 = arith.truncf %add3A_22 : vector<4096x264xf32> to vector<4096x264xbf16>
    %swap3A = arith.constant 0 : index
    %swap3A_36 = arith.constant 0 : index
    %swap3A_37 = vector.load %arg8[%swap3A, %swap3A_36] : memref<4096x264xbf16, #tpu.memory_space<vmem>>, vector<4096x264xbf16>
    tpu.vector_store %arg8[%swap3A, %swap3A_36], %convert_element_type3A_35 {strides = array<i32>} : memref<4096x264xbf16, #tpu.memory_space<vmem>>, vector<4096x264xbf16>,
    %convert_element_type3A_38 = arith.truncf %add3A_34 : vector<4096x264xf32> to vector<4096x264xbf16>
    %swap3A_39 = arith.constant 0 : index
    %swap3A_40 = arith.constant 0 : index
    %swap3A_41 = vector.load %arg9[%swap3A_39, %swap3A_40] : memref<4096x264xbf16, #tpu.memory_space<vmem>>, vector<4096x264xbf16>
    tpu.vector_store %arg9[%swap3A_39, %swap3A_40], %convert_element_type3A_38 {strides = array<i32>} : memref<4096x264xbf16, #tpu.memory_space<vmem>>, vector<4096x264xbf16>,
    %reduce_sum3A = arith.constant dense<0.000000e+00> : vector<264xf32>
    %reduce_sum3A_42 = vector.multi_reduction <add>, %add3A_22, %reduce_sum3A [0] : vector<4096x264xf32> to vector<264xf32>
    %broadcast_in_dim3A = vector.shape_cast %reduce_sum3A_42 : vector<264xf32> to vector<1x264xf32>
    %swap3A_43 = arith.constant 0 : index
    %swap3A_44 = arith.constant 0 : index
    %swap3A_45 = arith.constant 0 : index
    %swap3A_46 = vector.load %arg10[%swap3A_43, %swap3A_44, %swap3A_45] : memref<1x1x264xf32, #tpu.memory_space<vmem>>, vector<1x1x264xf32>
    %swap3A_47 = vector.shape_cast %swap3A_46 : vector<1x1x264xf32> to vector<1x264xf32>
    %swap3A_48 = vector.shape_cast %broadcast_in_dim3A : vector<1x264xf32> to vector<1x1x264xf32>
    tpu.vector_store %arg10[%swap3A_43, %swap3A_44, %swap3A_45], %swap3A_48 {strides = array<i32>} : memref<1x1x264xf32, #tpu.memory_space<vmem>>, vector<1x1x264xf32>,
    %mul3A_49 = arith.mulf %add3A_22, %add3A_22 : vector<4096x264xf32>
    %reduce_sum3A_50 = arith.constant dense<0.000000e+00> : vector<264xf32>
    %reduce_sum3A_51 = vector.multi_reduction <add>, %mul3A_49, %reduce_sum3A_50 [0] : vector<4096x264xf32> to vector<264xf32>
    %broadcast_in_dim3A_52 = vector.shape_cast %reduce_sum3A_51 : vector<264xf32> to vector<1x264xf32>
    %swap3A_53 = arith.constant 0 : index
    %swap3A_54 = arith.constant 0 : index
    %swap3A_55 = arith.constant 0 : index
    %swap3A_56 = vector.load %arg11[%swap3A_53, %swap3A_54, %swap3A_55] : memref<1x1x264xf32, #tpu.memory_space<vmem>>, vector<1x1x264xf32>
    %swap3A_57 = vector.shape_cast %swap3A_56 : vector<1x1x264xf32> to vector<1x264xf32>
    %swap3A_58 = vector.shape_cast %broadcast_in_dim3A_52 : vector<1x264xf32> to vector<1x1x264xf32>
    tpu.vector_store %arg11[%swap3A_53, %swap3A_54, %swap3A_55], %swap3A_58 {strides = array<i32>} : memref<1x1x264xf32, #tpu.memory_space<vmem>>, vector<1x1x264xf32>,
    %reduce_sum3A_59 = arith.constant dense<0.000000e+00> : vector<264xf32>
    %reduce_sum3A_60 = vector.multi_reduction <add>, %add3A_34, %reduce_sum3A_59 [0] : vector<4096x264xf32> to vector<264xf32>
    %broadcast_in_dim3A_61 = vector.shape_cast %reduce_sum3A_60 : vector<264xf32> to vector<1x264xf32>
    %swap3A_62 = arith.constant 0 : index
    %swap3A_63 = arith.constant 0 : index
    %swap3A_64 = arith.constant 0 : index
    %swap3A_65 = vector.load %arg12[%swap3A_62, %swap3A_63, %swap3A_64] : memref<1x1x264xf32, #tpu.memory_space<vmem>>, vector<1x1x264xf32>
    %swap3A_66 = vector.shape_cast %swap3A_65 : vector<1x1x264xf32> to vector<1x264xf32>
    %swap3A_67 = vector.shape_cast %broadcast_in_dim3A_61 : vector<1x264xf32> to vector<1x1x264xf32>
    tpu.vector_store %arg12[%swap3A_62, %swap3A_63, %swap3A_64], %swap3A_67 {strides = array<i32>} : memref<1x1x264xf32, #tpu.memory_space<vmem>>, vector<1x1x264xf32>,
    %mul3A_68 = arith.mulf %add3A_34, %add3A_34 : vector<4096x264xf32>
    %reduce_sum3A_69 = arith.constant dense<0.000000e+00> : vector<264xf32>
    %reduce_sum3A_70 = vector.multi_reduction <add>, %mul3A_68, %reduce_sum3A_69 [0] : vector<4096x264xf32> to vector<264xf32>
    %broadcast_in_dim3A_71 = vector.shape_cast %reduce_sum3A_70 : vector<264xf32> to vector<1x264xf32>
    %swap3A_72 = arith.constant 0 : index
    %swap3A_73 = arith.constant 0 : index
    %swap3A_74 = arith.constant 0 : index
    %swap3A_75 = vector.load %arg13[%swap3A_72, %swap3A_73, %swap3A_74] : memref<1x1x264xf32, #tpu.memory_space<vmem>>, vector<1x1x264xf32>
    %swap3A_76 = vector.shape_cast %swap3A_75 : vector<1x1x264xf32> to vector<1x264xf32>
    %swap3A_77 = vector.shape_cast %broadcast_in_dim3A_71 : vector<1x264xf32> to vector<1x1x264xf32>
    tpu.vector_store %arg13[%swap3A_72, %swap3A_73, %swap3A_74], %swap3A_77 {strides = array<i32>} : memref<1x1x264xf32, #tpu.memory_space<vmem>>, vector<1x1x264xf32>,
    return
  }
  func.func @transform_0(%arg0: i32) -> (i32, i32) {
    %c0_i32 = arith.constant 0 : i32
    %c0_i32_0 = arith.constant 0 : i32
    return %arg0, %c0_i32 : i32, i32
  }
  func.func @transform_1(%arg0: i32) -> (i32, i32) {
    %c0_i32 = arith.constant 0 : i32
    %c0_i32_0 = arith.constant 0 : i32
    %c0_i32_1 = arith.constant 0 : i32
    return %c0_i32, %c0_i32_0 : i32, i32
  }
  func.func @transform_2(%arg0: i32) -> (i32, i32) {
    %c0_i32 = arith.constant 0 : i32
    %c0_i32_0 = arith.constant 0 : i32
    %c0_i32_1 = arith.constant 0 : i32
    return %c0_i32, %c0_i32_0 : i32, i32
  }
  func.func @transform_3(%arg0: i32) -> (i32, i32) {
    %c0_i32 = arith.constant 0 : i32
    %c0_i32_0 = arith.constant 0 : i32
    %c0_i32_1 = arith.constant 0 : i32
    return %c0_i32, %c0_i32_0 : i32, i32
  }
  func.func @transform_4(%arg0: i32) -> (i32, i32) {
    %c0_i32 = arith.constant 0 : i32
    %c0_i32_0 = arith.constant 0 : i32
    %c0_i32_1 = arith.constant 0 : i32
    return %c0_i32, %c0_i32_0 : i32, i32
  }
  func.func @transform_5(%arg0: i32) -> (i32, i32) {
    %c0_i32 = arith.constant 0 : i32
    %c0_i32_0 = arith.constant 0 : i32
    %c0_i32_1 = arith.constant 0 : i32
    return %c0_i32, %c0_i32_0 : i32, i32
  }
  func.func @transform_6(%arg0: i32) -> (i32, i32) {
    %c0_i32 = arith.constant 0 : i32
    %c0_i32_0 = arith.constant 0 : i32
    %c0_i32_1 = arith.constant 0 : i32
    return %c0_i32, %c0_i32_0 : i32, i32
  }
  func.func @transform_7(%arg0: i32) -> (i32, i32) {
    %c0_i32 = arith.constant 0 : i32
    %c0_i32_0 = arith.constant 0 : i32
    return %arg0, %c0_i32 : i32, i32
  }
  func.func @transform_8(%arg0: i32) -> (i32, i32) {
    %c0_i32 = arith.constant 0 : i32
    %c0_i32_0 = arith.constant 0 : i32
    return %arg0, %c0_i32 : i32, i32
  }
  func.func @transform_9(%arg0: i32) -> (i32, i32, i32) {
    %c0_i32 = arith.constant 0 : i32
    %c0_i32_0 = arith.constant 0 : i32
    %c0_i32_1 = arith.constant 0 : i32
    return %arg0, %c0_i32, %c0_i32_0 : i32, i32, i32
  }
  func.func @transform_10(%arg0: i32) -> (i32, i32, i32) {
    %c0_i32 = arith.constant 0 : i32
    %c0_i32_0 = arith.constant 0 : i32
    %c0_i32_1 = arith.constant 0 : i32
    return %arg0, %c0_i32, %c0_i32_0 : i32, i32, i32
  }
  func.func @transform_11(%arg0: i32) -> (i32, i32, i32) {
    %c0_i32 = arith.constant 0 : i32
    %c0_i32_0 = arith.constant 0 : i32
    %c0_i32_1 = arith.constant 0 : i32
    return %arg0, %c0_i32, %c0_i32_0 : i32, i32, i32
  }
  func.func @transform_12(%arg0: i32) -> (i32, i32, i32) {
    %c0_i32 = arith.constant 0 : i32
    %c0_i32_0 = arith.constant 0 : i32
    %c0_i32_1 = arith.constant 0 : i32
    return %arg0, %c0_i32, %c0_i32_0 : i32, i32, i32
  }
}

module attributes {stable_mosaic.version = 14 : i64} {
  func.func @_cfa_body(%arg0: memref<4096x128xf32, #tpu.memory_space<vmem>>, %arg1: memref<82x128xf32, #tpu.memory_space<vmem>>, %arg2: memref<1x128xf32, #tpu.memory_space<vmem>>, %arg3: memref<1x128xf32, #tpu.memory_space<vmem>>, %arg4: memref<1x128xf32, #tpu.memory_space<vmem>>, %arg5: memref<128x128xf32, #tpu.memory_space<vmem>>, %arg6: memref<1x128xf32, #tpu.memory_space<vmem>>, %arg7: memref<1x128xf32, #tpu.memory_space<vmem>>, %arg8: memref<1x128xf32, #tpu.memory_space<vmem>>, %arg9: memref<128x256xf32, #tpu.memory_space<vmem>>, %arg10: memref<1x256xf32, #tpu.memory_space<vmem>>, %arg11: memref<1x256xf32, #tpu.memory_space<vmem>>, %arg12: memref<1x256xf32, #tpu.memory_space<vmem>>, %arg13: memref<256x264xf32, #tpu.memory_space<vmem>>, %arg14: memref<1x264xf32, #tpu.memory_space<vmem>>, %arg15: memref<1x264xf32, #tpu.memory_space<vmem>>, %arg16: memref<1x264xf32, #tpu.memory_space<vmem>>, %arg17: memref<264x256xf32, #tpu.memory_space<vmem>>, %arg18: memref<1x256xf32, #tpu.memory_space<vmem>>, %arg19: memref<4096x256xf32, #tpu.memory_space<vmem>>) attributes {dimension_semantics = [], scalar_prefetch = 0 : i64, scratch_operands = 0 : i64, tpu.core_type = #tpu.core_type<tc>} {
    %get3A = arith.constant 0 : index
    %get3A_0 = arith.constant 0 : index
    %get3A_1 = vector.load %arg0[%get3A, %get3A_0] : memref<4096x128xf32, #tpu.memory_space<vmem>>, vector<4096x128xf32>
    %broadcast_in_dim3A = arith.constant 0.000000e+00 : f32
    %broadcast_in_dim3A_2 = vector.broadcast %broadcast_in_dim3A : f32 to vector<4096x6xf32>
    %slice3A = vector.extract_strided_slice %get3A_1 {offsets = [0, 6], sizes = [4096, 2], strides = [1, 1]} : vector<4096x128xf32> to vector<4096x2xf32>
    %slice3A_3 = vector.extract_strided_slice %get3A_1 {offsets = [0, 6], sizes = [4096, 2], strides = [1, 1]} : vector<4096x128xf32> to vector<4096x2xf32>
    %slice3A_4 = vector.extract_strided_slice %get3A_1 {offsets = [0, 8], sizes = [4096, 4], strides = [1, 1]} : vector<4096x128xf32> to vector<4096x4xf32>
    %slice3A_5 = vector.extract_strided_slice %get3A_1 {offsets = [0, 8], sizes = [4096, 4], strides = [1, 1]} : vector<4096x128xf32> to vector<4096x4xf32>
    %slice3A_6 = vector.extract_strided_slice %get3A_1 {offsets = [0, 12], sizes = [4096, 64], strides = [1, 1]} : vector<4096x128xf32> to vector<4096x64xf32>
    %concatenate3A = tpu.concatenate %broadcast_in_dim3A_2, %slice3A, %slice3A_3, %slice3A_4, %slice3A_5, %slice3A_6 in 1 : vector<4096x6xf32>, vector<4096x2xf32>, vector<4096x2xf32>, vector<4096x4xf32>, vector<4096x4xf32>, vector<4096x64xf32> -> vector<4096x82xf32>
    %get3A_7 = arith.constant 0 : index
    %get3A_8 = arith.constant 0 : index
    %get3A_9 = vector.load %arg1[%get3A_7, %get3A_8] : memref<82x128xf32, #tpu.memory_space<vmem>>, vector<82x128xf32>
    %convert_element_type3A = arith.truncf %concatenate3A : vector<4096x82xf32> to vector<4096x82xbf16>
    %convert_element_type3A_10 = arith.truncf %get3A_9 : vector<82x128xf32> to vector<82x128xbf16>
    %dot_general3A = arith.constant dense<0.000000e+00> : vector<4096x128xf32>
    %dot_general3A_11 = tpu.matmul %convert_element_type3A, %convert_element_type3A_10, %dot_general3A {dimension_numbers = #tpu.dot_dimension_numbers<[1], [0], [0], [1], [0, 0, 1, 1], [], []>, transpose_lhs_hint = false} : vector<4096x82xbf16>, vector<82x128xbf16>, vector<4096x128xf32> -> vector<4096x128xf32>
    %get3A_12 = arith.constant 0 : index
    %get3A_13 = arith.constant 0 : index
    %get3A_14 = vector.load %arg2[%get3A_12, %get3A_13] : memref<1x128xf32, #tpu.memory_space<vmem>>, vector<1x128xf32>
    %add3A = vector.broadcast %get3A_14 : vector<1x128xf32> to vector<4096x128xf32>
    %add3A_15 = arith.addf %dot_general3A_11, %add3A : vector<4096x128xf32>
    %get3A_16 = arith.constant 0 : index
    %get3A_17 = arith.constant 0 : index
    %get3A_18 = vector.load %arg3[%get3A_16, %get3A_17] : memref<1x128xf32, #tpu.memory_space<vmem>>, vector<1x128xf32>
    %get3A_19 = arith.constant 0 : index
    %get3A_20 = arith.constant 0 : index
    %get3A_21 = vector.load %arg4[%get3A_19, %get3A_20] : memref<1x128xf32, #tpu.memory_space<vmem>>, vector<1x128xf32>
    %reduce_sum3A = arith.constant dense<0.000000e+00> : vector<128xf32>
    %reduce_sum3A_22 = vector.multi_reduction <add>, %add3A_15, %reduce_sum3A [0] : vector<4096x128xf32> to vector<128xf32>
    %broadcast_in_dim3A_23 = vector.shape_cast %reduce_sum3A_22 : vector<128xf32> to vector<1x128xf32>
    %div3A = arith.constant 4.096000e+03 : f32
    %div3A_24 = vector.broadcast %div3A : f32 to vector<1x128xf32>
    %div3A_25 = arith.divf %broadcast_in_dim3A_23, %div3A_24 : vector<1x128xf32>
    %sub3A = vector.broadcast %div3A_25 : vector<1x128xf32> to vector<4096x128xf32>
    %sub3A_26 = arith.subf %add3A_15, %sub3A : vector<4096x128xf32>
    %sub3A_27 = vector.broadcast %div3A_25 : vector<1x128xf32> to vector<4096x128xf32>
    %sub3A_28 = arith.subf %add3A_15, %sub3A_27 : vector<4096x128xf32>
    %mul3A = arith.mulf %sub3A_26, %sub3A_28 : vector<4096x128xf32>
    %reduce_sum3A_29 = arith.constant dense<0.000000e+00> : vector<128xf32>
    %reduce_sum3A_30 = vector.multi_reduction <add>, %mul3A, %reduce_sum3A_29 [0] : vector<4096x128xf32> to vector<128xf32>
    %broadcast_in_dim3A_31 = vector.shape_cast %reduce_sum3A_30 : vector<128xf32> to vector<1x128xf32>
    %div3A_32 = arith.constant 4.096000e+03 : f32
    %div3A_33 = vector.broadcast %div3A_32 : f32 to vector<1x128xf32>
    %div3A_34 = arith.divf %broadcast_in_dim3A_31, %div3A_33 : vector<1x128xf32>
    %sub3A_35 = vector.broadcast %div3A_25 : vector<1x128xf32> to vector<4096x128xf32>
    %sub3A_36 = arith.subf %add3A_15, %sub3A_35 : vector<4096x128xf32>
    %mul3A_37 = vector.broadcast %get3A_18 : vector<1x128xf32> to vector<4096x128xf32>
    %mul3A_38 = arith.mulf %mul3A_37, %sub3A_36 : vector<4096x128xf32>
    %add3A_39 = arith.constant 9.99999974E-6 : f32
    %add3A_40 = vector.broadcast %add3A_39 : f32 to vector<1x128xf32>
    %add3A_41 = arith.addf %div3A_34, %add3A_40 : vector<1x128xf32>
    %sqrt3A = math.sqrt %add3A_41 : vector<1x128xf32>
    %div3A_42 = vector.broadcast %sqrt3A : vector<1x128xf32> to vector<4096x128xf32>
    %div3A_43 = arith.divf %mul3A_38, %div3A_42 : vector<4096x128xf32>
    %add3A_44 = vector.broadcast %get3A_21 : vector<1x128xf32> to vector<4096x128xf32>
    %add3A_45 = arith.addf %div3A_43, %add3A_44 : vector<4096x128xf32>
    %max3A = arith.constant 0.000000e+00 : f32
    %max3A_46 = vector.broadcast %max3A : f32 to vector<4096x128xf32>
    %max3A_47 = arith.maximumf %add3A_45, %max3A_46 : vector<4096x128xf32>
    %get3A_48 = arith.constant 0 : index
    %get3A_49 = arith.constant 0 : index
    %get3A_50 = vector.load %arg5[%get3A_48, %get3A_49] : memref<128x128xf32, #tpu.memory_space<vmem>>, vector<128x128xf32>
    %convert_element_type3A_51 = arith.truncf %max3A_47 : vector<4096x128xf32> to vector<4096x128xbf16>
    %convert_element_type3A_52 = arith.truncf %get3A_50 : vector<128x128xf32> to vector<128x128xbf16>
    %dot_general3A_53 = arith.constant dense<0.000000e+00> : vector<4096x128xf32>
    %dot_general3A_54 = tpu.matmul %convert_element_type3A_51, %convert_element_type3A_52, %dot_general3A_53 {dimension_numbers = #tpu.dot_dimension_numbers<[1], [0], [0], [1], [0, 0, 1, 1], [], []>, transpose_lhs_hint = false} : vector<4096x128xbf16>, vector<128x128xbf16>, vector<4096x128xf32> -> vector<4096x128xf32>
    %get3A_55 = arith.constant 0 : index
    %get3A_56 = arith.constant 0 : index
    %get3A_57 = vector.load %arg6[%get3A_55, %get3A_56] : memref<1x128xf32, #tpu.memory_space<vmem>>, vector<1x128xf32>
    %add3A_58 = vector.broadcast %get3A_57 : vector<1x128xf32> to vector<4096x128xf32>
    %add3A_59 = arith.addf %dot_general3A_54, %add3A_58 : vector<4096x128xf32>
    %get3A_60 = arith.constant 0 : index
    %get3A_61 = arith.constant 0 : index
    %get3A_62 = vector.load %arg7[%get3A_60, %get3A_61] : memref<1x128xf32, #tpu.memory_space<vmem>>, vector<1x128xf32>
    %get3A_63 = arith.constant 0 : index
    %get3A_64 = arith.constant 0 : index
    %get3A_65 = vector.load %arg8[%get3A_63, %get3A_64] : memref<1x128xf32, #tpu.memory_space<vmem>>, vector<1x128xf32>
    %reduce_sum3A_66 = arith.constant dense<0.000000e+00> : vector<128xf32>
    %reduce_sum3A_67 = vector.multi_reduction <add>, %add3A_59, %reduce_sum3A_66 [0] : vector<4096x128xf32> to vector<128xf32>
    %broadcast_in_dim3A_68 = vector.shape_cast %reduce_sum3A_67 : vector<128xf32> to vector<1x128xf32>
    %div3A_69 = arith.constant 4.096000e+03 : f32
    %div3A_70 = vector.broadcast %div3A_69 : f32 to vector<1x128xf32>
    %div3A_71 = arith.divf %broadcast_in_dim3A_68, %div3A_70 : vector<1x128xf32>
    %sub3A_72 = vector.broadcast %div3A_71 : vector<1x128xf32> to vector<4096x128xf32>
    %sub3A_73 = arith.subf %add3A_59, %sub3A_72 : vector<4096x128xf32>
    %sub3A_74 = vector.broadcast %div3A_71 : vector<1x128xf32> to vector<4096x128xf32>
    %sub3A_75 = arith.subf %add3A_59, %sub3A_74 : vector<4096x128xf32>
    %mul3A_76 = arith.mulf %sub3A_73, %sub3A_75 : vector<4096x128xf32>
    %reduce_sum3A_77 = arith.constant dense<0.000000e+00> : vector<128xf32>
    %reduce_sum3A_78 = vector.multi_reduction <add>, %mul3A_76, %reduce_sum3A_77 [0] : vector<4096x128xf32> to vector<128xf32>
    %broadcast_in_dim3A_79 = vector.shape_cast %reduce_sum3A_78 : vector<128xf32> to vector<1x128xf32>
    %div3A_80 = arith.constant 4.096000e+03 : f32
    %div3A_81 = vector.broadcast %div3A_80 : f32 to vector<1x128xf32>
    %div3A_82 = arith.divf %broadcast_in_dim3A_79, %div3A_81 : vector<1x128xf32>
    %sub3A_83 = vector.broadcast %div3A_71 : vector<1x128xf32> to vector<4096x128xf32>
    %sub3A_84 = arith.subf %add3A_59, %sub3A_83 : vector<4096x128xf32>
    %mul3A_85 = vector.broadcast %get3A_62 : vector<1x128xf32> to vector<4096x128xf32>
    %mul3A_86 = arith.mulf %mul3A_85, %sub3A_84 : vector<4096x128xf32>
    %add3A_87 = arith.constant 9.99999974E-6 : f32
    %add3A_88 = vector.broadcast %add3A_87 : f32 to vector<1x128xf32>
    %add3A_89 = arith.addf %div3A_82, %add3A_88 : vector<1x128xf32>
    %sqrt3A_90 = math.sqrt %add3A_89 : vector<1x128xf32>
    %div3A_91 = vector.broadcast %sqrt3A_90 : vector<1x128xf32> to vector<4096x128xf32>
    %div3A_92 = arith.divf %mul3A_86, %div3A_91 : vector<4096x128xf32>
    %add3A_93 = vector.broadcast %get3A_65 : vector<1x128xf32> to vector<4096x128xf32>
    %add3A_94 = arith.addf %div3A_92, %add3A_93 : vector<4096x128xf32>
    %max3A_95 = arith.constant 0.000000e+00 : f32
    %max3A_96 = vector.broadcast %max3A_95 : f32 to vector<4096x128xf32>
    %max3A_97 = arith.maximumf %add3A_94, %max3A_96 : vector<4096x128xf32>
    %get3A_98 = arith.constant 0 : index
    %get3A_99 = arith.constant 0 : index
    %get3A_100 = vector.load %arg9[%get3A_98, %get3A_99] : memref<128x256xf32, #tpu.memory_space<vmem>>, vector<128x256xf32>
    %convert_element_type3A_101 = arith.truncf %max3A_97 : vector<4096x128xf32> to vector<4096x128xbf16>
    %convert_element_type3A_102 = arith.truncf %get3A_100 : vector<128x256xf32> to vector<128x256xbf16>
    %dot_general3A_103 = arith.constant dense<0.000000e+00> : vector<4096x256xf32>
    %dot_general3A_104 = tpu.matmul %convert_element_type3A_101, %convert_element_type3A_102, %dot_general3A_103 {dimension_numbers = #tpu.dot_dimension_numbers<[1], [0], [0], [1], [0, 0, 1, 1], [], []>, transpose_lhs_hint = false} : vector<4096x128xbf16>, vector<128x256xbf16>, vector<4096x256xf32> -> vector<4096x256xf32>
    %get3A_105 = arith.constant 0 : index
    %get3A_106 = arith.constant 0 : index
    %get3A_107 = vector.load %arg10[%get3A_105, %get3A_106] : memref<1x256xf32, #tpu.memory_space<vmem>>, vector<1x256xf32>
    %add3A_108 = vector.broadcast %get3A_107 : vector<1x256xf32> to vector<4096x256xf32>
    %add3A_109 = arith.addf %dot_general3A_104, %add3A_108 : vector<4096x256xf32>
    %get3A_110 = arith.constant 0 : index
    %get3A_111 = arith.constant 0 : index
    %get3A_112 = vector.load %arg11[%get3A_110, %get3A_111] : memref<1x256xf32, #tpu.memory_space<vmem>>, vector<1x256xf32>
    %get3A_113 = arith.constant 0 : index
    %get3A_114 = arith.constant 0 : index
    %get3A_115 = vector.load %arg12[%get3A_113, %get3A_114] : memref<1x256xf32, #tpu.memory_space<vmem>>, vector<1x256xf32>
    %reduce_sum3A_116 = arith.constant dense<0.000000e+00> : vector<256xf32>
    %reduce_sum3A_117 = vector.multi_reduction <add>, %add3A_109, %reduce_sum3A_116 [0] : vector<4096x256xf32> to vector<256xf32>
    %broadcast_in_dim3A_118 = vector.shape_cast %reduce_sum3A_117 : vector<256xf32> to vector<1x256xf32>
    %div3A_119 = arith.constant 4.096000e+03 : f32
    %div3A_120 = vector.broadcast %div3A_119 : f32 to vector<1x256xf32>
    %div3A_121 = arith.divf %broadcast_in_dim3A_118, %div3A_120 : vector<1x256xf32>
    %sub3A_122 = vector.broadcast %div3A_121 : vector<1x256xf32> to vector<4096x256xf32>
    %sub3A_123 = arith.subf %add3A_109, %sub3A_122 : vector<4096x256xf32>
    %sub3A_124 = vector.broadcast %div3A_121 : vector<1x256xf32> to vector<4096x256xf32>
    %sub3A_125 = arith.subf %add3A_109, %sub3A_124 : vector<4096x256xf32>
    %mul3A_126 = arith.mulf %sub3A_123, %sub3A_125 : vector<4096x256xf32>
    %reduce_sum3A_127 = arith.constant dense<0.000000e+00> : vector<256xf32>
    %reduce_sum3A_128 = vector.multi_reduction <add>, %mul3A_126, %reduce_sum3A_127 [0] : vector<4096x256xf32> to vector<256xf32>
    %broadcast_in_dim3A_129 = vector.shape_cast %reduce_sum3A_128 : vector<256xf32> to vector<1x256xf32>
    %div3A_130 = arith.constant 4.096000e+03 : f32
    %div3A_131 = vector.broadcast %div3A_130 : f32 to vector<1x256xf32>
    %div3A_132 = arith.divf %broadcast_in_dim3A_129, %div3A_131 : vector<1x256xf32>
    %sub3A_133 = vector.broadcast %div3A_121 : vector<1x256xf32> to vector<4096x256xf32>
    %sub3A_134 = arith.subf %add3A_109, %sub3A_133 : vector<4096x256xf32>
    %mul3A_135 = vector.broadcast %get3A_112 : vector<1x256xf32> to vector<4096x256xf32>
    %mul3A_136 = arith.mulf %mul3A_135, %sub3A_134 : vector<4096x256xf32>
    %add3A_137 = arith.constant 9.99999974E-6 : f32
    %add3A_138 = vector.broadcast %add3A_137 : f32 to vector<1x256xf32>
    %add3A_139 = arith.addf %div3A_132, %add3A_138 : vector<1x256xf32>
    %sqrt3A_140 = math.sqrt %add3A_139 : vector<1x256xf32>
    %div3A_141 = vector.broadcast %sqrt3A_140 : vector<1x256xf32> to vector<4096x256xf32>
    %div3A_142 = arith.divf %mul3A_136, %div3A_141 : vector<4096x256xf32>
    %add3A_143 = vector.broadcast %get3A_115 : vector<1x256xf32> to vector<4096x256xf32>
    %add3A_144 = arith.addf %div3A_142, %add3A_143 : vector<4096x256xf32>
    %max3A_145 = arith.constant 0.000000e+00 : f32
    %max3A_146 = vector.broadcast %max3A_145 : f32 to vector<4096x256xf32>
    %max3A_147 = arith.maximumf %add3A_144, %max3A_146 : vector<4096x256xf32>
    %get3A_148 = arith.constant 0 : index
    %get3A_149 = arith.constant 0 : index
    %get3A_150 = vector.load %arg13[%get3A_148, %get3A_149] : memref<256x264xf32, #tpu.memory_space<vmem>>, vector<256x264xf32>
    %convert_element_type3A_151 = arith.truncf %max3A_147 : vector<4096x256xf32> to vector<4096x256xbf16>
    %convert_element_type3A_152 = arith.truncf %get3A_150 : vector<256x264xf32> to vector<256x264xbf16>
    %dot_general3A_153 = arith.constant dense<0.000000e+00> : vector<4096x264xf32>
    %dot_general3A_154 = tpu.matmul %convert_element_type3A_151, %convert_element_type3A_152, %dot_general3A_153 {dimension_numbers = #tpu.dot_dimension_numbers<[1], [0], [0], [1], [0, 0, 1, 1], [], []>, transpose_lhs_hint = false} : vector<4096x256xbf16>, vector<256x264xbf16>, vector<4096x264xf32> -> vector<4096x264xf32>
    %get3A_155 = arith.constant 0 : index
    %get3A_156 = arith.constant 0 : index
    %get3A_157 = vector.load %arg14[%get3A_155, %get3A_156] : memref<1x264xf32, #tpu.memory_space<vmem>>, vector<1x264xf32>
    %add3A_158 = vector.broadcast %get3A_157 : vector<1x264xf32> to vector<4096x264xf32>
    %add3A_159 = arith.addf %dot_general3A_154, %add3A_158 : vector<4096x264xf32>
    %get3A_160 = arith.constant 0 : index
    %get3A_161 = arith.constant 0 : index
    %get3A_162 = vector.load %arg15[%get3A_160, %get3A_161] : memref<1x264xf32, #tpu.memory_space<vmem>>, vector<1x264xf32>
    %get3A_163 = arith.constant 0 : index
    %get3A_164 = arith.constant 0 : index
    %get3A_165 = vector.load %arg16[%get3A_163, %get3A_164] : memref<1x264xf32, #tpu.memory_space<vmem>>, vector<1x264xf32>
    %reduce_sum3A_166 = arith.constant dense<0.000000e+00> : vector<264xf32>
    %reduce_sum3A_167 = vector.multi_reduction <add>, %add3A_159, %reduce_sum3A_166 [0] : vector<4096x264xf32> to vector<264xf32>
    %broadcast_in_dim3A_168 = vector.shape_cast %reduce_sum3A_167 : vector<264xf32> to vector<1x264xf32>
    %div3A_169 = arith.constant 4.096000e+03 : f32
    %div3A_170 = vector.broadcast %div3A_169 : f32 to vector<1x264xf32>
    %div3A_171 = arith.divf %broadcast_in_dim3A_168, %div3A_170 : vector<1x264xf32>
    %sub3A_172 = vector.broadcast %div3A_171 : vector<1x264xf32> to vector<4096x264xf32>
    %sub3A_173 = arith.subf %add3A_159, %sub3A_172 : vector<4096x264xf32>
    %sub3A_174 = vector.broadcast %div3A_171 : vector<1x264xf32> to vector<4096x264xf32>
    %sub3A_175 = arith.subf %add3A_159, %sub3A_174 : vector<4096x264xf32>
    %mul3A_176 = arith.mulf %sub3A_173, %sub3A_175 : vector<4096x264xf32>
    %reduce_sum3A_177 = arith.constant dense<0.000000e+00> : vector<264xf32>
    %reduce_sum3A_178 = vector.multi_reduction <add>, %mul3A_176, %reduce_sum3A_177 [0] : vector<4096x264xf32> to vector<264xf32>
    %broadcast_in_dim3A_179 = vector.shape_cast %reduce_sum3A_178 : vector<264xf32> to vector<1x264xf32>
    %div3A_180 = arith.constant 4.096000e+03 : f32
    %div3A_181 = vector.broadcast %div3A_180 : f32 to vector<1x264xf32>
    %div3A_182 = arith.divf %broadcast_in_dim3A_179, %div3A_181 : vector<1x264xf32>
    %sub3A_183 = vector.broadcast %div3A_171 : vector<1x264xf32> to vector<4096x264xf32>
    %sub3A_184 = arith.subf %add3A_159, %sub3A_183 : vector<4096x264xf32>
    %mul3A_185 = vector.broadcast %get3A_162 : vector<1x264xf32> to vector<4096x264xf32>
    %mul3A_186 = arith.mulf %mul3A_185, %sub3A_184 : vector<4096x264xf32>
    %add3A_187 = arith.constant 9.99999974E-6 : f32
    %add3A_188 = vector.broadcast %add3A_187 : f32 to vector<1x264xf32>
    %add3A_189 = arith.addf %div3A_182, %add3A_188 : vector<1x264xf32>
    %sqrt3A_190 = math.sqrt %add3A_189 : vector<1x264xf32>
    %div3A_191 = vector.broadcast %sqrt3A_190 : vector<1x264xf32> to vector<4096x264xf32>
    %div3A_192 = arith.divf %mul3A_186, %div3A_191 : vector<4096x264xf32>
    %add3A_193 = vector.broadcast %get3A_165 : vector<1x264xf32> to vector<4096x264xf32>
    %add3A_194 = arith.addf %div3A_192, %add3A_193 : vector<4096x264xf32>
    %max3A_195 = arith.constant 0.000000e+00 : f32
    %max3A_196 = vector.broadcast %max3A_195 : f32 to vector<4096x264xf32>
    %max3A_197 = arith.maximumf %add3A_194, %max3A_196 : vector<4096x264xf32>
    %get3A_198 = arith.constant 0 : index
    %get3A_199 = arith.constant 0 : index
    %get3A_200 = vector.load %arg17[%get3A_198, %get3A_199] : memref<264x256xf32, #tpu.memory_space<vmem>>, vector<264x256xf32>
    %convert_element_type3A_201 = arith.truncf %max3A_197 : vector<4096x264xf32> to vector<4096x264xbf16>
    %convert_element_type3A_202 = arith.truncf %get3A_200 : vector<264x256xf32> to vector<264x256xbf16>
    %dot_general3A_203 = arith.constant dense<0.000000e+00> : vector<4096x256xf32>
    %dot_general3A_204 = tpu.matmul %convert_element_type3A_201, %convert_element_type3A_202, %dot_general3A_203 {dimension_numbers = #tpu.dot_dimension_numbers<[1], [0], [0], [1], [0, 0, 1, 1], [], []>, transpose_lhs_hint = false} : vector<4096x264xbf16>, vector<264x256xbf16>, vector<4096x256xf32> -> vector<4096x256xf32>
    %get3A_205 = arith.constant 0 : index
    %get3A_206 = arith.constant 0 : index
    %get3A_207 = vector.load %arg18[%get3A_205, %get3A_206] : memref<1x256xf32, #tpu.memory_space<vmem>>, vector<1x256xf32>
    %add3A_208 = vector.broadcast %get3A_207 : vector<1x256xf32> to vector<4096x256xf32>
    %add3A_209 = arith.addf %dot_general3A_204, %add3A_208 : vector<4096x256xf32>
    %swap3A = arith.constant 0 : index
    %swap3A_210 = arith.constant 0 : index
    %swap3A_211 = vector.load %arg19[%swap3A, %swap3A_210] : memref<4096x256xf32, #tpu.memory_space<vmem>>, vector<4096x256xf32>
    tpu.vector_store %arg19[%swap3A, %swap3A_210], %add3A_209 {strides = array<i32>} : memref<4096x256xf32, #tpu.memory_space<vmem>>, vector<4096x256xf32>,
    return
  }
}

module attributes {stable_mosaic.version = 14 : i64} {
  func.func @_pag_body(%arg0: i32, %arg1: memref<4096x264xbf16, #tpu.memory_space<vmem>>, %arg2: memref<1x264xf32, #tpu.memory_space<vmem>>, %arg3: memref<1x264xf32, #tpu.memory_space<vmem>>, %arg4: memref<264x256xf32, #tpu.memory_space<vmem>>, %arg5: memref<1x256xf32, #tpu.memory_space<vmem>>, %arg6: memref<4096x264xbf16, #tpu.memory_space<vmem>>, %arg7: memref<1x264xf32, #tpu.memory_space<vmem>>, %arg8: memref<1x264xf32, #tpu.memory_space<vmem>>, %arg9: memref<264x256xf32, #tpu.memory_space<vmem>>, %arg10: memref<1x256xf32, #tpu.memory_space<vmem>>, %arg11: memref<128x256xf32, #tpu.memory_space<vmem>>, %arg12: memref<256x264xf32, #tpu.memory_space<vmem>>, %arg13: memref<1x264xf32, #tpu.memory_space<vmem>>, %arg14: memref<4096x256xbf16, #tpu.memory_space<vmem>>, %arg15: memref<4096x264xbf16, #tpu.memory_space<vmem>>, %arg16: memref<1x1x264xf32, #tpu.memory_space<vmem>>, %arg17: memref<1x1x264xf32, #tpu.memory_space<vmem>>) attributes {dimension_semantics = [#tpu.dimension_semantics<arbitrary>], iteration_bounds = array<i64: 32>, scalar_prefetch = 0 : i64, scratch_operands = 0 : i64, tpu.core_type = #tpu.core_type<tc>, window_params = [{transform_indices = @transform_0, window_bounds = array<i64: 4096, 264>}, {pipeline_mode = #tpu.pipeline_mode<synchronous>, transform_indices = @transform_1, window_bounds = array<i64: 1, 264>}, {pipeline_mode = #tpu.pipeline_mode<synchronous>, transform_indices = @transform_2, window_bounds = array<i64: 1, 264>}, {pipeline_mode = #tpu.pipeline_mode<synchronous>, transform_indices = @transform_3, window_bounds = array<i64: 264, 256>}, {pipeline_mode = #tpu.pipeline_mode<synchronous>, transform_indices = @transform_4, window_bounds = array<i64: 1, 256>}, {transform_indices = @transform_5, window_bounds = array<i64: 4096, 264>}, {pipeline_mode = #tpu.pipeline_mode<synchronous>, transform_indices = @transform_6, window_bounds = array<i64: 1, 264>}, {pipeline_mode = #tpu.pipeline_mode<synchronous>, transform_indices = @transform_7, window_bounds = array<i64: 1, 264>}, {pipeline_mode = #tpu.pipeline_mode<synchronous>, transform_indices = @transform_8, window_bounds = array<i64: 264, 256>}, {pipeline_mode = #tpu.pipeline_mode<synchronous>, transform_indices = @transform_9, window_bounds = array<i64: 1, 256>}, {transform_indices = @transform_10, window_bounds = array<i64: 128, 256>}, {pipeline_mode = #tpu.pipeline_mode<synchronous>, transform_indices = @transform_11, window_bounds = array<i64: 256, 264>}, {pipeline_mode = #tpu.pipeline_mode<synchronous>, transform_indices = @transform_12, window_bounds = array<i64: 1, 264>}, {transform_indices = @transform_13, window_bounds = array<i64: 4096, 256>}, {transform_indices = @transform_14, window_bounds = array<i64: 4096, 264>}, {transform_indices = @transform_15, window_bounds = array<i64: 1, 1, 264>}, {transform_indices = @transform_16, window_bounds = array<i64: 1, 1, 264>}]} {
    %get3A = arith.constant 0 : index
    %get3A_0 = arith.constant 0 : index
    %get3A_1 = vector.load %arg1[%get3A, %get3A_0] : memref<4096x264xbf16, #tpu.memory_space<vmem>>, vector<4096x264xbf16>
    %convert_element_type3A = arith.extf %get3A_1 : vector<4096x264xbf16> to vector<4096x264xf32>
    %get3A_2 = arith.constant 0 : index
    %get3A_3 = arith.constant 0 : index
    %get3A_4 = vector.load %arg2[%get3A_2, %get3A_3] : memref<1x264xf32, #tpu.memory_space<vmem>>, vector<1x264xf32>
    %mul3A = vector.broadcast %get3A_4 : vector<1x264xf32> to vector<4096x264xf32>
    %mul3A_5 = arith.mulf %convert_element_type3A, %mul3A : vector<4096x264xf32>
    %get3A_6 = arith.constant 0 : index
    %get3A_7 = arith.constant 0 : index
    %get3A_8 = vector.load %arg3[%get3A_6, %get3A_7] : memref<1x264xf32, #tpu.memory_space<vmem>>, vector<1x264xf32>
    %add3A = vector.broadcast %get3A_8 : vector<1x264xf32> to vector<4096x264xf32>
    %add3A_9 = arith.addf %mul3A_5, %add3A : vector<4096x264xf32>
    %max3A = arith.constant 0.000000e+00 : f32
    %max3A_10 = vector.broadcast %max3A : f32 to vector<4096x264xf32>
    %max3A_11 = arith.maximumf %add3A_9, %max3A_10 : vector<4096x264xf32>
    %get3A_12 = arith.constant 0 : index
    %get3A_13 = arith.constant 0 : index
    %get3A_14 = vector.load %arg4[%get3A_12, %get3A_13] : memref<264x256xf32, #tpu.memory_space<vmem>>, vector<264x256xf32>
    %convert_element_type3A_15 = arith.truncf %max3A_11 : vector<4096x264xf32> to vector<4096x264xbf16>
    %convert_element_type3A_16 = arith.truncf %get3A_14 : vector<264x256xf32> to vector<264x256xbf16>
    %dot_general3A = arith.constant dense<0.000000e+00> : vector<4096x256xf32>
    %dot_general3A_17 = tpu.matmul %convert_element_type3A_15, %convert_element_type3A_16, %dot_general3A {dimension_numbers = #tpu.dot_dimension_numbers<[1], [0], [0], [1], [0, 0, 1, 1], [], []>, transpose_lhs_hint = false} : vector<4096x264xbf16>, vector<264x256xbf16>, vector<4096x256xf32> -> vector<4096x256xf32>
    %get3A_18 = arith.constant 0 : index
    %get3A_19 = arith.constant 0 : index
    %get3A_20 = vector.load %arg5[%get3A_18, %get3A_19] : memref<1x256xf32, #tpu.memory_space<vmem>>, vector<1x256xf32>
    %add3A_21 = vector.broadcast %get3A_20 : vector<1x256xf32> to vector<4096x256xf32>
    %add3A_22 = arith.addf %dot_general3A_17, %add3A_21 : vector<4096x256xf32>
    %get3A_23 = arith.constant 0 : index
    %get3A_24 = arith.constant 0 : index
    %get3A_25 = vector.load %arg6[%get3A_23, %get3A_24] : memref<4096x264xbf16, #tpu.memory_space<vmem>>, vector<4096x264xbf16>
    %convert_element_type3A_26 = arith.extf %get3A_25 : vector<4096x264xbf16> to vector<4096x264xf32>
    %get3A_27 = arith.constant 0 : index
    %get3A_28 = arith.constant 0 : index
    %get3A_29 = vector.load %arg7[%get3A_27, %get3A_28] : memref<1x264xf32, #tpu.memory_space<vmem>>, vector<1x264xf32>
    %mul3A_30 = vector.broadcast %get3A_29 : vector<1x264xf32> to vector<4096x264xf32>
    %mul3A_31 = arith.mulf %convert_element_type3A_26, %mul3A_30 : vector<4096x264xf32>
    %get3A_32 = arith.constant 0 : index
    %get3A_33 = arith.constant 0 : index
    %get3A_34 = vector.load %arg8[%get3A_32, %get3A_33] : memref<1x264xf32, #tpu.memory_space<vmem>>, vector<1x264xf32>
    %add3A_35 = vector.broadcast %get3A_34 : vector<1x264xf32> to vector<4096x264xf32>
    %add3A_36 = arith.addf %mul3A_31, %add3A_35 : vector<4096x264xf32>
    %max3A_37 = arith.constant 0.000000e+00 : f32
    %max3A_38 = vector.broadcast %max3A_37 : f32 to vector<4096x264xf32>
    %max3A_39 = arith.maximumf %add3A_36, %max3A_38 : vector<4096x264xf32>
    %get3A_40 = arith.constant 0 : index
    %get3A_41 = arith.constant 0 : index
    %get3A_42 = vector.load %arg9[%get3A_40, %get3A_41] : memref<264x256xf32, #tpu.memory_space<vmem>>, vector<264x256xf32>
    %convert_element_type3A_43 = arith.truncf %max3A_39 : vector<4096x264xf32> to vector<4096x264xbf16>
    %convert_element_type3A_44 = arith.truncf %get3A_42 : vector<264x256xf32> to vector<264x256xbf16>
    %dot_general3A_45 = arith.constant dense<0.000000e+00> : vector<4096x256xf32>
    %dot_general3A_46 = tpu.matmul %convert_element_type3A_43, %convert_element_type3A_44, %dot_general3A_45 {dimension_numbers = #tpu.dot_dimension_numbers<[1], [0], [0], [1], [0, 0, 1, 1], [], []>, transpose_lhs_hint = false} : vector<4096x264xbf16>, vector<264x256xbf16>, vector<4096x256xf32> -> vector<4096x256xf32>
    %get3A_47 = arith.constant 0 : index
    %get3A_48 = arith.constant 0 : index
    %get3A_49 = vector.load %arg10[%get3A_47, %get3A_48] : memref<1x256xf32, #tpu.memory_space<vmem>>, vector<1x256xf32>
    %add3A_50 = vector.broadcast %get3A_49 : vector<1x256xf32> to vector<4096x256xf32>
    %add3A_51 = arith.addf %dot_general3A_46, %add3A_50 : vector<4096x256xf32>
    %convert_element_type3A_52 = arith.truncf %add3A_51 : vector<4096x256xf32> to vector<4096x256xbf16>
    %swap3A = arith.constant 0 : index
    %swap3A_53 = arith.constant 0 : index
    %swap3A_54 = vector.load %arg14[%swap3A, %swap3A_53] : memref<4096x256xbf16, #tpu.memory_space<vmem>>, vector<4096x256xbf16>
    tpu.vector_store %arg14[%swap3A, %swap3A_53], %convert_element_type3A_52 {strides = array<i32>} : memref<4096x256xbf16, #tpu.memory_space<vmem>>, vector<4096x256xbf16>,
    %get3A_55 = arith.constant 0 : index
    %get3A_56 = arith.constant 0 : index
    %get3A_57 = vector.load %arg11[%get3A_55, %get3A_56] : memref<128x256xf32, #tpu.memory_space<vmem>>, vector<128x256xf32>
    %reshape3A = vector.shape_cast %get3A_57 : vector<128x256xf32> to vector<128x1x256xf32>
    %reshape3A_58 = vector.shape_cast %add3A_22 : vector<4096x256xf32> to vector<128x32x256xf32>
    %sub3A = vector.broadcast %reshape3A : vector<128x1x256xf32> to vector<128x32x256xf32>
    %sub3A_59 = arith.subf %sub3A, %reshape3A_58 : vector<128x32x256xf32>
    %reshape3A_60 = vector.shape_cast %sub3A_59 : vector<128x32x256xf32> to vector<4096x256xf32>
    %get3A_61 = arith.constant 0 : index
    %get3A_62 = arith.constant 0 : index
    %get3A_63 = vector.load %arg12[%get3A_61, %get3A_62] : memref<256x264xf32, #tpu.memory_space<vmem>>, vector<256x264xf32>
    %convert_element_type3A_64 = arith.truncf %reshape3A_60 : vector<4096x256xf32> to vector<4096x256xbf16>
    %convert_element_type3A_65 = arith.truncf %get3A_63 : vector<256x264xf32> to vector<256x264xbf16>
    %dot_general3A_66 = arith.constant dense<0.000000e+00> : vector<4096x264xf32>
    %dot_general3A_67 = tpu.matmul %convert_element_type3A_64, %convert_element_type3A_65, %dot_general3A_66 {dimension_numbers = #tpu.dot_dimension_numbers<[1], [0], [0], [1], [0, 0, 1, 1], [], []>, transpose_lhs_hint = false} : vector<4096x256xbf16>, vector<256x264xbf16>, vector<4096x264xf32> -> vector<4096x264xf32>
    %get3A_68 = arith.constant 0 : index
    %get3A_69 = arith.constant 0 : index
    %get3A_70 = vector.load %arg13[%get3A_68, %get3A_69] : memref<1x264xf32, #tpu.memory_space<vmem>>, vector<1x264xf32>
    %add3A_71 = vector.broadcast %get3A_70 : vector<1x264xf32> to vector<4096x264xf32>
    %add3A_72 = arith.addf %dot_general3A_67, %add3A_71 : vector<4096x264xf32>
    %convert_element_type3A_73 = arith.truncf %add3A_72 : vector<4096x264xf32> to vector<4096x264xbf16>
    %swap3A_74 = arith.constant 0 : index
    %swap3A_75 = arith.constant 0 : index
    %swap3A_76 = vector.load %arg15[%swap3A_74, %swap3A_75] : memref<4096x264xbf16, #tpu.memory_space<vmem>>, vector<4096x264xbf16>
    tpu.vector_store %arg15[%swap3A_74, %swap3A_75], %convert_element_type3A_73 {strides = array<i32>} : memref<4096x264xbf16, #tpu.memory_space<vmem>>, vector<4096x264xbf16>,
    %reduce_sum3A = arith.constant dense<0.000000e+00> : vector<264xf32>
    %reduce_sum3A_77 = vector.multi_reduction <add>, %add3A_72, %reduce_sum3A [0] : vector<4096x264xf32> to vector<264xf32>
    %broadcast_in_dim3A = vector.shape_cast %reduce_sum3A_77 : vector<264xf32> to vector<1x264xf32>
    %swap3A_78 = arith.constant 0 : index
    %swap3A_79 = arith.constant 0 : index
    %swap3A_80 = arith.constant 0 : index
    %swap3A_81 = vector.load %arg16[%swap3A_78, %swap3A_79, %swap3A_80] : memref<1x1x264xf32, #tpu.memory_space<vmem>>, vector<1x1x264xf32>
    %swap3A_82 = vector.shape_cast %swap3A_81 : vector<1x1x264xf32> to vector<1x264xf32>
    %swap3A_83 = vector.shape_cast %broadcast_in_dim3A : vector<1x264xf32> to vector<1x1x264xf32>
    tpu.vector_store %arg16[%swap3A_78, %swap3A_79, %swap3A_80], %swap3A_83 {strides = array<i32>} : memref<1x1x264xf32, #tpu.memory_space<vmem>>, vector<1x1x264xf32>,
    %mul3A_84 = arith.mulf %add3A_72, %add3A_72 : vector<4096x264xf32>
    %reduce_sum3A_85 = arith.constant dense<0.000000e+00> : vector<264xf32>
    %reduce_sum3A_86 = vector.multi_reduction <add>, %mul3A_84, %reduce_sum3A_85 [0] : vector<4096x264xf32> to vector<264xf32>
    %broadcast_in_dim3A_87 = vector.shape_cast %reduce_sum3A_86 : vector<264xf32> to vector<1x264xf32>
    %swap3A_88 = arith.constant 0 : index
    %swap3A_89 = arith.constant 0 : index
    %swap3A_90 = arith.constant 0 : index
    %swap3A_91 = vector.load %arg17[%swap3A_88, %swap3A_89, %swap3A_90] : memref<1x1x264xf32, #tpu.memory_space<vmem>>, vector<1x1x264xf32>
    %swap3A_92 = vector.shape_cast %swap3A_91 : vector<1x1x264xf32> to vector<1x264xf32>
    %swap3A_93 = vector.shape_cast %broadcast_in_dim3A_87 : vector<1x264xf32> to vector<1x1x264xf32>
    tpu.vector_store %arg17[%swap3A_88, %swap3A_89, %swap3A_90], %swap3A_93 {strides = array<i32>} : memref<1x1x264xf32, #tpu.memory_space<vmem>>, vector<1x1x264xf32>,
    return
  }
  func.func @transform_0(%arg0: i32) -> (i32, i32) {
    %c0_i32 = arith.constant 0 : i32
    %c0_i32_0 = arith.constant 0 : i32
    return %arg0, %c0_i32 : i32, i32
  }
  func.func @transform_1(%arg0: i32) -> (i32, i32) {
    %c0_i32 = arith.constant 0 : i32
    %c0_i32_0 = arith.constant 0 : i32
    %c0_i32_1 = arith.constant 0 : i32
    return %c0_i32, %c0_i32_0 : i32, i32
  }
  func.func @transform_2(%arg0: i32) -> (i32, i32) {
    %c0_i32 = arith.constant 0 : i32
    %c0_i32_0 = arith.constant 0 : i32
    %c0_i32_1 = arith.constant 0 : i32
    return %c0_i32, %c0_i32_0 : i32, i32
  }
  func.func @transform_3(%arg0: i32) -> (i32, i32) {
    %c0_i32 = arith.constant 0 : i32
    %c0_i32_0 = arith.constant 0 : i32
    %c0_i32_1 = arith.constant 0 : i32
    return %c0_i32, %c0_i32_0 : i32, i32
  }
  func.func @transform_4(%arg0: i32) -> (i32, i32) {
    %c0_i32 = arith.constant 0 : i32
    %c0_i32_0 = arith.constant 0 : i32
    %c0_i32_1 = arith.constant 0 : i32
    return %c0_i32, %c0_i32_0 : i32, i32
  }
  func.func @transform_5(%arg0: i32) -> (i32, i32) {
    %c0_i32 = arith.constant 0 : i32
    %c0_i32_0 = arith.constant 0 : i32
    return %arg0, %c0_i32 : i32, i32
  }
  func.func @transform_6(%arg0: i32) -> (i32, i32) {
    %c0_i32 = arith.constant 0 : i32
    %c0_i32_0 = arith.constant 0 : i32
    %c0_i32_1 = arith.constant 0 : i32
    return %c0_i32, %c0_i32_0 : i32, i32
  }
  func.func @transform_7(%arg0: i32) -> (i32, i32) {
    %c0_i32 = arith.constant 0 : i32
    %c0_i32_0 = arith.constant 0 : i32
    %c0_i32_1 = arith.constant 0 : i32
    return %c0_i32, %c0_i32_0 : i32, i32
  }
  func.func @transform_8(%arg0: i32) -> (i32, i32) {
    %c0_i32 = arith.constant 0 : i32
    %c0_i32_0 = arith.constant 0 : i32
    %c0_i32_1 = arith.constant 0 : i32
    return %c0_i32, %c0_i32_0 : i32, i32
  }
  func.func @transform_9(%arg0: i32) -> (i32, i32) {
    %c0_i32 = arith.constant 0 : i32
    %c0_i32_0 = arith.constant 0 : i32
    %c0_i32_1 = arith.constant 0 : i32
    return %c0_i32, %c0_i32_0 : i32, i32
  }
  func.func @transform_10(%arg0: i32) -> (i32, i32) {
    %c0_i32 = arith.constant 0 : i32
    %c0_i32_0 = arith.constant 0 : i32
    return %arg0, %c0_i32 : i32, i32
  }
  func.func @transform_11(%arg0: i32) -> (i32, i32) {
    %c0_i32 = arith.constant 0 : i32
    %c0_i32_0 = arith.constant 0 : i32
    %c0_i32_1 = arith.constant 0 : i32
    return %c0_i32, %c0_i32_0 : i32, i32
  }
  func.func @transform_12(%arg0: i32) -> (i32, i32) {
    %c0_i32 = arith.constant 0 : i32
    %c0_i32_0 = arith.constant 0 : i32
    %c0_i32_1 = arith.constant 0 : i32
    return %c0_i32, %c0_i32_0 : i32, i32
  }
  func.func @transform_13(%arg0: i32) -> (i32, i32) {
    %c0_i32 = arith.constant 0 : i32
    %c0_i32_0 = arith.constant 0 : i32
    return %arg0, %c0_i32 : i32, i32
  }
  func.func @transform_14(%arg0: i32) -> (i32, i32) {
    %c0_i32 = arith.constant 0 : i32
    %c0_i32_0 = arith.constant 0 : i32
    return %arg0, %c0_i32 : i32, i32
  }
  func.func @transform_15(%arg0: i32) -> (i32, i32, i32) {
    %c0_i32 = arith.constant 0 : i32
    %c0_i32_0 = arith.constant 0 : i32
    %c0_i32_1 = arith.constant 0 : i32
    return %arg0, %c0_i32, %c0_i32_0 : i32, i32, i32
  }
  func.func @transform_16(%arg0: i32) -> (i32, i32, i32) {
    %c0_i32 = arith.constant 0 : i32
    %c0_i32_0 = arith.constant 0 : i32
    %c0_i32_1 = arith.constant 0 : i32
    return %arg0, %c0_i32, %c0_i32_0 : i32, i32, i32
  }
}

module attributes {stable_mosaic.version = 14 : i64} {
  func.func @_final_body(%arg0: i32, %arg1: memref<4096x264xbf16, #tpu.memory_space<vmem>>, %arg2: memref<1x264xf32, #tpu.memory_space<vmem>>, %arg3: memref<1x264xf32, #tpu.memory_space<vmem>>, %arg4: memref<264x256xf32, #tpu.memory_space<vmem>>, %arg5: memref<1x256xf32, #tpu.memory_space<vmem>>, %arg6: memref<4096x256xbf16, #tpu.memory_space<vmem>>, %arg7: memref<128x256xf32, #tpu.memory_space<vmem>>) attributes {dimension_semantics = [#tpu.dimension_semantics<arbitrary>], iteration_bounds = array<i64: 32>, scalar_prefetch = 0 : i64, scratch_operands = 0 : i64, tpu.core_type = #tpu.core_type<tc>, window_params = [{transform_indices = @transform_0, window_bounds = array<i64: 4096, 264>}, {pipeline_mode = #tpu.pipeline_mode<synchronous>, transform_indices = @transform_1, window_bounds = array<i64: 1, 264>}, {pipeline_mode = #tpu.pipeline_mode<synchronous>, transform_indices = @transform_2, window_bounds = array<i64: 1, 264>}, {pipeline_mode = #tpu.pipeline_mode<synchronous>, transform_indices = @transform_3, window_bounds = array<i64: 264, 256>}, {pipeline_mode = #tpu.pipeline_mode<synchronous>, transform_indices = @transform_4, window_bounds = array<i64: 1, 256>}, {transform_indices = @transform_5, window_bounds = array<i64: 4096, 256>}, {transform_indices = @transform_6, window_bounds = array<i64: 128, 256>}]} {
    %get3A = arith.constant 0 : index
    %get3A_0 = arith.constant 0 : index
    %get3A_1 = vector.load %arg1[%get3A, %get3A_0] : memref<4096x264xbf16, #tpu.memory_space<vmem>>, vector<4096x264xbf16>
    %convert_element_type3A = arith.extf %get3A_1 : vector<4096x264xbf16> to vector<4096x264xf32>
    %get3A_2 = arith.constant 0 : index
    %get3A_3 = arith.constant 0 : index
    %get3A_4 = vector.load %arg2[%get3A_2, %get3A_3] : memref<1x264xf32, #tpu.memory_space<vmem>>, vector<1x264xf32>
    %mul3A = vector.broadcast %get3A_4 : vector<1x264xf32> to vector<4096x264xf32>
    %mul3A_5 = arith.mulf %convert_element_type3A, %mul3A : vector<4096x264xf32>
    %get3A_6 = arith.constant 0 : index
    %get3A_7 = arith.constant 0 : index
    %get3A_8 = vector.load %arg3[%get3A_6, %get3A_7] : memref<1x264xf32, #tpu.memory_space<vmem>>, vector<1x264xf32>
    %add3A = vector.broadcast %get3A_8 : vector<1x264xf32> to vector<4096x264xf32>
    %add3A_9 = arith.addf %mul3A_5, %add3A : vector<4096x264xf32>
    %max3A = arith.constant 0.000000e+00 : f32
    %max3A_10 = vector.broadcast %max3A : f32 to vector<4096x264xf32>
    %max3A_11 = arith.maximumf %add3A_9, %max3A_10 : vector<4096x264xf32>
    %get3A_12 = arith.constant 0 : index
    %get3A_13 = arith.constant 0 : index
    %get3A_14 = vector.load %arg4[%get3A_12, %get3A_13] : memref<264x256xf32, #tpu.memory_space<vmem>>, vector<264x256xf32>
    %convert_element_type3A_15 = arith.truncf %max3A_11 : vector<4096x264xf32> to vector<4096x264xbf16>
    %convert_element_type3A_16 = arith.truncf %get3A_14 : vector<264x256xf32> to vector<264x256xbf16>
    %dot_general3A = arith.constant dense<0.000000e+00> : vector<4096x256xf32>
    %dot_general3A_17 = tpu.matmul %convert_element_type3A_15, %convert_element_type3A_16, %dot_general3A {dimension_numbers = #tpu.dot_dimension_numbers<[1], [0], [0], [1], [0, 0, 1, 1], [], []>, transpose_lhs_hint = false} : vector<4096x264xbf16>, vector<264x256xbf16>, vector<4096x256xf32> -> vector<4096x256xf32>
    %get3A_18 = arith.constant 0 : index
    %get3A_19 = arith.constant 0 : index
    %get3A_20 = vector.load %arg5[%get3A_18, %get3A_19] : memref<1x256xf32, #tpu.memory_space<vmem>>, vector<1x256xf32>
    %add3A_21 = vector.broadcast %get3A_20 : vector<1x256xf32> to vector<4096x256xf32>
    %add3A_22 = arith.addf %dot_general3A_17, %add3A_21 : vector<4096x256xf32>
    %reduce_max3A = arith.constant dense<0xFF800000> : vector<4096xf32>
    %reduce_max3A_23 = vector.multi_reduction <maximumf>, %add3A_22, %reduce_max3A [1] : vector<4096x256xf32> to vector<4096xf32>
    %broadcast_in_dim3A = vector.shape_cast %reduce_max3A_23 : vector<4096xf32> to vector<4096x1xf32>
    %sub3A = vector.broadcast %broadcast_in_dim3A : vector<4096x1xf32> to vector<4096x256xf32>
    %sub3A_24 = arith.subf %add3A_22, %sub3A : vector<4096x256xf32>
    %exp3A = math.exp %sub3A_24 : vector<4096x256xf32>
    %reduce_sum3A = arith.constant dense<0.000000e+00> : vector<4096xf32>
    %reduce_sum3A_25 = vector.multi_reduction <add>, %exp3A, %reduce_sum3A [1] : vector<4096x256xf32> to vector<4096xf32>
    %broadcast_in_dim3A_26 = vector.shape_cast %reduce_sum3A_25 : vector<4096xf32> to vector<4096x1xf32>
    %div3A = vector.broadcast %broadcast_in_dim3A_26 : vector<4096x1xf32> to vector<4096x256xf32>
    %div3A_27 = arith.divf %exp3A, %div3A : vector<4096x256xf32>
    %get3A_28 = arith.constant 0 : index
    %get3A_29 = arith.constant 0 : index
    %get3A_30 = vector.load %arg6[%get3A_28, %get3A_29] : memref<4096x256xbf16, #tpu.memory_space<vmem>>, vector<4096x256xbf16>
    %convert_element_type3A_31 = arith.extf %get3A_30 : vector<4096x256xbf16> to vector<4096x256xf32>
    %mul3A_32 = arith.mulf %div3A_27, %convert_element_type3A_31 : vector<4096x256xf32>
    %mul3A_33 = arith.constant 8.000000e+00 : f32
    %mul3A_34 = vector.broadcast %mul3A_33 : f32 to vector<4096x256xf32>
    %mul3A_35 = arith.mulf %mul3A_32, %mul3A_34 : vector<4096x256xf32>
    %reshape3A = vector.shape_cast %mul3A_35 : vector<4096x256xf32> to vector<128x32x256xf32>
    %reduce_sum3A_36 = arith.constant dense<0.000000e+00> : vector<128x256xf32>
    %reduce_sum3A_37 = vector.multi_reduction <add>, %reshape3A, %reduce_sum3A_36 [1] : vector<128x32x256xf32> to vector<128x256xf32>
    %swap3A = arith.constant 0 : index
    %swap3A_38 = arith.constant 0 : index
    %swap3A_39 = vector.load %arg7[%swap3A, %swap3A_38] : memref<128x256xf32, #tpu.memory_space<vmem>>, vector<128x256xf32>
    tpu.vector_store %arg7[%swap3A, %swap3A_38], %reduce_sum3A_37 {strides = array<i32>} : memref<128x256xf32, #tpu.memory_space<vmem>>, vector<128x256xf32>,
    return
  }
  func.func @transform_0(%arg0: i32) -> (i32, i32) {
    %c0_i32 = arith.constant 0 : i32
    %c0_i32_0 = arith.constant 0 : i32
    return %arg0, %c0_i32 : i32, i32
  }
  func.func @transform_1(%arg0: i32) -> (i32, i32) {
    %c0_i32 = arith.constant 0 : i32
    %c0_i32_0 = arith.constant 0 : i32
    %c0_i32_1 = arith.constant 0 : i32
    return %c0_i32, %c0_i32_0 : i32, i32
  }
  func.func @transform_2(%arg0: i32) -> (i32, i32) {
    %c0_i32 = arith.constant 0 : i32
    %c0_i32_0 = arith.constant 0 : i32
    %c0_i32_1 = arith.constant 0 : i32
    return %c0_i32, %c0_i32_0 : i32, i32
  }
  func.func @transform_3(%arg0: i32) -> (i32, i32) {
    %c0_i32 = arith.constant 0 : i32
    %c0_i32_0 = arith.constant 0 : i32
    %c0_i32_1 = arith.constant 0 : i32
    return %c0_i32, %c0_i32_0 : i32, i32
  }
  func.func @transform_4(%arg0: i32) -> (i32, i32) {
    %c0_i32 = arith.constant 0 : i32
    %c0_i32_0 = arith.constant 0 : i32
    %c0_i32_1 = arith.constant 0 : i32
    return %c0_i32, %c0_i32_0 : i32, i32
  }
  func.func @transform_5(%arg0: i32) -> (i32, i32) {
    %c0_i32 = arith.constant 0 : i32
    %c0_i32_0 = arith.constant 0 : i32
    return %arg0, %c0_i32 : i32, i32
  }
  func.func @transform_6(%arg0: i32) -> (i32, i32) {
    %c0_i32 = arith.constant 0 : i32
    %c0_i32_0 = arith.constant 0 : i32
    return %arg0, %c0_i32 : i32, i32
  }
}

</mosaic_0001>

<sc_bundles>
// kernel: kernel.12.cloned.1.call-start
scs
__scs_entry_jumppad:
0x0: {  	(pc) =	sbr.rel $0x88, $3  }
0x1: {  	(tag) =	ssettag $0x0;
	lr =	simm.s32 $0x1  }
0x2: {  	[smem:$0x3F78] =	sst lr;
	_ =	strace $0xD0000000  }
0x3: {  	_ = 	snop  }
0x4: {  	_ = 	snop  }
0x5: {  	_ = 	snop  }
0x6: {  	_ = 	snop  }
0x7: {  	_ = 	snop  }
__scs_overlays_trampoline_lowered:
0x8: {  	[smem:$0x3F87] =	sst s0  }
0x9: {  	[smem:$0x3F88] =	sst s1  }
0xa: {  	[smem:$0x3F89] =	sst s2  }
0xb: {  	[smem:$0x3F8A] =	sst s3  }
0xc: {  	[smem:$0x3F8B] =	sst s4  }
0xd: {  	[smem:$0x3F8C] =	sst s5  }
0xe: {  	[smem:$0x3F8D] =	sst s6  }
0xf: {  	[smem:$0x3F8E] =	sst s7  }
0x10: {  	[smem:$0x3F8F] =	sst s8  }
0x11: {  	[smem:$0x3F90] =	sst s9;
	s0 =	simm.s32 @!p0 $0x0  }
0x12: {  	s1 =	sld [smem:$0x3F76];
	s0 =	simm.s32 @p0 $0x1  }
0x13: {  	[smem:$0x3F91] =	sst s0;
	s0 =	simm.s32 @!p1 $0x0  }
0x14: {  	s2 =	sld [smem:$0x3F75];
	s0 =	simm.s32 @p1 $0x1  }
0x15: {  	[smem:$0x3F92] =	sst s0;
	s0 =	simm.s32 @!p2 $0x0  }
0x16: {  	s3 =	sld [smem:$0x3FDB];
	s0 =	simm.s32 @p2 $0x1  }
0x17: {  	s4 =	simm.s32 $0x1BF5;
	[smem:$0x3F94] =	sst s0  }
0x18: {  	s0 =	sld [smem:$0x3F77];
	_ =	swait.ge [sflag:s4], $0x0  }
0x19: {  	s7 =	sld [smem:$0x3F78]  }
0x1a: {  	s8 =	sadd.s32 $0xFFFFE003, lr  }
0x1b: {  	s9 =	sadd.s32 $0xFFFFFEF7, lr;
	s5 =	simm.s32 $0xFFFFFFFF;
	p2 =	slt.u32 s8, $0xFFFFF086  }
0x1c: {  	p1 =	slt.u32 s9, $0xF7A;
	s5 =	simm.s32 @!p2 $0x0  }
0x1d: {  	s5 =	simm.s32 @p1 $0x1;
	p0 =	seq.s32 s7, s2  }
0x1e: {  	s7 =	smul.u32 @!p0 $0xF7A, s2;
	p2 =	seq.s32 @!p0 s5, $0x0  }
0x1f: {  	s9 =	smul.u32 $0xF7A, s1;
	s8 =	simm.s32 @!p0 $0x1BF5;
	p2 =	por !p2, p0  }
0x20: {  	[sflag:s8] =	ssyncset.s32 @!p0 $0xFFFFF086;
	s6 =	sadd.s32 @!p0 s3, s7;
	s7 =	simm.s32 @!p0 $0x108  }
0x21: {  	s3 =	sadd.s32 s3, s9;
	s6 =	sadd.s32 @!p0 $0x88, s6;
	s7 =	simm.s32 @p2 $0x1082  }
0x22: {  	[simem:s7], [sflag:s8] =	dma.local @!p0 [hbm:s6], $0xF7A  }
0x23: {  	s9 =	sor.u32 $0xD0000000, s2;
	s6 =	simm.s32 $0x108;
	_ =	swait.ge @!p0 [sflag:s8], $0x0  }
0x24: {  	s3 =	sadd.s32 $0x88, s3;
	s6 =	simm.s32 @!p1 $0x1082;
	[sflag:s4] =	ssyncset.s32 $0xFFFFF086  }
0x25: {  	[simem:s6], [sflag:s4] =	dma.local [hbm:s3], $0xF7A  }
0x26: {  	[smem:$0x3F78] =	sst s1;
	(tag) =	ssettag s2;
	_ =	strace s9  }
0x27: {  	s1 =	sld [smem:$0x3F88]  }
0x28: {  	s2 =	sld [smem:$0x3F89]  }
0x29: {  	s4 =	sld [smem:$0x3F8B]  }
0x2a: {  	p0 =	seq.s32 s5, $0x0;
	s5 =	sld [smem:$0x3F8C]  }
0x2b: {  	s6 =	sld [smem:$0x3F8D]  }
0x2c: {  	s7 =	sld [smem:$0x3F8E]  }
0x2d: {  	s3 =	simm.s32 $0x108;
	s8 =	sld [smem:$0x3F8F]  }
0x2e: {  	s3 =	simm.s32 @!p0 $0x1082;
	s9 =	sld [smem:$0x3F90]  }
0x2f: {  	lr =	sadd.s32 s0, s3;
	s0 =	sld [smem:$0x3F87]  }
0x30: {  	s3 =	sld [smem:$0x3F8A]  }
0x31: {  	[smem:$0x3F93] =	sst s10  }
0x32: {  	s10 =	sld [smem:$0x3F91];
	_ =	sdelay $0x3  }
0x33: {  	p0 =	seq.s32 s10, $0x1;
	s10 =	sld [smem:$0x3F93];
	_ =	sdelay $0x3  }
0x34: {  	[smem:$0x3F93] =	sst s10  }
0x35: {  	s10 =	sld [smem:$0x3F92];
	_ =	sdelay $0x3  }
0x36: {  	p1 =	seq.s32 s10, $0x1;
	s10 =	sld [smem:$0x3F93];
	_ =	sdelay $0x3  }
0x37: {  	[smem:$0x3F93] =	sst s10  }
0x38: {  	s10 =	sld [smem:$0x3F94]  }
0x39: {  	_ = 	snop;
	(pc) =	sbr.ind lr, $3  }
0x3a: {  	_ = 	snop  }
0x3b: {  	_ = 	snop  }
0x3c: {  	p2 =	seq.s32 s10, $0x1;
	s10 =	sld [smem:$0x3F93]  }
0x3d: {  	_ =	shalt  }
0x3e: {  	_ =	shalt  }
0x3f: {  	_ =	shalt  }
0x40: {  	_ =	shalt  }
0x41: {  	_ =	shalt  }
0x42: {  	_ =	shalt  }
0x43: {  	_ =	shalt  }
0x44: {  	_ =	shalt  }
0x45: {  	_ =	shalt  }
0x46: {  	_ =	shalt  }
0x47: {  	_ =	shalt  }
0x48: {  	_ =	shalt  }
0x49: {  	_ =	shalt  }
0x4a: {  	_ =	shalt  }
0x4b: {  	_ =	shalt  }
0x4c: {  	_ =	shalt  }
0x4d: {  	_ =	shalt  }
0x4e: {  	_ =	shalt  }
0x4f: {  	_ =	shalt  }
0x50: {  	_ =	shalt  }
0x51: {  	_ =	shalt  }
0x52: {  	_ =	shalt  }
0x53: {  	_ =	shalt  }
0x54: {  	_ =	shalt  }
0x55: {  	_ =	shalt  }
0x56: {  	_ =	shalt  }
0x57: {  	_ =	shalt  }
0x58: {  	_ =	shalt  }
0x59: {  	_ =	shalt  }
0x5a: {  	_ =	shalt  }
0x5b: {  	_ =	shalt  }
0x5c: {  	_ =	shalt  }
0x5d: {  	_ =	shalt  }
0x5e: {  	_ =	shalt  }
0x5f: {  	_ =	shalt  }
0x60: {  	_ =	shalt  }
0x61: {  	_ =	shalt  }
0x62: {  	_ =	shalt  }
0x63: {  	_ =	shalt  }
0x64: {  	_ =	shalt  }
0x65: {  	_ =	shalt  }
0x66: {  	_ =	shalt  }
0x67: {  	_ =	shalt  }
0x68: {  	_ =	shalt  }
0x69: {  	_ =	shalt  }
0x6a: {  	_ =	shalt  }
0x6b: {  	_ =	shalt  }
0x6c: {  	_ =	shalt  }
0x6d: {  	_ =	shalt  }
0x6e: {  	_ =	shalt  }
0x6f: {  	_ =	shalt  }
0x70: {  	_ =	shalt  }
0x71: {  	_ =	shalt  }
0x72: {  	_ =	shalt  }
0x73: {  	_ =	shalt  }
0x74: {  	_ =	shalt  }
0x75: {  	_ =	shalt  }
0x76: {  	_ =	shalt  }
0x77: {  	_ =	shalt  }
0x78: {  	_ =	shalt  }
0x79: {  	_ =	shalt  }
0x7a: {  	_ =	shalt  }
0x7b: {  	_ =	shalt  }
0x7c: {  	_ =	shalt  }
0x7d: {  	_ =	shalt  }
0x7e: {  	_ =	shalt  }
0x7f: {  	_ =	shalt  }
0x80: {  	_ =	shalt  }
0x81: {  	_ =	shalt  }
0x82: {  	_ =	shalt  }
0x83: {  	_ =	shalt  }
0x84: {  	_ =	shalt  }
0x85: {  	_ =	shalt  }
0x86: {  	_ =	shalt  }
0x87: {  	_ =	shalt  }
.Lfunc_end0:
.L_simem_size_0:
called_computation_lowered:
.L_overlay_start_0:
0x88: {  	s2 =	sld [smem:$0x3FD9]  }
0x89: {  	s3 =	sld [smem:$0x3FFE];
	_ =	sdelay $0x1  }
0x8a: {  	s1 =	srdreg.scid  }
0x8b: {  	s0 =	sand.u32 $0x1, s1  }
0x8c: {  	s14 =	sshll.u32 s0, $0xA;
	s2 =	sadd.s32 s3, s2  }
0x8d: {  	s2 =	sadd.s32 s2, s14  }
0x8e: {  	[smem:$0x3F9F] =	sst s2  }
0x8f: {  	_ = 	snop  }
0x90: {  	s2 =	sld [smem:$0x3FD0];
	_ =	sdelay $0x2  }
0x91: {  	s15 =	simm.s32 $0xA;
	s4 =	simm.s32 $0x10  }
0x92: {  	[smem:s4], [sflag:s15] =	dma.local [hbm:s2], $0x1  }
0x93: {  	_ =	swait.eq [sflag:s15], $0x1  }
0x94: {  	[sflag:s15] =	ssyncset.done $0x0  }
0x95: {  	[sflag:s15] =	ssyncadd.s32 $0xFFFFFFFF  }
0x96: {  	s16 =	sld [smem:$0x14];
	(tm) =	ssettm $0x1  }
0x97: {  	s17 =	sld [smem:$0x3FFB];
	_ =	sdelay $0x3  }
0x98: {  	_ =	strace s17  }
0x99: {  	s3 =	sld [smem:$0x3FFC];
	_ =	sdelay $0x3  }
0x9a: {  	_ =	strace s3  }
0x9b: {  	s3 =	sld [smem:$0x3FFD];
	_ =	sdelay $0x3  }
0x9c: {  	_ =	strace s3  }
0x9d: {  	_ =	strace $0x8FFFFFFF  }
0x9e: {  	s18 =	sld [smem:$0x3FDB];
	_ =	sdelay $0x1  }
0x9f: {  	s19 =	simm.s32 $_scs_section_size  }
0xa0: {  	s5 =	simm.s32 $_size__tile_overlayer_lowered;
	s6 =	simm.s32 $_tile_overlayer_lowered  }
0xa1: {  	s22 =	simm.s32 $0x1BFF;
	s21 =	sshll.u32 s6, $0x1;
	s3 =	sadd.s32 s19, s18  }
0xa2: {  	s7 =	simm.s32 $0x0;
	s20 =	sshll.u32 s5, $0x1;
	s5 =	sadd.s32 s21, s3  }
0xa3: {  	[timem:s7], [sflag:s22] =	dma.local [hbm:s5], s20  }
0xa4: {  	_ =	swait.ge [sflag:s22], s20  }
0xa5: {  	s4 =	ssub.s32 $0x0, s20;
	[sflag:s22] =	ssyncset.done $0x0  }
0xa6: {  	[sflag:s22] =	ssyncadd.s32 s4;
	_ =	sdelay $0x1  }
0xa7: {  	s23 =	simm.s32 $0x1B8B  }
0xa8: {  	_ =	swait.ge [sflag:s23], $0x1  }
0xa9: {  	[sflag:s23] =	ssyncset.done $0x0  }
0xaa: {  	s25 =	simm.s32 $0x1B8E;
	s24 =	sld [smem:$0x3FFE];
	[sflag:s23] =	ssyncadd.s32 $0xFFFFFFFF  }
0xab: {  	s26 =	simm.s32 $execute0_lowered;
	[smem:$0x3FD2] =	sst s25  }
0xac: {  	s5 =	sshll.u32 s26, $0x1;
	_ =	strace $0x80000046;
	[dreg:$0x1] =	wrdreg $0xFFFFFFFF  }
0xad: {  	s28 =	simm.s32 $_size_execute0_lowered;
	s3 =	sadd.s32 s3, s5;
	[dreg:$0x0] =	wrdreg $0x0  }
0xae: {  	s5 =	sshll.u32 s28, $0x1;
	[dreg:$0x2] =	wrdreg s3  }
0xaf: {  	[dreg:$0x3] =	wrdreg s5  }
0xb0: {  	[dreg:$0x4] =	wrdreg $0xC0  }
0xb1: {  	_ =	task [dreg:s7], $0x5FFFF  }
0xb2: {  	[dreg:$0x1] =	wrdreg $0xFFFFFFFF  }
0xb3: {  	[dreg:$0x0] =	wrdreg $0x60  }
0xb4: {  	[dreg:$0x2] =	wrdreg s24  }
0xb5: {  	[dreg:$0x3] =	wrdreg s16  }
0xb6: {  	[dreg:$0x4] =	wrdreg $0x9  }
0xb7: {  	_ =	task.clear_ibuf [dreg:s7], $0x5FFFF;
	_ =	strace $0x90000046  }
0xb8: {  	s29 =	simm.s32 $0x9;
	_ =	strace $0x80000048  }
0xb9: {  	_ =	swait.ge [sflag:s29], $0x1  }
0xba: {  	[sflag:s29] =	ssyncadd.s32 $0xFFFFFFFF  }
0xbb: {  	_ =	strace $0x90000048  }
0xbc: {  	_ =	sfence  }
0xbd: {  	s30 =	sld [smem:$0x0];
	_ =	sdelay $0x2  }
0xbe: {  	s31 =	sshll.u32 s1, $0xD;
	s1 =	sshrl.u32 s1, $0x2  }
0xbf: {  	s3 =	sand.u32 $0x4000, s31;
	s1 =	sadd.s32 s1, s30  }
0xc0: {  	s0 =	sor.u32 s3, s0;
	s1 =	sshll.u32 s1, $0x11  }
0xc1: {  	s0 =	sor.u32 s1, s0  }
0xc2: {  	s0 =	sadd.s32 $0x8F2B, s0  }
0xc3: {  	[sflag:s0] =	ssyncadd.remote.s32 $0x1  }
0xc4: {  	_ =	sfence.sel $0xFFFF  }
0xc5: {  	[dreg:$0x0] =	wrdreg $0xFFFFFFFF;
	(pc) =	sbr.abs _section_cstart, $3  }
0xc6: {  	[dreg:$0x1] =	wrdreg $0xFFFFFFFF  }
0xc7: {  	_ =	task.clear_ibuf [dreg:s7], $0x2FFFF;
	_ =	strace $0x9FFFFFFF  }
0xc8: {  	(tm) =	ssettm $0x7FFFFFFF  }
0xc9: {  	_ =	shalt  }
tec
execute0_lowered:
.L_overlay_start_1:
0x0: {  	(tag) =	ssettag $0x1  }
0x1: {  	s0 =	rddreg [dreg:$0x0]  }
0x2: {  	s1 =	rddreg [dreg:$0x1];
	s3 =	srdreg.scid  }
0x3: {  	s5 =	stileid.u32;
	s2 =	simm.s32 $0x0;
	s9 =	simm.s32 $0x160  }
0x4: {  	s10 =	simm.s32 $0x1080;
	s12 =	simm.s32 $0x1;
	s31 =	simm.s32 $0x2C0  }
0x5: {  	s30 =	simm.s32 $0x420;
	s29 =	simm.s32 $0x580;
	s26 =	simm.s32 $0x6E0  }
0x6: {  	p0 =	por $0x0, $0x0;
	s21 =	simm.s32 $0xB00;
	s19 =	simm.s32 $0xC60  }
0x7: {  	s17 =	simm.s32 $0xDC0;
	s4 =	sand.u32 $0x1, s3;
	s22 =	sshll.u32 s5, $0x1  }
0x8: {  	s15 =	simm.s32 $0xF20;
	[smem:$0x7FF] =	sst s2;
	s5 =	sor.u32 s4, s22  }
0x9: {  	s3 =	sadd.s32 $0x2C00, s0;
	s4 =	ssub.s32 $0x2, s4;
	s6 =	smul.u32 $0x210, s5  }
0xa: {  	s0 =	sadd.s32 $0x42C00, s0;
	s7 =	smul.u32 $0x84000, s5;
	s8 =	sshrl.u32 s4, $0x1  }
0xb: {  	_ =	strace $0x80000047;
	s5 =	smul.u32 $0x10800, s5;
	s4 =	ssub.s32 s4, s8  }
0xc: {  	s8 =	simm.s32 $0x2;
	s1 =	sadd.s32 s1, s6;
	s23 =	sshrl.u32 s7, $0x3  }
0xd: {  	s24 =	sadd.s32 s0, s5;
	s25 =	smax.u32 s4, $0x1;
	s4 =	simm.s32 $0x3  }
0xe: {  	s7 =	simm.s32 $0xC080;
	[dreg:$0x3] =	wrdreg s1;
	s0 =	sadd.s32 s0, s23  }
0xf: {  	[dreg:$0x4] =	wrdreg s24;
	p1 =	sne.s32 s25, $0x1;
	s23 =	simm.s32 $0x9A0  }
.Ltmp0:
0x10: {  	s28 =	sadd.s32 $0x1600, s0;
	s24 =	sadd.s32 $0x2C00, s0;
	(pc) =	sbr.rel @!p1 .LBB2_3-.Ltmp0, $4  }
0x11: {  	s22 =	sadd.s32 $0x4200, s0;
	s20 =	sadd.s32 $0x5800, s0;
	s18 =	sadd.s32 $0x6E00, s0  }
0x12: {  	s16 =	sadd.s32 $0x8400, s0;
	s14 =	sadd.s32 $0x9A00, s0;
	s13 =	sadd.s32 $0xB000, s0  }
0x13: {  	s11 =	sadd.s32 $0xC600, s0;
	s6 =	sadd.s32 $0xDC00, s0;
	s5 =	sadd.s32 $0xF200, s0  }
0x14: {  	s0 =	sadd.s32 $0xFFFFFFFF, s25;
	s25 =	simm.s32 $0x840;
	s1 =	rddreg [dreg:$0x3]  }
0x15: {  	[tilespmem:s2], [sflag:$0x3] =	stream.linear.gather [hbm4b:s1+s2], $0x1080, $0x38;
	[tilespmem:$0x17080] =	vst v63  }
0x16: {  	_ =	swait.ge [sflag:s4], $0x1080  }
0x17: {  	[sflag:s4] =	ssyncset.done $0x0  }
0x18: {  	[sflag:s4] =	ssyncadd.s32 $0xFFFFEF80  }
0x19: {  	[tilespmem:s10], [sflag:$0x1] =	stream.indirect.gather [hbm4b:s3+s9], $0x80, s2, s9, $0xb8;
	[tilespmem:$0x17080] =	vst v63  }
0x1a: {  	_ =	swait.ge [sflag:s12], $0xB000  }
0x1b: {  	[sflag:s12] =	ssyncset.done $0x0  }
0x1c: {  	[sflag:s12] =	ssyncadd.s32 $0xFFFF5000  }
0x1d: {  	[tilespmem:s7], [sflag:$0x2] =	stream.indirect.gather [hbm4b:s3+s9], $0x80, s9, s9, $0xb8;
	[tilespmem:$0x17080] =	vst v63  }
0x1e: {  	s1 =	rddreg [dreg:$0x4]  }
0x1f: {  	[hbm4b:s1+s2] =	stream.linear.scatter [tilespmem:s10], [sflag:$0x3], $0xB000, $0x38;
	[tilespmem:$0x17080] =	vst v63  }
0x20: {  	_ =	swait.ge [sflag:s4], $0xB000  }
0x21: {  	[sflag:s4] =	ssyncset.done $0x0  }
0x22: {  	[sflag:s4] =	ssyncadd.s32 $0xFFFF5000  }
0x23: {  	_ =	swait.ge [sflag:s8], $0xB000  }
0x24: {  	[sflag:s8] =	ssyncset.done $0x0  }
0x25: {  	[sflag:s8] =	ssyncadd.s32 $0xFFFF5000  }
0x26: {  	[tilespmem:s10], [sflag:$0x1] =	stream.indirect.gather [hbm4b:s3+s9], $0x80, s31, s9, $0xb8;
	[tilespmem:$0x17080] =	vst v63  }
0x27: {  	_ = 	snop  }
0x28: {  	[hbm4b:s28+s2] =	stream.linear.scatter [tilespmem:s7], [sflag:$0x3], $0xB000, $0x38;
	[tilespmem:$0x17080] =	vst v63  }
0x29: {  	_ =	swait.ge [sflag:s4], $0xB000  }
0x2a: {  	[sflag:s4] =	ssyncset.done $0x0  }
0x2b: {  	[sflag:s4] =	ssyncadd.s32 $0xFFFF5000  }
0x2c: {  	_ =	swait.ge [sflag:s12], $0xB000  }
0x2d: {  	[sflag:s12] =	ssyncset.done $0x0  }
0x2e: {  	[sflag:s12] =	ssyncadd.s32 $0xFFFF5000  }
0x2f: {  	[tilespmem:s7], [sflag:$0x2] =	stream.indirect.gather [hbm4b:s3+s9], $0x80, s30, s9, $0xb8;
	[tilespmem:$0x17080] =	vst v63  }
0x30: {  	_ = 	snop  }
0x31: {  	[hbm4b:s24+s2] =	stream.linear.scatter [tilespmem:s10], [sflag:$0x3], $0xB000, $0x38;
	[tilespmem:$0x17080] =	vst v63  }
0x32: {  	_ =	swait.ge [sflag:s4], $0xB000  }
0x33: {  	[sflag:s4] =	ssyncset.done $0x0  }
0x34: {  	[sflag:s4] =	ssyncadd.s32 $0xFFFF5000  }
0x35: {  	_ =	swait.ge [sflag:s8], $0xB000  }
0x36: {  	[sflag:s8] =	ssyncset.done $0x0  }
0x37: {  	[sflag:s8] =	ssyncadd.s32 $0xFFFF5000  }
0x38: {  	[tilespmem:s10], [sflag:$0x1] =	stream.indirect.gather [hbm4b:s3+s9], $0x80, s29, s9, $0xb8;
	[tilespmem:$0x17080] =	vst v63  }
0x39: {  	_ = 	snop  }
0x3a: {  	[hbm4b:s22+s2] =	stream.linear.scatter [tilespmem:s7], [sflag:$0x3], $0xB000, $0x38;
	[tilespmem:$0x17080] =	vst v63  }
0x3b: {  	_ =	swait.ge [sflag:s4], $0xB000  }
0x3c: {  	[sflag:s4] =	ssyncset.done $0x0  }
0x3d: {  	[sflag:s4] =	ssyncadd.s32 $0xFFFF5000  }
0x3e: {  	_ =	swait.ge [sflag:s12], $0xB000  }
0x3f: {  	[sflag:s12] =	ssyncset.done $0x0  }
0x40: {  	[sflag:s12] =	ssyncadd.s32 $0xFFFF5000  }
0x41: {  	[tilespmem:s7], [sflag:$0x2] =	stream.indirect.gather [hbm4b:s3+s9], $0x80, s26, s9, $0xb8;
	[tilespmem:$0x17080] =	vst v63  }
0x42: {  	_ = 	snop  }
0x43: {  	[hbm4b:s20+s2] =	stream.linear.scatter [tilespmem:s10], [sflag:$0x3], $0xB000, $0x38;
	[tilespmem:$0x17080] =	vst v63  }
0x44: {  	_ =	swait.ge [sflag:s4], $0xB000  }
0x45: {  	[sflag:s4] =	ssyncset.done $0x0  }
0x46: {  	[sflag:s4] =	ssyncadd.s32 $0xFFFF5000  }
0x47: {  	_ =	swait.ge [sflag:s8], $0xB000  }
0x48: {  	[sflag:s8] =	ssyncset.done $0x0  }
0x49: {  	[sflag:s8] =	ssyncadd.s32 $0xFFFF5000  }
0x4a: {  	[tilespmem:s10], [sflag:$0x1] =	stream.indirect.gather [hbm4b:s3+s9], $0x80, s25, s9, $0xb8;
	[tilespmem:$0x17080] =	vst v63  }
0x4b: {  	_ = 	snop  }
0x4c: {  	[hbm4b:s18+s2] =	stream.linear.scatter [tilespmem:s7], [sflag:$0x3], $0xB000, $0x38;
	[tilespmem:$0x17080] =	vst v63  }
0x4d: {  	_ =	swait.ge [sflag:s4], $0xB000  }
0x4e: {  	[sflag:s4] =	ssyncset.done $0x0  }
0x4f: {  	[sflag:s4] =	ssyncadd.s32 $0xFFFF5000  }
0x50: {  	_ =	swait.ge [sflag:s12], $0xB000  }
0x51: {  	[sflag:s12] =	ssyncset.done $0x0  }
0x52: {  	[sflag:s12] =	ssyncadd.s32 $0xFFFF5000  }
0x53: {  	[tilespmem:s7], [sflag:$0x2] =	stream.indirect.gather [hbm4b:s3+s9], $0x80, s23, s9, $0xb8;
	[tilespmem:$0x17080] =	vst v63  }
0x54: {  	_ = 	snop  }
0x55: {  	[hbm4b:s16+s2] =	stream.linear.scatter [tilespmem:s10], [sflag:$0x3], $0xB000, $0x38;
	[tilespmem:$0x17080] =	vst v63  }
0x56: {  	_ =	swait.ge [sflag:s4], $0xB000  }
0x57: {  	[sflag:s4] =	ssyncset.done $0x0  }
0x58: {  	[sflag:s4] =	ssyncadd.s32 $0xFFFF5000  }
0x59: {  	_ =	swait.ge [sflag:s8], $0xB000  }
0x5a: {  	[sflag:s8] =	ssyncset.done $0x0  }
0x5b: {  	[sflag:s8] =	ssyncadd.s32 $0xFFFF5000  }
0x5c: {  	[tilespmem:s10], [sflag:$0x1] =	stream.indirect.gather [hbm4b:s3+s9], $0x80, s21, s9, $0xb8;
	[tilespmem:$0x17080] =	vst v63  }
0x5d: {  	_ = 	snop  }
0x5e: {  	[hbm4b:s14+s2] =	stream.linear.scatter [tilespmem:s7], [sflag:$0x3], $0xB000, $0x38;
	[tilespmem:$0x17080] =	vst v63  }
0x5f: {  	_ =	swait.ge [sflag:s4], $0xB000  }
0x60: {  	[sflag:s4] =	ssyncset.done $0x0  }
0x61: {  	[sflag:s4] =	ssyncadd.s32 $0xFFFF5000  }
0x62: {  	_ =	swait.ge [sflag:s12], $0xB000  }
0x63: {  	[sflag:s12] =	ssyncset.done $0x0  }
0x64: {  	[sflag:s12] =	ssyncadd.s32 $0xFFFF5000  }
0x65: {  	[tilespmem:s7], [sflag:$0x2] =	stream.indirect.gather [hbm4b:s3+s9], $0x80, s19, s9, $0xb8;
	[tilespmem:$0x17080] =	vst v63  }
0x66: {  	_ = 	snop  }
0x67: {  	[hbm4b:s13+s2] =	stream.linear.scatter [tilespmem:s10], [sflag:$0x3], $0xB000, $0x38;
	[tilespmem:$0x17080] =	vst v63  }
0x68: {  	_ =	swait.ge [sflag:s4], $0xB000  }
0x69: {  	[sflag:s4] =	ssyncset.done $0x0  }
0x6a: {  	[sflag:s4] =	ssyncadd.s32 $0xFFFF5000  }
0x6b: {  	_ =	swait.ge [sflag:s8], $0xB000  }
0x6c: {  	[sflag:s8] =	ssyncset.done $0x0  }
0x6d: {  	[sflag:s8] =	ssyncadd.s32 $0xFFFF5000  }
0x6e: {  	[tilespmem:s10], [sflag:$0x1] =	stream.indirect.gather [hbm4b:s3+s9], $0x80, s17, s9, $0xb8;
	[tilespmem:$0x17080] =	vst v63  }
0x6f: {  	_ = 	snop  }
0x70: {  	[hbm4b:s11+s2] =	stream.linear.scatter [tilespmem:s7], [sflag:$0x3], $0xB000, $0x38;
	[tilespmem:$0x17080] =	vst v63  }
0x71: {  	_ =	swait.ge [sflag:s4], $0xB000  }
0x72: {  	[sflag:s4] =	ssyncset.done $0x0  }
0x73: {  	[sflag:s4] =	ssyncadd.s32 $0xFFFF5000  }
0x74: {  	_ =	swait.ge [sflag:s12], $0xB000  }
0x75: {  	[sflag:s12] =	ssyncset.done $0x0  }
0x76: {  	[sflag:s12] =	ssyncadd.s32 $0xFFFF5000  }
0x77: {  	[tilespmem:s7], [sflag:$0x2] =	stream.indirect.gather [hbm4b:s3+s9], $0x80, s15, s9, $0xb8;
	[tilespmem:$0x17080] =	vst v63  }
0x78: {  	_ = 	snop  }
0x79: {  	[hbm4b:s6+s2] =	stream.linear.scatter [tilespmem:s10], [sflag:$0x3], $0xB000, $0x38;
	[tilespmem:$0x17080] =	vst v63  }
0x7a: {  	_ =	swait.ge [sflag:s4], $0xB000  }
0x7b: {  	[sflag:s4] =	ssyncset.done $0x0  }
0x7c: {  	[sflag:s4] =	ssyncadd.s32 $0xFFFF5000  }
0x7d: {  	p1 =	sne.s32 s0, $0x1;
	_ =	swait.ge [sflag:s8], $0xB000  }
.Ltmp1:
0x7e: {  	[sflag:s8] =	ssyncset.done $0x0;
	(pc) =	sbr.rel @!p1 .LBB2_3-.Ltmp1, $4  }
0x7f: {  	[sflag:s8] =	ssyncadd.s32 $0xFFFF5000  }
0x80: {  	[hbm4b:s5+s2] =	stream.linear.scatter [tilespmem:s7], [sflag:$0x3], $0xB000, $0x38;
	[tilespmem:$0x17080] =	vst v63  }
0x81: {  	s0 =	sadd.s32 $0xFFFFFFFF, s0;
	_ =	swait.ge [sflag:s4], $0xB000  }
0x82: {  	p0 =	por $0x1, $0x1;
	s1 =	rddreg [dreg:$0x3];
	[sflag:s4] =	ssyncset.done $0x0  }
.LBB2_2:
0x83: {  	[sflag:s4] =	ssyncadd.s32 $0xFFFF5000  }
0x84: {  	[tilespmem:s2], [sflag:$0x3] =	stream.linear.gather [hbm4b:s1+s2], $0x1080, $0x38;
	[tilespmem:$0x17080] =	vst v63  }
0x85: {  	_ =	swait.ge [sflag:s4], $0x1080  }
0x86: {  	[sflag:s4] =	ssyncset.done $0x0  }
0x87: {  	[sflag:s4] =	ssyncadd.s32 $0xFFFFEF80  }
0x88: {  	[tilespmem:s10], [sflag:$0x1] =	stream.indirect.gather [hbm4b:s3+s9], $0x80, s2, s9, $0xb8;
	[tilespmem:$0x17080] =	vst v63  }
0x89: {  	_ =	swait.ge [sflag:s12], $0xB000  }
0x8a: {  	[sflag:s12] =	ssyncset.done $0x0  }
0x8b: {  	[sflag:s12] =	ssyncadd.s32 $0xFFFF5000  }
0x8c: {  	[tilespmem:s7], [sflag:$0x2] =	stream.indirect.gather [hbm4b:s3+s9], $0x80, s9, s9, $0xb8;
	[tilespmem:$0x17080] =	vst v63  }
0x8d: {  	s1 =	rddreg [dreg:$0x4]  }
0x8e: {  	[hbm4b:s1+s2] =	stream.linear.scatter [tilespmem:s10], [sflag:$0x3], $0xB000, $0x38;
	[tilespmem:$0x17080] =	vst v63  }
0x8f: {  	_ =	swait.ge [sflag:s4], $0xB000  }
0x90: {  	[sflag:s4] =	ssyncset.done $0x0  }
0x91: {  	[sflag:s4] =	ssyncadd.s32 $0xFFFF5000  }
0x92: {  	_ =	swait.ge [sflag:s8], $0xB000  }
0x93: {  	[sflag:s8] =	ssyncset.done $0x0  }
0x94: {  	[sflag:s8] =	ssyncadd.s32 $0xFFFF5000  }
0x95: {  	[tilespmem:s10], [sflag:$0x1] =	stream.indirect.gather [hbm4b:s3+s9], $0x80, s31, s9, $0xb8;
	[tilespmem:$0x17080] =	vst v63  }
0x96: {  	_ = 	snop  }
0x97: {  	[hbm4b:s28+s2] =	stream.linear.scatter [tilespmem:s7], [sflag:$0x3], $0xB000, $0x38;
	[tilespmem:$0x17080] =	vst v63  }
0x98: {  	_ =	swait.ge [sflag:s4], $0xB000  }
0x99: {  	[sflag:s4] =	ssyncset.done $0x0  }
0x9a: {  	[sflag:s4] =	ssyncadd.s32 $0xFFFF5000  }
0x9b: {  	_ =	swait.ge [sflag:s12], $0xB000  }
0x9c: {  	[sflag:s12] =	ssyncset.done $0x0  }
0x9d: {  	[sflag:s12] =	ssyncadd.s32 $0xFFFF5000  }
0x9e: {  	[tilespmem:s7], [sflag:$0x2] =	stream.indirect.gather [hbm4b:s3+s9], $0x80, s30, s9, $0xb8;
	[tilespmem:$0x17080] =	vst v63  }
0x9f: {  	_ = 	snop  }
0xa0: {  	[hbm4b:s24+s2] =	stream.linear.scatter [tilespmem:s10], [sflag:$0x3], $0xB000, $0x38;
	[tilespmem:$0x17080] =	vst v63  }
0xa1: {  	_ =	swait.ge [sflag:s4], $0xB000  }
0xa2: {  	[sflag:s4] =	ssyncset.done $0x0  }
0xa3: {  	[sflag:s4] =	ssyncadd.s32 $0xFFFF5000  }
0xa4: {  	_ =	swait.ge [sflag:s8], $0xB000  }
0xa5: {  	[sflag:s8] =	ssyncset.done $0x0  }
0xa6: {  	[sflag:s8] =	ssyncadd.s32 $0xFFFF5000  }
0xa7: {  	[tilespmem:s10], [sflag:$0x1] =	stream.indirect.gather [hbm4b:s3+s9], $0x80, s29, s9, $0xb8;
	[tilespmem:$0x17080] =	vst v63  }
0xa8: {  	_ = 	snop  }
0xa9: {  	[hbm4b:s22+s2] =	stream.linear.scatter [tilespmem:s7], [sflag:$0x3], $0xB000, $0x38;
	[tilespmem:$0x17080] =	vst v63  }
0xaa: {  	_ =	swait.ge [sflag:s4], $0xB000  }
0xab: {  	[sflag:s4] =	ssyncset.done $0x0  }
0xac: {  	[sflag:s4] =	ssyncadd.s32 $0xFFFF5000  }
0xad: {  	_ =	swait.ge [sflag:s12], $0xB000  }
0xae: {  	[sflag:s12] =	ssyncset.done $0x0  }
0xaf: {  	[sflag:s12] =	ssyncadd.s32 $0xFFFF5000  }
0xb0: {  	[tilespmem:s7], [sflag:$0x2] =	stream.indirect.gather [hbm4b:s3+s9], $0x80, s26, s9, $0xb8;
	[tilespmem:$0x17080] =	vst v63  }
0xb1: {  	_ = 	snop  }
0xb2: {  	[hbm4b:s20+s2] =	stream.linear.scatter [tilespmem:s10], [sflag:$0x3], $0xB000, $0x38;
	[tilespmem:$0x17080] =	vst v63  }
0xb3: {  	_ =	swait.ge [sflag:s4], $0xB000  }
0xb4: {  	[sflag:s4] =	ssyncset.done $0x0  }
0xb5: {  	[sflag:s4] =	ssyncadd.s32 $0xFFFF5000  }
0xb6: {  	_ =	swait.ge [sflag:s8], $0xB000  }
0xb7: {  	[sflag:s8] =	ssyncset.done $0x0  }
0xb8: {  	[sflag:s8] =	ssyncadd.s32 $0xFFFF5000  }
0xb9: {  	[tilespmem:s10], [sflag:$0x1] =	stream.indirect.gather [hbm4b:s3+s9], $0x80, s25, s9, $0xb8;
	[tilespmem:$0x17080] =	vst v63  }
0xba: {  	_ = 	snop  }
0xbb: {  	[hbm4b:s18+s2] =	stream.linear.scatter [tilespmem:s7], [sflag:$0x3], $0xB000, $0x38;
	[tilespmem:$0x17080] =	vst v63  }
0xbc: {  	_ =	swait.ge [sflag:s4], $0xB000  }
0xbd: {  	[sflag:s4] =	ssyncset.done $0x0  }
0xbe: {  	[sflag:s4] =	ssyncadd.s32 $0xFFFF5000  }
0xbf: {  	_ =	swait.ge [sflag:s12], $0xB000  }
0xc0: {  	[sflag:s12] =	ssyncset.done $0x0  }
0xc1: {  	[sflag:s12] =	ssyncadd.s32 $0xFFFF5000  }
0xc2: {  	[tilespmem:s7], [sflag:$0x2] =	stream.indirect.gather [hbm4b:s3+s9], $0x80, s23, s9, $0xb8;
	[tilespmem:$0x17080] =	vst v63  }
0xc3: {  	_ = 	snop  }
0xc4: {  	[hbm4b:s16+s2] =	stream.linear.scatter [tilespmem:s10], [sflag:$0x3], $0xB000, $0x38;
	[tilespmem:$0x17080] =	vst v63  }
0xc5: {  	_ =	swait.ge [sflag:s4], $0xB000  }
0xc6: {  	[sflag:s4] =	ssyncset.done $0x0  }
0xc7: {  	[sflag:s4] =	ssyncadd.s32 $0xFFFF5000  }
0xc8: {  	_ =	swait.ge [sflag:s8], $0xB000  }
0xc9: {  	[sflag:s8] =	ssyncset.done $0x0  }
0xca: {  	[sflag:s8] =	ssyncadd.s32 $0xFFFF5000  }
0xcb: {  	[tilespmem:s10], [sflag:$0x1] =	stream.indirect.gather [hbm4b:s3+s9], $0x80, s21, s9, $0xb8;
	[tilespmem:$0x17080] =	vst v63  }
0xcc: {  	_ = 	snop  }
0xcd: {  	[hbm4b:s14+s2] =	stream.linear.scatter [tilespmem:s7], [sflag:$0x3], $0xB000, $0x38;
	[tilespmem:$0x17080] =	vst v63  }
0xce: {  	_ =	swait.ge [sflag:s4], $0xB000  }
0xcf: {  	[sflag:s4] =	ssyncset.done $0x0  }
0xd0: {  	[sflag:s4] =	ssyncadd.s32 $0xFFFF5000  }
0xd1: {  	_ =	swait.ge [sflag:s12], $0xB000  }
0xd2: {  	[sflag:s12] =	ssyncset.done $0x0  }
0xd3: {  	[sflag:s12] =	ssyncadd.s32 $0xFFFF5000  }
0xd4: {  	[tilespmem:s7], [sflag:$0x2] =	stream.indirect.gather [hbm4b:s3+s9], $0x80, s19, s9, $0xb8;
	[tilespmem:$0x17080] =	vst v63  }
0xd5: {  	_ = 	snop  }
0xd6: {  	[hbm4b:s13+s2] =	stream.linear.scatter [tilespmem:s10], [sflag:$0x3], $0xB000, $0x38;
	[tilespmem:$0x17080] =	vst v63  }
0xd7: {  	_ =	swait.ge [sflag:s4], $0xB000  }
0xd8: {  	[sflag:s4] =	ssyncset.done $0x0  }
0xd9: {  	[sflag:s4] =	ssyncadd.s32 $0xFFFF5000  }
0xda: {  	_ =	swait.ge [sflag:s8], $0xB000  }
0xdb: {  	[sflag:s8] =	ssyncset.done $0x0  }
0xdc: {  	[sflag:s8] =	ssyncadd.s32 $0xFFFF5000  }
0xdd: {  	[tilespmem:s10], [sflag:$0x1] =	stream.indirect.gather [hbm4b:s3+s9], $0x80, s17, s9, $0xb8;
	[tilespmem:$0x17080] =	vst v63  }
0xde: {  	_ = 	snop  }
0xdf: {  	[hbm4b:s11+s2] =	stream.linear.scatter [tilespmem:s7], [sflag:$0x3], $0xB000, $0x38;
	[tilespmem:$0x17080] =	vst v63  }
0xe0: {  	_ =	swait.ge [sflag:s4], $0xB000  }
0xe1: {  	[sflag:s4] =	ssyncset.done $0x0  }
0xe2: {  	[sflag:s4] =	ssyncadd.s32 $0xFFFF5000  }
0xe3: {  	_ =	swait.ge [sflag:s12], $0xB000  }
0xe4: {  	[sflag:s12] =	ssyncset.done $0x0  }
0xe5: {  	[sflag:s12] =	ssyncadd.s32 $0xFFFF5000  }
0xe6: {  	[tilespmem:s7], [sflag:$0x2] =	stream.indirect.gather [hbm4b:s3+s9], $0x80, s15, s9, $0xb8;
	[tilespmem:$0x17080] =	vst v63  }
0xe7: {  	_ = 	snop  }
0xe8: {  	[hbm4b:s6+s2] =	stream.linear.scatter [tilespmem:s10], [sflag:$0x3], $0xB000, $0x38;
	[tilespmem:$0x17080] =	vst v63  }
0xe9: {  	_ =	swait.ge [sflag:s4], $0xB000  }
0xea: {  	[sflag:s4] =	ssyncset.done $0x0  }
0xeb: {  	[sflag:s4] =	ssyncadd.s32 $0xFFFF5000  }
0xec: {  	p1 =	sne.s32 s0, $0x1;
	_ =	swait.ge [sflag:s8], $0xB000  }
.Ltmp2:
0xed: {  	[sflag:s8] =	ssyncset.done $0x0;
	(pc) =	sbr.rel @p1 .LBB2_2-.Ltmp2, $4  }
0xee: {  	[sflag:s8] =	ssyncadd.s32 $0xFFFF5000  }
0xef: {  	[hbm4b:s5+s2] =	stream.linear.scatter [tilespmem:s7], [sflag:$0x3], $0xB000, $0x38;
	[tilespmem:$0x17080] =	vst v63  }
0xf0: {  	_ =	swait.ge [sflag:s4], $0xB000  }
0xf1: {  	s0 =	sadd.s32 $0xFFFFFFFF, s0;
	s1 =	rddreg [dreg:$0x3];
	[sflag:s4] =	ssyncset.done $0x0  }
.LBB2_3:
0xf2: {  	[sflag:s4] =	ssyncadd.s32 @p0 $0xFFFF5000  }
0xf3: {  	[tilespmem:s2], [sflag:$0x3] =	stream.linear.gather [hbm4b:s1+s2], $0x1080, $0x38;
	[tilespmem:$0x17080] =	vst v63  }
0xf4: {  	_ =	swait.ge [sflag:s4], $0x1080  }
0xf5: {  	[sflag:s4] =	ssyncset.done $0x0  }
0xf6: {  	[sflag:s4] =	ssyncadd.s32 $0xFFFFEF80  }
0xf7: {  	[tilespmem:s10], [sflag:$0x1] =	stream.indirect.gather [hbm4b:s3+s9], $0x80, s2, s9, $0xb8;
	[tilespmem:$0x17080] =	vst v63  }
0xf8: {  	_ =	swait.ge [sflag:s12], $0xB000  }
0xf9: {  	[sflag:s12] =	ssyncset.done $0x0  }
0xfa: {  	[sflag:s12] =	ssyncadd.s32 $0xFFFF5000  }
0xfb: {  	[tilespmem:s7], [sflag:$0x2] =	stream.indirect.gather [hbm4b:s3+s9], $0x80, s9, s9, $0xb8;
	[tilespmem:$0x17080] =	vst v63  }
0xfc: {  	s0 =	rddreg [dreg:$0x4]  }
0xfd: {  	[hbm4b:s0+s2] =	stream.linear.scatter [tilespmem:s10], [sflag:$0x3], $0xB000, $0x38;
	[tilespmem:$0x17080] =	vst v63  }
0xfe: {  	_ =	swait.ge [sflag:s4], $0xB000  }
0xff: {  	[sflag:s4] =	ssyncset.done $0x0  }
0x100: {  	[sflag:s4] =	ssyncadd.s32 $0xFFFF5000  }
0x101: {  	_ =	swait.ge [sflag:s8], $0xB000  }
0x102: {  	[sflag:s8] =	ssyncset.done $0x0  }
0x103: {  	[sflag:s8] =	ssyncadd.s32 $0xFFFF5000  }
0x104: {  	[tilespmem:s10], [sflag:$0x1] =	stream.indirect.gather [hbm4b:s3+s9], $0x80, s31, s9, $0xb8;
	[tilespmem:$0x17080] =	vst v63  }
0x105: {  	_ = 	snop  }
0x106: {  	[hbm4b:s28+s2] =	stream.linear.scatter [tilespmem:s7], [sflag:$0x3], $0xB000, $0x38;
	[tilespmem:$0x17080] =	vst v63  }
0x107: {  	_ =	swait.ge [sflag:s4], $0xB000  }
0x108: {  	[sflag:s4] =	ssyncset.done $0x0  }
0x109: {  	[sflag:s4] =	ssyncadd.s32 $0xFFFF5000  }
0x10a: {  	_ =	swait.ge [sflag:s12], $0xB000  }
0x10b: {  	[sflag:s12] =	ssyncset.done $0x0  }
0x10c: {  	[sflag:s12] =	ssyncadd.s32 $0xFFFF5000  }
0x10d: {  	[tilespmem:s7], [sflag:$0x2] =	stream.indirect.gather [hbm4b:s3+s9], $0x80, s30, s9, $0xb8;
	[tilespmem:$0x17080] =	vst v63  }
0x10e: {  	_ = 	snop  }
0x10f: {  	[hbm4b:s24+s2] =	stream.linear.scatter [tilespmem:s10], [sflag:$0x3], $0xB000, $0x38;
	[tilespmem:$0x17080] =	vst v63  }
0x110: {  	_ =	swait.ge [sflag:s4], $0xB000  }
0x111: {  	[sflag:s4] =	ssyncset.done $0x0  }
0x112: {  	[sflag:s4] =	ssyncadd.s32 $0xFFFF5000  }
0x113: {  	_ =	swait.ge [sflag:s8], $0xB000  }
0x114: {  	[sflag:s8] =	ssyncset.done $0x0  }
0x115: {  	[sflag:s8] =	ssyncadd.s32 $0xFFFF5000  }
0x116: {  	[tilespmem:s10], [sflag:$0x1] =	stream.indirect.gather [hbm4b:s3+s9], $0x80, s29, s9, $0xb8;
	[tilespmem:$0x17080] =	vst v63  }
0x117: {  	_ = 	snop  }
0x118: {  	[hbm4b:s22+s2] =	stream.linear.scatter [tilespmem:s7], [sflag:$0x3], $0xB000, $0x38;
	[tilespmem:$0x17080] =	vst v63  }
0x119: {  	_ =	swait.ge [sflag:s4], $0xB000  }
0x11a: {  	[sflag:s4] =	ssyncset.done $0x0  }
0x11b: {  	[sflag:s4] =	ssyncadd.s32 $0xFFFF5000  }
0x11c: {  	_ =	swait.ge [sflag:s12], $0xB000  }
0x11d: {  	[sflag:s12] =	ssyncset.done $0x0  }
0x11e: {  	[sflag:s12] =	ssyncadd.s32 $0xFFFF5000  }
0x11f: {  	[tilespmem:s7], [sflag:$0x2] =	stream.indirect.gather [hbm4b:s3+s9], $0x80, s26, s9, $0xb8;
	[tilespmem:$0x17080] =	vst v63  }
0x120: {  	_ = 	snop  }
0x121: {  	[hbm4b:s20+s2] =	stream.linear.scatter [tilespmem:s10], [sflag:$0x3], $0xB000, $0x38;
	[tilespmem:$0x17080] =	vst v63  }
0x122: {  	_ =	swait.ge [sflag:s4], $0xB000  }
0x123: {  	[sflag:s4] =	ssyncset.done $0x0  }
0x124: {  	[sflag:s4] =	ssyncadd.s32 $0xFFFF5000  }
0x125: {  	_ =	swait.ge [sflag:s8], $0xB000  }
0x126: {  	[sflag:s8] =	ssyncset.done $0x0  }
0x127: {  	[sflag:s8] =	ssyncadd.s32 $0xFFFF5000  }
0x128: {  	[tilespmem:s10], [sflag:$0x1] =	stream.indirect.gather [hbm4b:s3+s9], $0x80, s25, s9, $0xb8;
	[tilespmem:$0x17080] =	vst v63  }
0x129: {  	_ = 	snop  }
0x12a: {  	[hbm4b:s18+s2] =	stream.linear.scatter [tilespmem:s7], [sflag:$0x3], $0xB000, $0x38;
	[tilespmem:$0x17080] =	vst v63  }
0x12b: {  	_ =	swait.ge [sflag:s4], $0xB000  }
0x12c: {  	[sflag:s4] =	ssyncset.done $0x0  }
0x12d: {  	[sflag:s4] =	ssyncadd.s32 $0xFFFF5000  }
0x12e: {  	_ =	swait.ge [sflag:s12], $0xB000  }
0x12f: {  	[sflag:s12] =	ssyncset.done $0x0  }
0x130: {  	[sflag:s12] =	ssyncadd.s32 $0xFFFF5000  }
0x131: {  	[tilespmem:s7], [sflag:$0x2] =	stream.indirect.gather [hbm4b:s3+s9], $0x80, s23, s9, $0xb8;
	[tilespmem:$0x17080] =	vst v63  }
0x132: {  	_ = 	snop  }
0x133: {  	[hbm4b:s16+s2] =	stream.linear.scatter [tilespmem:s10], [sflag:$0x3], $0xB000, $0x38;
	[tilespmem:$0x17080] =	vst v63  }
0x134: {  	_ =	swait.ge [sflag:s4], $0xB000  }
0x135: {  	[sflag:s4] =	ssyncset.done $0x0  }
0x136: {  	[sflag:s4] =	ssyncadd.s32 $0xFFFF5000  }
0x137: {  	_ =	swait.ge [sflag:s8], $0xB000  }
0x138: {  	[sflag:s8] =	ssyncset.done $0x0  }
0x139: {  	[sflag:s8] =	ssyncadd.s32 $0xFFFF5000  }
0x13a: {  	[tilespmem:s10], [sflag:$0x1] =	stream.indirect.gather [hbm4b:s3+s9], $0x80, s21, s9, $0xb8;
	[tilespmem:$0x17080] =	vst v63  }
0x13b: {  	_ = 	snop  }
0x13c: {  	[hbm4b:s14+s2] =	stream.linear.scatter [tilespmem:s7], [sflag:$0x3], $0xB000, $0x38;
	[tilespmem:$0x17080] =	vst v63  }
0x13d: {  	_ =	swait.ge [sflag:s4], $0xB000  }
0x13e: {  	[sflag:s4] =	ssyncset.done $0x0  }
0x13f: {  	[sflag:s4] =	ssyncadd.s32 $0xFFFF5000  }
0x140: {  	_ =	swait.ge [sflag:s12], $0xB000  }
0x141: {  	[sflag:s12] =	ssyncset.done $0x0  }
0x142: {  	[sflag:s12] =	ssyncadd.s32 $0xFFFF5000  }
0x143: {  	[tilespmem:s7], [sflag:$0x2] =	stream.indirect.gather [hbm4b:s3+s9], $0x80, s19, s9, $0xb8;
	[tilespmem:$0x17080] =	vst v63  }
0x144: {  	_ = 	snop  }
0x145: {  	[hbm4b:s13+s2] =	stream.linear.scatter [tilespmem:s10], [sflag:$0x3], $0xB000, $0x38;
	[tilespmem:$0x17080] =	vst v63  }
0x146: {  	_ =	swait.ge [sflag:s4], $0xB000  }
0x147: {  	[sflag:s4] =	ssyncset.done $0x0  }
0x148: {  	[sflag:s4] =	ssyncadd.s32 $0xFFFF5000  }
0x149: {  	_ =	swait.ge [sflag:s8], $0xB000  }
0x14a: {  	[sflag:s8] =	ssyncset.done $0x0  }
0x14b: {  	[sflag:s8] =	ssyncadd.s32 $0xFFFF5000  }
0x14c: {  	[tilespmem:s10], [sflag:$0x1] =	stream.indirect.gather [hbm4b:s3+s9], $0x80, s17, s9, $0xb8;
	[tilespmem:$0x17080] =	vst v63  }
0x14d: {  	_ = 	snop  }
0x14e: {  	[hbm4b:s11+s2] =	stream.linear.scatter [tilespmem:s7], [sflag:$0x3], $0xB000, $0x38;
	[tilespmem:$0x17080] =	vst v63  }
0x14f: {  	_ =	swait.ge [sflag:s4], $0xB000  }
0x150: {  	[sflag:s4] =	ssyncset.done $0x0  }
0x151: {  	[sflag:s4] =	ssyncadd.s32 $0xFFFF5000  }
0x152: {  	_ =	swait.ge [sflag:s12], $0xB000  }
0x153: {  	[sflag:s12] =	ssyncset.done $0x0  }
0x154: {  	[sflag:s12] =	ssyncadd.s32 $0xFFFF5000  }
0x155: {  	[tilespmem:s7], [sflag:$0x2] =	stream.indirect.gather [hbm4b:s3+s9], $0x80, s15, s9, $0xb8;
	[tilespmem:$0x17080] =	vst v63  }
0x156: {  	_ = 	snop  }
0x157: {  	[hbm4b:s6+s2] =	stream.linear.scatter [tilespmem:s10], [sflag:$0x3], $0xB000, $0x38;
	[tilespmem:$0x17080] =	vst v63  }
0x158: {  	_ =	swait.ge [sflag:s4], $0xB000  }
0x159: {  	[sflag:s4] =	ssyncset.done $0x0  }
0x15a: {  	[sflag:s4] =	ssyncadd.s32 $0xFFFF5000  }
0x15b: {  	_ =	swait.ge [sflag:s8], $0xB000  }
0x15c: {  	[sflag:s8] =	ssyncset.done $0x0  }
0x15d: {  	[sflag:s8] =	ssyncadd.s32 $0xFFFF5000  }
0x15e: {  	[hbm4b:s5+s2] =	stream.linear.scatter [tilespmem:s7], [sflag:$0x3], $0xB000, $0x38;
	[tilespmem:$0x17080] =	vst v63  }
0x15f: {  	_ =	swait.ge [sflag:s4], $0xB000  }
0x160: {  	[sflag:s4] =	ssyncset.done $0x0  }
0x161: {  	[sflag:s4] =	ssyncadd.s32 $0xFFFF5000  }
0x162: {  	_ =	sfence.sel $0x180000  }
0x163: {  	[bflag:$0x0] =	sbarrier.arrive $0xFFFF  }
0x164: {  	_ =	strace $0x90000047  }
0x165: {  	s31 =	stileid.u32;
	[bflag:$0x2] =	sbarrier.arrive $0xFFFF  }
0x166: {  	p0 =	sne.s32 s31, $0x0;
	s0 =	rddreg [dreg:$0x2]  }
0x167: {  	s0 =	sadd.s32 @!p0 $0x100000, s0  }
0x168: {  	[sflag:s0] =	ssyncadd.tile.s32 @!p0 $0x1;
	_ =	shalt  }
.Lfunc_end2:
_tile_overlayer_lowered:
.L_overlay_start_2:
0x169: {  	(tag) =	ssettag $0x2  }
0x16a: {  	s0 =	rddreg [dreg:$0x0];
	s2 =	stileid.u32  }
0x16b: {  	s1 =	rddreg [dreg:$0x1];
	p0 =	sne.s32 s2, $0x0  }
0x16c: {  	s3 =	rddreg [dreg:$0x2];
	[bflag:$0x3] =	sbarrier.arrive $0xFFFF;
	s2 =	simm.s32 @!p0 $0x1C03  }
0x16d: {  	[timem:s3], [sflag:s2] =	dma.local @!p0 [hbm:s0], s1  }
0x16e: {  	s0 =	simm.s32 @!p0 $0x3  }
0x16f: {  	_ =	swait.ge @!p0 [sflag:s0], s1  }
0x170: {  	s1 =	ssub.s32 @!p0 $0x0, s1;
	[sflag:s0] =	ssyncset.done @!p0 $0x0  }
0x171: {  	[sflag:s0] =	ssyncadd.s32 @!p0 s1  }
0x172: {  	[bflag:$0x3] =	sbarrier.arrive $0xFFFF  }
0x173: {  	_ =	shalt  }

</sc_bundles>
